<compile_context>
chip_gen: v7x
topology: tpu7x:2x2x1
jax: 0.10.2.dev20260603
libtpu: 0.0.44.dev20260713+nightly
codegen_flags: <defaults>
</compile_context>

<pallas_src>
import functools

import jax
import jax.numpy as jnp
from jax import lax
from jax.experimental import pallas as pl
from jax.experimental.pallas import tpu as pltpu
from jax.experimental.pallas import tpu_sc as plsc

_EPS = 1e-5
_CH = 128
_NW = 32
_D = 64
_W = 128


def _relayout_pair(tview, vch, nch):
    F, D, V = tview.shape
    hch = vch // 2

    def body(in_ref, out_ref):
        xt = in_ref[0].T
        out_ref[0, :, 0:D] = xt[0:hch, :]
        out_ref[0, :, D:2 * D] = xt[hch:vch, :]

    out = pl.pallas_call(
        body,
        grid=(F, nch),
        in_specs=[pl.BlockSpec((1, D, vch), lambda f, c: (f, 0, c))],
        out_specs=pl.BlockSpec((1, hch, _W), lambda f, c: (f * nch + c, 0, 0)),
        out_shape=jax.ShapeDtypeStruct((F * nch, hch, _W), jnp.float32),
    )(tview)
    return out.reshape(F * nch * vch, _D)


def _remap_ids(ids, V, vch, nch):
    f = ids // V
    vl = ids - f * V
    c = vl // vch
    local = vl - c * vch
    hch = vch // 2
    return ((f * nch + c) * vch
            + jnp.where(local < hch, 2 * local, 2 * (local - hch) + 1))


def _sc_gather_item(table, ids, n_hist, n_pn):
    nch_h = n_hist // _CH
    nch_all = (n_hist + n_pn) // _CH
    iters = -(-nch_all // _NW)
    mesh = plsc.VectorSubcoreMesh(core_axis_name="c", subcore_axis_name="s")

    @functools.partial(
        pl.kernel,
        out_type=(jax.ShapeDtypeStruct((n_hist, _D), jnp.float32),
                  jax.ShapeDtypeStruct((n_pn, _D), jnp.float32)),
        mesh=mesh,
        scratch_types=[
            pltpu.VMEM((_CH,), jnp.int32),
            pltpu.VMEM((_CH, _D), jnp.float32),
            pltpu.SemaphoreType.DMA,
        ],
        compiler_params=pltpu.CompilerParams(use_tc_tiling_on_sc=False),
    )
    def gather(tbl, ids_hbm, out_h, out_pn, idx_v, rows_v, sem):
        wid = lax.axis_index("s") * 2 + lax.axis_index("c")

        def body(i, carry):
            c = wid + _NW * i

            @pl.when(c < nch_all)
            def _():
                pltpu.sync_copy(ids_hbm.at[pl.ds(c * _CH, _CH)], idx_v)
                pltpu.async_copy(tbl.at[idx_v], rows_v, sem).wait()

                @pl.when(c < nch_h)
                def _():
                    pltpu.sync_copy(rows_v, out_h.at[pl.ds(c * _CH, _CH)])

                @pl.when(c >= nch_h)
                def _():
                    pltpu.sync_copy(
                        rows_v, out_pn.at[pl.ds((c - nch_h) * _CH, _CH)])

            return carry

        lax.fori_loop(0, iters, body, 0)

    return gather(table, ids)


def _sc_gather(table, ids, n_out):
    nchunks = n_out // _CH
    iters = -(-nchunks // _NW)
    mesh = plsc.VectorSubcoreMesh(core_axis_name="c", subcore_axis_name="s")

    @functools.partial(
        pl.kernel,
        out_type=jax.ShapeDtypeStruct((n_out, _D), jnp.float32),
        mesh=mesh,
        scratch_types=[
            pltpu.VMEM((_CH,), jnp.int32),
            pltpu.VMEM((_CH, _D), jnp.float32),
            pltpu.SemaphoreType.DMA,
        ],
        compiler_params=pltpu.CompilerParams(use_tc_tiling_on_sc=False),
    )
    def gather(tbl, ids_hbm, out, idx_v, rows_v, sem):
        wid = lax.axis_index("s") * 2 + lax.axis_index("c")

        def body(i, carry):
            c = wid + _NW * i

            @pl.when(c < nchunks)
            def _():
                base = c * _CH
                pltpu.sync_copy(ids_hbm.at[pl.ds(base, _CH)], idx_v)
                pltpu.async_copy(tbl.at[idx_v], rows_v, sem).wait()
                pltpu.sync_copy(rows_v, out.at[pl.ds(base, _CH)])

            return carry

        lax.fori_loop(0, iters, body, 0)

    return gather(table, ids)


def _halfmask(shape):
    return lax.broadcasted_iota(jnp.int32, shape, len(shape) - 1) < _D


def _l2n_pair(x):
    m = _halfmask(x.shape)
    xe = jnp.where(m, x, 0.0)
    xo = jnp.where(m, 0.0, x)
    ne = jnp.sqrt(jnp.sum(xe * xe, axis=1, keepdims=True))
    no = jnp.sqrt(jnp.sum(xo * xo, axis=1, keepdims=True))
    rcp = jnp.where(m, 1.0 / jnp.maximum(ne, 1e-12),
                    1.0 / jnp.maximum(no, 1e-12))
    return x * rcp


def _att_body(hist_ref, pn_ref,
              wa1_ref, ba1_ref, ga1_ref, bea1_ref, ala1_ref,
              wa2_ref, ba2_ref,
              att_ref,
              tgt_scr, t13e_scr, t13o_scr,
              w23a_scr, w23b_scr, w4a_scr, w4b_scr,
              he_scr, ho_scr, stat_scr, bnc_scr):
    p = pl.program_id(0)
    l = pl.program_id(1)
    L2, R, W = hist_ref.shape
    B2 = pn_ref.shape[1]
    NG = R // B2
    cnt = float(2 * R * L2)

    @pl.when((p == 0) & (l == 0))
    def _init():
        tgtp = _l2n_pair(pn_ref[0])
        for gi in range(NG):
            tgt_scr[gi * B2:(gi + 1) * B2, :] = tgtp
        z = jnp.zeros((_D, wa1_ref.shape[1]), jnp.float32)
        w13 = wa1_ref[0:_D, :] + wa1_ref[2 * _D:3 * _D, :]
        w23 = wa1_ref[_D:2 * _D, :] - wa1_ref[2 * _D:3 * _D, :]
        w4 = wa1_ref[3 * _D:4 * _D, :]
        w23a_scr[...] = jnp.concatenate([w23, z], axis=0)
        w23b_scr[...] = jnp.concatenate([z, w23], axis=0)
        w4a_scr[...] = jnp.concatenate([w4, z], axis=0)
        w4b_scr[...] = jnp.concatenate([z, w4], axis=0)
        w13a = jnp.concatenate([w13, z], axis=0)
        w13b = jnp.concatenate([z, w13], axis=0)
        te = (jnp.dot(tgtp, w13a, preferred_element_type=jnp.float32)
              + ba1_ref[...])
        to = (jnp.dot(tgtp, w13b, preferred_element_type=jnp.float32)
              + ba1_ref[...])
        for gi in range(NG):
            t13e_scr[gi * B2:(gi + 1) * B2, :] = te
            t13o_scr[gi * B2:(gi + 1) * B2, :] = to
        stat_scr[...] = jnp.zeros_like(stat_scr)

    @pl.when(p == 0)
    def _phase0():
        hl = hist_ref[l]
        thl = tgt_scr[...] * hl
        he = (jnp.dot(hl, w23a_scr[...], preferred_element_type=jnp.float32)
              + jnp.dot(thl, w4a_scr[...],
                        preferred_element_type=jnp.float32)
              + t13e_scr[...])
        ho = (jnp.dot(hl, w23b_scr[...], preferred_element_type=jnp.float32)
              + jnp.dot(thl, w4b_scr[...],
                        preferred_element_type=jnp.float32)
              + t13o_scr[...])
        he_scr[l] = he
        ho_scr[l] = ho
        stat_scr[0:1, :] += (jnp.sum(he, axis=0, keepdims=True)
                             + jnp.sum(ho, axis=0, keepdims=True))
        stat_scr[1:2, :] += (jnp.sum(he * he, axis=0, keepdims=True)
                             + jnp.sum(ho * ho, axis=0, keepdims=True))

    @pl.when((p == 1) & (l == 0))
    def _stats():
        m = stat_scr[0:1, :] / cnt
        ex2 = stat_scr[1:2, :] / cnt
        v = ex2 - m * m
        rs = lax.rsqrt(v + _EPS)
        g = ga1_ref[...]
        v2 = g * g * v * (rs * rs)
        s2 = lax.rsqrt(v2 + _EPS)
        bnc_scr[0:1, :] = m
        bnc_scr[1:2, :] = rs
        bnc_scr[2:3, :] = g * s2
        att_ref[...] = jnp.zeros_like(att_ref)

    def _dice_w(h):
        xn = (h - bnc_scr[0:1, :]) * bnc_scr[1:2, :]
        bn = ga1_ref[...] * xn + bea1_ref[...]
        pgate = jax.nn.sigmoid(bnc_scr[2:3, :] * xn)
        al = ala1_ref[...]
        dice = bn * (al + pgate * (1.0 - al))
        return (jnp.sum(dice * wa2_ref[...], axis=1, keepdims=True)
                + ba2_ref[0, 0])

    @pl.when(p == 1)
    def _phase1():
        wle = _dice_w(he_scr[l])
        wlo = _dice_w(ho_scr[l])
        hl = hist_ref[l]
        v = jnp.where(_halfmask(hl.shape), wle, wlo) * hl
        acc = v[0:B2, :]
        for gi in range(1, NG):
            acc = acc + v[gi * B2:(gi + 1) * B2, :]
        att_ref[...] += acc


def _attention(hist3, pn3, wa1, ba1, ga1, bea1, ala1, wa2, ba2):
    L2, R, W = hist3.shape
    B2 = pn3.shape[1]
    NA = wa1.shape[1]
    full = lambda a: pl.BlockSpec(a.shape, lambda p, l: (0,) * a.ndim)
    args = (hist3, pn3, wa1, ba1, ga1, bea1, ala1, wa2, ba2)
    return pl.pallas_call(
        _att_body,
        grid=(2, L2),
        in_specs=[full(a) for a in args],
        out_specs=pl.BlockSpec((B2, W), lambda p, l: (0, 0)),
        out_shape=jax.ShapeDtypeStruct((B2, W), jnp.float32),
        scratch_shapes=[
            pltpu.VMEM((R, W), jnp.float32),
            pltpu.VMEM((R, NA), jnp.float32),
            pltpu.VMEM((R, NA), jnp.float32),
            pltpu.VMEM((W, NA), jnp.float32),
            pltpu.VMEM((W, NA), jnp.float32),
            pltpu.VMEM((W, NA), jnp.float32),
            pltpu.VMEM((W, NA), jnp.float32),
            pltpu.VMEM((L2, R, NA), jnp.float32),
            pltpu.VMEM((L2, R, NA), jnp.float32),
            pltpu.VMEM((2, NA), jnp.float32),
            pltpu.VMEM((3, NA), jnp.float32),
        ],
        compiler_params=pltpu.CompilerParams(
            vmem_limit_bytes=63 * 1024 * 1024),
    )(*args)


def _bn_dice_pair(xe, xo, g, be, al):
    cnt = float(2 * xe.shape[0])
    m = (jnp.sum(xe, axis=0, keepdims=True)
         + jnp.sum(xo, axis=0, keepdims=True)) / cnt
    xce = xe - m
    xco = xo - m
    v = (jnp.sum(xce * xce, axis=0, keepdims=True)
         + jnp.sum(xco * xco, axis=0, keepdims=True)) / cnt
    rs = lax.rsqrt(v + _EPS)
    v2 = g * g * v * (rs * rs)
    s2 = lax.rsqrt(v2 + _EPS)
    gs2 = g * s2

    def dice(xc):
        xn = xc * rs
        bn = g * xn + be
        pgate = jax.nn.sigmoid(gs2 * xn)
        return bn * (al + pgate * (1.0 - al))

    return dice(xce), dice(xco)


def _tower_body(sp_ref, pn_ref, att_ref, psum_ref,
                wu1a_ref, wu1b_ref, bu1_ref, gu1_ref, beu1_ref, alu1_ref,
                wu2e_ref, wu2o_ref, bu2_ref, gu2_ref, beu2_ref, alu2_ref,
                y_ref):
    NS = sp_ref.shape[0]
    NNEG = pn_ref.shape[0] - 1
    B2 = att_ref.shape[0]
    NH = wu1a_ref.shape[2] // 2
    u = (jnp.dot(att_ref[...], wu1b_ref[...],
                 preferred_element_type=jnp.float32) + bu1_ref[...])
    for f in range(NS):
        u += jnp.dot(sp_ref[f], wu1a_ref[f],
                     preferred_element_type=jnp.float32)
    ue = u[:, 0:NH]
    uo = u[:, NH:2 * NH]
    de, do = _bn_dice_pair(ue, uo, gu1_ref[...], beu1_ref[...],
                           alu1_ref[...])
    u2 = (jnp.dot(de, wu2e_ref[...], preferred_element_type=jnp.float32)
          + jnp.dot(do, wu2o_ref[...], preferred_element_type=jnp.float32)
          + bu2_ref[...])
    cnt = float(2 * B2)
    m = jnp.dot(jnp.sum(u2, axis=0, keepdims=True), psum_ref[...],
                preferred_element_type=jnp.float32) / cnt
    xc = u2 - m
    v = jnp.dot(jnp.sum(xc * xc, axis=0, keepdims=True), psum_ref[...],
                preferred_element_type=jnp.float32) / cnt
    rs = lax.rsqrt(v + _EPS)
    g = gu2_ref[...]
    v2 = g * g * v * (rs * rs)
    s2 = lax.rsqrt(v2 + _EPS)
    xn = xc * rs
    bn = g * xn + beu2_ref[...]
    pgate = jax.nn.sigmoid(g * s2 * xn)
    al = alu2_ref[...]
    dice2 = bn * (al + pgate * (1.0 - al))
    user = _l2n_pair(dice2)
    hm = _halfmask(user.shape)
    for q in range(1 + NNEG):
        nen = _l2n_pair(pn_ref[q])
        prod = user * nen
        ye = jnp.sum(jnp.where(hm, prod, 0.0), axis=1, keepdims=True)
        yo = jnp.sum(jnp.where(hm, 0.0, prod), axis=1, keepdims=True)
        y_ref[:, q:q + 1] = ye
        y_ref[:, 1 + NNEG + q:2 + NNEG + q] = yo


def _tower(sp3, pn3, att, psum, wu1a, wu1b, bu1, gu1, beu1, alu1,
           wu2e, wu2o, bu2, gu2, beu2, alu2):
    B2 = att.shape[0]
    NNEG = pn3.shape[0] - 1
    full = lambda a: pl.BlockSpec(a.shape, lambda: (0,) * a.ndim)
    args = (sp3, pn3, att, psum, wu1a, wu1b, bu1, gu1, beu1, alu1,
            wu2e, wu2o, bu2, gu2, beu2, alu2)
    return pl.pallas_call(
        _tower_body,
        in_specs=[full(a) for a in args],
        out_specs=pl.BlockSpec((B2, 2 * (1 + NNEG)), lambda: (0, 0)),
        out_shape=jax.ShapeDtypeStruct((B2, 2 * (1 + NNEG)), jnp.float32),
        compiler_params=pltpu.CompilerParams(
            vmem_limit_bytes=63 * 1024 * 1024),
    )(*args)


def kernel(sparse_ids, hist_ids, pos_ids, neg_ids, table_sparse, table_item,
           W_a1, b_a1, g_a1, be_a1, al_a1, W_a2, b_a2,
           W_u1, b_u1, g_u1, be_u1, al_u1,
           W_u2, b_u2, g_u2, be_u2, al_u2):
    B, NS = sparse_ids.shape
    L = hist_ids.shape[1]
    NNEG = neg_ids.shape[1]
    VS = table_sparse.shape[1]
    D = table_item.shape[1]
    B2 = B // 2

    ti_pair = _relayout_pair(table_item.T[None], 6400, 16)
    ts_view = jnp.transpose(table_sparse, (0, 2, 1))
    ts_view = lax.optimization_barrier((ts_view, ti_pair))[0]
    ts_pair = _relayout_pair(ts_view, VS, 1)

    ids_item = _remap_ids(jnp.concatenate([
        hist_ids.astype(jnp.int32).T.reshape(-1),
        pos_ids.astype(jnp.int32).reshape(-1),
        neg_ids.astype(jnp.int32).T.reshape(-1),
    ]), table_item.shape[0], 6400, 16)
    ids_sp = _remap_ids(
        (sparse_ids.astype(jnp.int32).T
         + (jnp.arange(NS, dtype=jnp.int32) * VS)[:, None]).reshape(-1),
        VS, VS, 1)

    out_hist, out_pn = _sc_gather_item(ti_pair, ids_item, B * L,
                                       B * (1 + NNEG))
    out_sp = _sc_gather(ts_pair, ids_sp, B * NS)
    hist3 = out_hist.reshape(L // 10, 10 * B2, _W)
    pn3 = out_pn.reshape(1 + NNEG, B2, _W)
    sp3 = out_sp.reshape(NS, B2, _W)

    NH = W_u1.shape[1]
    wu1a3 = W_u1[:NS * D].reshape(NS, D, NH)
    wu1a = (jnp.pad(wu1a3, ((0, 0), (0, D), (0, NH)))
            + jnp.pad(wu1a3, ((0, 0), (D, 0), (NH, 0))))
    wu1b = (jnp.pad(W_u1[NS * D:], ((0, D), (0, NH)))
            + jnp.pad(W_u1[NS * D:], ((D, 0), (NH, 0))))
    wu2e = jnp.pad(W_u2, ((0, 0), (0, D)))
    wu2o = jnp.pad(W_u2, ((0, 0), (D, 0)))
    psum = jnp.tile(jnp.eye(D, dtype=jnp.float32), (2, 2))
    row = lambda a: a.reshape(1, -1)
    pair = lambda a: jnp.tile(a, 2).reshape(1, -1)

    att = _attention(hist3, pn3, W_a1, row(b_a1), row(g_a1), row(be_a1),
                     row(al_a1), W_a2.reshape(1, -1), b_a2.reshape(1, 1))
    ypair = _tower(sp3, pn3, att, psum, wu1a, wu1b,
                   pair(b_u1), row(g_u1), row(be_u1), row(al_u1),
                   wu2e, wu2o, pair(b_u2), pair(g_u2), pair(be_u2),
                   pair(al_u2))
    return ypair.reshape(B, 1 + NNEG)

# --- scband reference (transcript-rebuilt; emitter-appended) ---
"""Pipeline reference for scband-ydnna-32409823216012 (READ-ONLY COPY).

The authoritative reference and input builder live on the scoring server;
editing this copy changes nothing except your own understanding.
"""

import jax, jax.numpy as jnp
import numpy as np

B = 1024
D = 64
NS = 26
VS = 10000
L = 50
VI = 100000
NNEG = 10


def _l2norm(x, axis):
    n = jnp.linalg.norm(x, axis=axis, keepdims=True)
    return x / jnp.maximum(n, 1e-12)


def _bn(x, g, b, eps=1e-5):
    m = jnp.mean(x, axis=0, keepdims=True)
    v = jnp.var(x, axis=0, keepdims=True)
    return g * (x - m) / jnp.sqrt(v + eps) + b


def _dice(x, alpha, eps=1e-5):
    m = jnp.mean(x, axis=0, keepdims=True)
    v = jnp.var(x, axis=0, keepdims=True)
    p = jax.nn.sigmoid((x - m) / jnp.sqrt(v + eps))
    return p * x + (1.0 - p) * alpha * x


def setup_inputs(seed: int = 0):
    key = jax.random.key(seed)
    ks = jax.random.split(key, 12)
    inp = {}
    inp['sparse_ids'] = jax.random.randint(ks[0], (B, NS), 0, VS)
    inp['hist_ids'] = jax.random.randint(ks[1], (B, L), 0, VI)
    inp['pos_ids'] = jax.random.randint(ks[2], (B, 1), 0, VI)
    inp['neg_ids'] = jax.random.randint(ks[3], (B, NNEG), 0, VI)
    inp['table_sparse'] = jax.random.normal(ks[4], (NS, VS, D)) * 0.02
    inp['table_item'] = jax.random.normal(ks[5], (VI, D)) * 0.02
    inp['W_a1'] = jax.random.normal(ks[6], (4 * D, 36)) * (1.0 / np.sqrt(4 * D))
    inp['b_a1'] = jnp.zeros((36,))
    inp['g_a1'] = jnp.ones((36,))
    inp['be_a1'] = jnp.zeros((36,))
    inp['al_a1'] = jnp.zeros((36,))
    inp['W_a2'] = jax.random.normal(ks[7], (36, 1)) * (1.0 / 6.0)
    inp['b_a2'] = jnp.zeros((1,))
    din = NS * D + D
    inp['W_u1'] = jax.random.normal(ks[8], (din, 256)) * (1.0 / np.sqrt(din))
    inp['b_u1'] = jnp.zeros((256,))
    inp['g_u1'] = jnp.ones((256,))
    inp['be_u1'] = jnp.zeros((256,))
    inp['al_u1'] = jnp.zeros((256,))
    inp['W_u2'] = jax.random.normal(ks[9], (256, D)) * (1.0 / 16.0)
    inp['b_u2'] = jnp.zeros((D,))
    inp['g_u2'] = jnp.ones((D,))
    inp['be_u2'] = jnp.zeros((D,))
    inp['al_u2'] = jnp.zeros((D,))
    return inp


def reference(sparse_ids, hist_ids, pos_ids, neg_ids, table_sparse, table_item,
              W_a1, b_a1, g_a1, be_a1, al_a1, W_a2, b_a2,
              W_u1, b_u1, g_u1, be_u1, al_u1,
              W_u2, b_u2, g_u2, be_u2, al_u2):
    temperature = 1.0
    # embedding lookups (SparseCore-style gathers)
    sparse_emb = table_sparse[jnp.arange(NS)[None, :], sparse_ids]  # [B, NS, D]
    hist_emb = table_item[hist_ids]                                 # [B, L, D]
    pos_emb = table_item[pos_ids]                                   # [B, 1, D]
    pos_emb_n = _l2norm(pos_emb, axis=2)
    target = pos_emb_n[:, 0, :]
    # ActivationUnit (DIN target attention)
    tgt = jnp.broadcast_to(target[:, None, :], (B, L, D))
    att_in = jnp.concatenate([tgt, hist_emb, tgt - hist_emb, tgt * hist_emb], axis=-1).reshape(B * L, 4 * D)
    h = att_in @ W_a1 + b_a1
    h = _bn(h, g_a1, be_a1)
    h = _dice(h, al_a1)
    w = (h @ W_a2 + b_a2).reshape(B, L)
    att_out = jnp.sum(w[:, :, None] * hist_emb, axis=1)             # [B, D]
    # user tower MLP (output_layer=False)
    input_user = jnp.concatenate([sparse_emb.reshape(B, -1), att_out], axis=1)
    u = input_user @ W_u1 + b_u1
    u = _bn(u, g_u1, be_u1)
    u = _dice(u, al_u1)
    u = u @ W_u2 + b_u2
    u = _bn(u, g_u2, be_u2)
    u = _dice(u, al_u2)
    user_emb = _l2norm(u[:, None, :], axis=2)                       # [B, 1, D]
    # item tower
    pos_item = jnp.mean(pos_emb_n, axis=1)[:, None, :]              # [B, 1, D]
    neg_emb = _l2norm(table_item[neg_ids], axis=2)                  # [B, NNEG, D]
    item_emb = jnp.concatenate([pos_item, neg_emb], axis=1)         # [B, 1+NNEG, D]
    y = jnp.sum(user_emb * item_emb, axis=2) / temperature          # [B, 1+NNEG]
    return y

if __name__ == "__main__":
    import jax
    _d = setup_inputs()
    print(jax.jit(kernel)(*tuple(_d.values())))

</pallas_src>

<mosaic_0001>
#map = affine_map<(d0, d1) -> (0, 0)>
#map1 = affine_map<(d0, d1) -> (0)>
module attributes {stable_mosaic.version = 14 : i64} {
  func.func @gather(%arg0: i32, %arg1: i32, %arg2: memref<260000x64xf32, #tpu.memory_space<hbm>>, %arg3: memref<26624xi32, #tpu.memory_space<hbm>>, %arg4: memref<26624x64xf32, #tpu.memory_space<hbm>>, %arg5: memref<128xi32, #tpu.memory_space<vmem>>, %arg6: memref<128x64xf32, #tpu.memory_space<vmem>>, %arg7: memref<!tpu.dma_semaphore, #tpu.memory_space<semaphore_mem>>) attributes {dimension_semantics = [#tpu.dimension_semantics<core_parallel>, #tpu.dimension_semantics<subcore_parallel>], iteration_bounds = array<i64: 2, 16>, scalar_prefetch = 0 : i64, scratch_operands = 3 : i64, tpu.core_type = #tpu.core_type<sc_vector_subcore>, window_params = [{transform_indices = #map}, {transform_indices = #map1}, {transform_indices = #map}]} {
    %mul3A = arith.constant 2 : i32
    %mul3A_0 = arith.muli %arg1, %mul3A : i32
    %add3A = arith.addi %mul3A_0, %arg0 : i32
    %scan3A = arith.constant 0 : i32
    %scan3A_1 = arith.constant 0 : i32
    %scan3A_2 = arith.constant 7 : i32
    %scan3A_3 = arith.addi %scan3A_1, %scan3A_2 : i32
    %scan3A_4 = arith.constant 1 : i32
    scf.for %scan3A_6 = %scan3A_1 to %scan3A_3 step %scan3A_4  : i32 {
      %mul3A_7 = arith.constant 32 : i32
      %mul3A_8 = arith.muli %mul3A_7, %scan3A_6 : i32
      %add3A_9 = arith.addi %add3A, %mul3A_8 : i32
      %lt3A = arith.constant 208 : i32
      %lt3A_10 = arith.cmpi slt, %add3A_9, %lt3A : i32
      %convert_element_type3A = arith.extui %lt3A_10 : i1 to i32
      %cond3A = arith.constant 0 : i32
      %cond3A_11 = arith.cmpi ne, %convert_element_type3A, %cond3A : i32
      scf.if %cond3A_11 {
        %mul3A_12 = arith.constant 128 : i32
        %mul3A_13 = arith.muli %add3A_9, %mul3A_12 : i32
        "tpu.region"() ({
          %run_scoped3A = tpu.sem_alloc : memref<!tpu.dma_semaphore, #tpu.memory_space<semaphore_mem>>
          %dma_start3A_18 = tpu.memref_slice %arg3[%mul3A_13] : memref<26624xi32, #tpu.memory_space<hbm>> -> memref<128xi32, #tpu.memory_space<hbm>>
          %dma_start3A_19 = tpu.memref_slice %arg3[%mul3A_13] : memref<26624xi32, #tpu.memory_space<hbm>> -> memref<128xi32, #tpu.memory_space<hbm>>
          tpu.enqueue_dma source(%dma_start3A_19 : memref<128xi32, #tpu.memory_space<hbm>>) target(%arg5 : memref<128xi32, #tpu.memory_space<vmem>>) target_semaphore(%run_scoped3A : memref<!tpu.dma_semaphore, #tpu.memory_space<semaphore_mem>>)
          %dma_wait3A_20 = tpu.memref_slice %arg3[%mul3A_13] : memref<26624xi32, #tpu.memory_space<hbm>> -> memref<128xi32, #tpu.memory_space<hbm>>
          %dma_wait3A_21 = tpu.memref_slice %arg3[%mul3A_13] : memref<26624xi32, #tpu.memory_space<hbm>> -> memref<128xi32, #tpu.memory_space<hbm>>
          tpu.wait_dma2 semaphore(%run_scoped3A : memref<!tpu.dma_semaphore, #tpu.memory_space<semaphore_mem>>) src(%dma_wait3A_21 : memref<128xi32, #tpu.memory_space<hbm>>) dst(%arg5 : memref<128xi32, #tpu.memory_space<vmem>>)
          tpu.yield
        }) : () -> ()
        %dma_start3A = arith.constant 0 : i32
        %dma_start3A_14 = arith.constant 0 : i32
        %dma_start3A_15 = tpu.memref_slice %arg2[%dma_start3A, %dma_start3A_14] : memref<260000x64xf32, #tpu.memory_space<hbm>> -> memref<260000x64xf32, #tpu.memory_space<hbm>>
        tpu.enqueue_indirect_dma source(%dma_start3A_15 : memref<260000x64xf32, #tpu.memory_space<hbm>>) target(%arg6 : memref<128x64xf32, #tpu.memory_space<vmem>>) offsets(%arg5 : memref<128xi32, #tpu.memory_space<vmem>>) semaphore(%arg7 : memref<!tpu.dma_semaphore, #tpu.memory_space<semaphore_mem>>)
        %dma_wait3A = arith.constant 0 : i32
        %dma_wait3A_16 = arith.constant 0 : i32
        %dma_wait3A_17 = tpu.memref_slice %arg2[%dma_wait3A, %dma_wait3A_16] : memref<260000x64xf32, #tpu.memory_space<hbm>> -> memref<260000x64xf32, #tpu.memory_space<hbm>>
        tpu.wait_indirect_dma semaphore(%arg7 : memref<!tpu.dma_semaphore, #tpu.memory_space<semaphore_mem>>) src(%dma_wait3A_17 : memref<260000x64xf32, #tpu.memory_space<hbm>>) dst(%arg6 : memref<128x64xf32, #tpu.memory_space<vmem>>)
        "tpu.region"() ({
          %run_scoped3A = tpu.sem_alloc : memref<!tpu.dma_semaphore, #tpu.memory_space<semaphore_mem>>
          %dma_start3A_18 = arith.constant 0 : i32
          %dma_start3A_19 = tpu.memref_slice %arg4[%mul3A_13, %dma_start3A_18] : memref<26624x64xf32, #tpu.memory_space<hbm>> -> memref<128x64xf32, #tpu.memory_space<hbm>>
          %dma_start3A_20 = arith.constant 0 : i32
          %dma_start3A_21 = tpu.memref_slice %arg4[%mul3A_13, %dma_start3A_20] : memref<26624x64xf32, #tpu.memory_space<hbm>> -> memref<128x64xf32, #tpu.memory_space<hbm>>
          tpu.enqueue_dma source(%arg6 : memref<128x64xf32, #tpu.memory_space<vmem>>) target(%dma_start3A_21 : memref<128x64xf32, #tpu.memory_space<hbm>>) target_semaphore(%run_scoped3A : memref<!tpu.dma_semaphore, #tpu.memory_space<semaphore_mem>>)
          %dma_wait3A_22 = arith.constant 0 : i32
          %dma_wait3A_23 = tpu.memref_slice %arg4[%mul3A_13, %dma_wait3A_22] : memref<26624x64xf32, #tpu.memory_space<hbm>> -> memref<128x64xf32, #tpu.memory_space<hbm>>
          %dma_wait3A_24 = arith.constant 0 : i32
          %dma_wait3A_25 = tpu.memref_slice %arg4[%mul3A_13, %dma_wait3A_24] : memref<26624x64xf32, #tpu.memory_space<hbm>> -> memref<128x64xf32, #tpu.memory_space<hbm>>
          tpu.wait_dma2 semaphore(%run_scoped3A : memref<!tpu.dma_semaphore, #tpu.memory_space<semaphore_mem>>) src(%arg6 : memref<128x64xf32, #tpu.memory_space<vmem>>) dst(%dma_wait3A_25 : memref<128x64xf32, #tpu.memory_space<hbm>>)
          tpu.yield
        }) : () -> ()
      } else {
      }
    }
    %scan3A_5 = arith.constant 7 : i32
    return
  }
}

#map = affine_map<(d0, d1) -> (0, 0)>
#map1 = affine_map<(d0, d1) -> (0)>
module attributes {stable_mosaic.version = 14 : i64} {
  func.func @gather(%arg0: i32, %arg1: i32, %arg2: memref<102400x64xf32, #tpu.memory_space<hbm>>, %arg3: memref<62464xi32, #tpu.memory_space<hbm>>, %arg4: memref<51200x64xf32, #tpu.memory_space<hbm>>, %arg5: memref<11264x64xf32, #tpu.memory_space<hbm>>, %arg6: memref<128xi32, #tpu.memory_space<vmem>>, %arg7: memref<128x64xf32, #tpu.memory_space<vmem>>, %arg8: memref<!tpu.dma_semaphore, #tpu.memory_space<semaphore_mem>>) attributes {dimension_semantics = [#tpu.dimension_semantics<core_parallel>, #tpu.dimension_semantics<subcore_parallel>], iteration_bounds = array<i64: 2, 16>, scalar_prefetch = 0 : i64, scratch_operands = 3 : i64, tpu.core_type = #tpu.core_type<sc_vector_subcore>, window_params = [{transform_indices = #map}, {transform_indices = #map1}, {transform_indices = #map}, {transform_indices = #map}]} {
    %mul3A = arith.constant 2 : i32
    %mul3A_0 = arith.muli %arg1, %mul3A : i32
    %add3A = arith.addi %mul3A_0, %arg0 : i32
    %scan3A = arith.constant 0 : i32
    %scan3A_1 = arith.constant 0 : i32
    %scan3A_2 = arith.constant 16 : i32
    %scan3A_3 = arith.addi %scan3A_1, %scan3A_2 : i32
    %scan3A_4 = arith.constant 1 : i32
    scf.for %scan3A_6 = %scan3A_1 to %scan3A_3 step %scan3A_4  : i32 {
      %mul3A_7 = arith.constant 32 : i32
      %mul3A_8 = arith.muli %mul3A_7, %scan3A_6 : i32
      %add3A_9 = arith.addi %add3A, %mul3A_8 : i32
      %lt3A = arith.constant 488 : i32
      %lt3A_10 = arith.cmpi slt, %add3A_9, %lt3A : i32
      %convert_element_type3A = arith.extui %lt3A_10 : i1 to i32
      %cond3A = arith.constant 0 : i32
      %cond3A_11 = arith.cmpi ne, %convert_element_type3A, %cond3A : i32
      scf.if %cond3A_11 {
        %mul3A_12 = arith.constant 128 : i32
        %mul3A_13 = arith.muli %add3A_9, %mul3A_12 : i32
        "tpu.region"() ({
          %run_scoped3A = tpu.sem_alloc : memref<!tpu.dma_semaphore, #tpu.memory_space<semaphore_mem>>
          %dma_start3A_27 = tpu.memref_slice %arg3[%mul3A_13] : memref<62464xi32, #tpu.memory_space<hbm>> -> memref<128xi32, #tpu.memory_space<hbm>>
          %dma_start3A_28 = tpu.memref_slice %arg3[%mul3A_13] : memref<62464xi32, #tpu.memory_space<hbm>> -> memref<128xi32, #tpu.memory_space<hbm>>
          tpu.enqueue_dma source(%dma_start3A_28 : memref<128xi32, #tpu.memory_space<hbm>>) target(%arg6 : memref<128xi32, #tpu.memory_space<vmem>>) target_semaphore(%run_scoped3A : memref<!tpu.dma_semaphore, #tpu.memory_space<semaphore_mem>>)
          %dma_wait3A_29 = tpu.memref_slice %arg3[%mul3A_13] : memref<62464xi32, #tpu.memory_space<hbm>> -> memref<128xi32, #tpu.memory_space<hbm>>
          %dma_wait3A_30 = tpu.memref_slice %arg3[%mul3A_13] : memref<62464xi32, #tpu.memory_space<hbm>> -> memref<128xi32, #tpu.memory_space<hbm>>
          tpu.wait_dma2 semaphore(%run_scoped3A : memref<!tpu.dma_semaphore, #tpu.memory_space<semaphore_mem>>) src(%dma_wait3A_30 : memref<128xi32, #tpu.memory_space<hbm>>) dst(%arg6 : memref<128xi32, #tpu.memory_space<vmem>>)
          tpu.yield
        }) : () -> ()
        %dma_start3A = arith.constant 0 : i32
        %dma_start3A_14 = arith.constant 0 : i32
        %dma_start3A_15 = tpu.memref_slice %arg2[%dma_start3A, %dma_start3A_14] : memref<102400x64xf32, #tpu.memory_space<hbm>> -> memref<102400x64xf32, #tpu.memory_space<hbm>>
        tpu.enqueue_indirect_dma source(%dma_start3A_15 : memref<102400x64xf32, #tpu.memory_space<hbm>>) target(%arg7 : memref<128x64xf32, #tpu.memory_space<vmem>>) offsets(%arg6 : memref<128xi32, #tpu.memory_space<vmem>>) semaphore(%arg8 : memref<!tpu.dma_semaphore, #tpu.memory_space<semaphore_mem>>)
        %dma_wait3A = arith.constant 0 : i32
        %dma_wait3A_16 = arith.constant 0 : i32
        %dma_wait3A_17 = tpu.memref_slice %arg2[%dma_wait3A, %dma_wait3A_16] : memref<102400x64xf32, #tpu.memory_space<hbm>> -> memref<102400x64xf32, #tpu.memory_space<hbm>>
        tpu.wait_indirect_dma semaphore(%arg8 : memref<!tpu.dma_semaphore, #tpu.memory_space<semaphore_mem>>) src(%dma_wait3A_17 : memref<102400x64xf32, #tpu.memory_space<hbm>>) dst(%arg7 : memref<128x64xf32, #tpu.memory_space<vmem>>)
        %lt3A_18 = arith.constant 400 : i32
        %lt3A_19 = arith.cmpi slt, %add3A_9, %lt3A_18 : i32
        %convert_element_type3A_20 = arith.extui %lt3A_19 : i1 to i32
        %cond3A_21 = arith.constant 0 : i32
        %cond3A_22 = arith.cmpi ne, %convert_element_type3A_20, %cond3A_21 : i32
        scf.if %cond3A_22 {
          %mul3A_27 = arith.constant 128 : i32
          %mul3A_28 = arith.muli %add3A_9, %mul3A_27 : i32
          "tpu.region"() ({
            %run_scoped3A = tpu.sem_alloc : memref<!tpu.dma_semaphore, #tpu.memory_space<semaphore_mem>>
            %dma_start3A_29 = arith.constant 0 : i32
            %dma_start3A_30 = tpu.memref_slice %arg4[%mul3A_28, %dma_start3A_29] : memref<51200x64xf32, #tpu.memory_space<hbm>> -> memref<128x64xf32, #tpu.memory_space<hbm>>
            %dma_start3A_31 = arith.constant 0 : i32
            %dma_start3A_32 = tpu.memref_slice %arg4[%mul3A_28, %dma_start3A_31] : memref<51200x64xf32, #tpu.memory_space<hbm>> -> memref<128x64xf32, #tpu.memory_space<hbm>>
            tpu.enqueue_dma source(%arg7 : memref<128x64xf32, #tpu.memory_space<vmem>>) target(%dma_start3A_32 : memref<128x64xf32, #tpu.memory_space<hbm>>) target_semaphore(%run_scoped3A : memref<!tpu.dma_semaphore, #tpu.memory_space<semaphore_mem>>)
            %dma_wait3A_33 = arith.constant 0 : i32
            %dma_wait3A_34 = tpu.memref_slice %arg4[%mul3A_28, %dma_wait3A_33] : memref<51200x64xf32, #tpu.memory_space<hbm>> -> memref<128x64xf32, #tpu.memory_space<hbm>>
            %dma_wait3A_35 = arith.constant 0 : i32
            %dma_wait3A_36 = tpu.memref_slice %arg4[%mul3A_28, %dma_wait3A_35] : memref<51200x64xf32, #tpu.memory_space<hbm>> -> memref<128x64xf32, #tpu.memory_space<hbm>>
            tpu.wait_dma2 semaphore(%run_scoped3A : memref<!tpu.dma_semaphore, #tpu.memory_space<semaphore_mem>>) src(%arg7 : memref<128x64xf32, #tpu.memory_space<vmem>>) dst(%dma_wait3A_36 : memref<128x64xf32, #tpu.memory_space<hbm>>)
            tpu.yield
          }) : () -> ()
        } else {
        }
        %ge3A = arith.constant 400 : i32
        %ge3A_23 = arith.cmpi sge, %add3A_9, %ge3A : i32
        %convert_element_type3A_24 = arith.extui %ge3A_23 : i1 to i32
        %cond3A_25 = arith.constant 0 : i32
        %cond3A_26 = arith.cmpi ne, %convert_element_type3A_24, %cond3A_25 : i32
        scf.if %cond3A_26 {
          %sub3A = arith.constant 400 : i32
          %sub3A_27 = arith.subi %add3A_9, %sub3A : i32
          %mul3A_28 = arith.constant 128 : i32
          %mul3A_29 = arith.muli %sub3A_27, %mul3A_28 : i32
          "tpu.region"() ({
            %run_scoped3A = tpu.sem_alloc : memref<!tpu.dma_semaphore, #tpu.memory_space<semaphore_mem>>
            %dma_start3A_30 = arith.constant 0 : i32
            %dma_start3A_31 = tpu.memref_slice %arg5[%mul3A_29, %dma_start3A_30] : memref<11264x64xf32, #tpu.memory_space<hbm>> -> memref<128x64xf32, #tpu.memory_space<hbm>>
            %dma_start3A_32 = arith.constant 0 : i32
            %dma_start3A_33 = tpu.memref_slice %arg5[%mul3A_29, %dma_start3A_32] : memref<11264x64xf32, #tpu.memory_space<hbm>> -> memref<128x64xf32, #tpu.memory_space<hbm>>
            tpu.enqueue_dma source(%arg7 : memref<128x64xf32, #tpu.memory_space<vmem>>) target(%dma_start3A_33 : memref<128x64xf32, #tpu.memory_space<hbm>>) target_semaphore(%run_scoped3A : memref<!tpu.dma_semaphore, #tpu.memory_space<semaphore_mem>>)
            %dma_wait3A_34 = arith.constant 0 : i32
            %dma_wait3A_35 = tpu.memref_slice %arg5[%mul3A_29, %dma_wait3A_34] : memref<11264x64xf32, #tpu.memory_space<hbm>> -> memref<128x64xf32, #tpu.memory_space<hbm>>
            %dma_wait3A_36 = arith.constant 0 : i32
            %dma_wait3A_37 = tpu.memref_slice %arg5[%mul3A_29, %dma_wait3A_36] : memref<11264x64xf32, #tpu.memory_space<hbm>> -> memref<128x64xf32, #tpu.memory_space<hbm>>
            tpu.wait_dma2 semaphore(%run_scoped3A : memref<!tpu.dma_semaphore, #tpu.memory_space<semaphore_mem>>) src(%arg7 : memref<128x64xf32, #tpu.memory_space<vmem>>) dst(%dma_wait3A_37 : memref<128x64xf32, #tpu.memory_space<hbm>>)
            tpu.yield
          }) : () -> ()
        } else {
        }
      } else {
      }
    }
    %scan3A_5 = arith.constant 16 : i32
    return
  }
}

module attributes {stable_mosaic.version = 14 : i64} {
  func.func @body(%arg0: i32, %arg1: i32, %arg2: memref<1x64x10000xf32, #tpu.memory_space<vmem>>, %arg3: memref<1x5000x128xf32, #tpu.memory_space<vmem>>) attributes {dimension_semantics = [#tpu.dimension_semantics<arbitrary>, #tpu.dimension_semantics<arbitrary>], iteration_bounds = array<i64: 26, 1>, scalar_prefetch = 0 : i64, scratch_operands = 0 : i64, tpu.core_type = #tpu.core_type<tc>, window_params = [{transform_indices = @transform_0, window_bounds = array<i64: 1, 64, 10000>}, {transform_indices = @transform_1, window_bounds = array<i64: 1, 5000, 128>}]} {
    %get3A = arith.constant 0 : index
    %get3A_0 = arith.constant 0 : index
    %get3A_1 = arith.constant 0 : index
    %get3A_2 = vector.load %arg2[%get3A, %get3A_0, %get3A_1] : memref<1x64x10000xf32, #tpu.memory_space<vmem>>, vector<1x64x10000xf32>
    %get3A_3 = vector.shape_cast %get3A_2 : vector<1x64x10000xf32> to vector<64x10000xf32>
    %transpose3A = tpu.transpose %get3A_3, [1, 0] : vector<64x10000xf32> -> vector<10000x64xf32>
    %slice3A = vector.extract_strided_slice %transpose3A {offsets = [0, 0], sizes = [5000, 64], strides = [1, 1]} : vector<10000x64xf32> to vector<5000x64xf32>
    %swap3A = arith.constant 0 : index
    %swap3A_4 = arith.constant 0 : index
    %swap3A_5 = arith.constant 0 : index
    %swap3A_6 = vector.load %arg3[%swap3A, %swap3A_4, %swap3A_5] : memref<1x5000x128xf32, #tpu.memory_space<vmem>>, vector<1x5000x64xf32>
    %swap3A_7 = vector.shape_cast %swap3A_6 : vector<1x5000x64xf32> to vector<5000x64xf32>
    %swap3A_8 = vector.shape_cast %slice3A : vector<5000x64xf32> to vector<1x5000x64xf32>
    tpu.vector_store %arg3[%swap3A, %swap3A_4, %swap3A_5], %swap3A_8 {strides = array<i32>} : memref<1x5000x128xf32, #tpu.memory_space<vmem>>, vector<1x5000x64xf32>,
    %slice3A_9 = vector.extract_strided_slice %transpose3A {offsets = [5000, 0], sizes = [5000, 64], strides = [1, 1]} : vector<10000x64xf32> to vector<5000x64xf32>
    %swap3A_10 = arith.constant 0 : index
    %swap3A_11 = arith.constant 0 : index
    %swap3A_12 = arith.constant 64 : index
    %swap3A_13 = vector.load %arg3[%swap3A_10, %swap3A_11, %swap3A_12] : memref<1x5000x128xf32, #tpu.memory_space<vmem>>, vector<1x5000x64xf32>
    %swap3A_14 = vector.shape_cast %swap3A_13 : vector<1x5000x64xf32> to vector<5000x64xf32>
    %swap3A_15 = vector.shape_cast %slice3A_9 : vector<5000x64xf32> to vector<1x5000x64xf32>
    tpu.vector_store %arg3[%swap3A_10, %swap3A_11, %swap3A_12], %swap3A_15 {strides = array<i32>} : memref<1x5000x128xf32, #tpu.memory_space<vmem>>, vector<1x5000x64xf32>,
    return
  }
  func.func @transform_0(%arg0: i32, %arg1: i32) -> (i32, i32, i32) {
    %c0_i32 = arith.constant 0 : i32
    %c0_i32_0 = arith.constant 0 : i32
    return %arg0, %c0_i32, %arg1 : i32, i32, i32
  }
  func.func @transform_1(%arg0: i32, %arg1: i32) -> (i32, i32, i32) {
    %mul3A = arith.constant 1 : i32
    %mul3A_0 = arith.muli %arg0, %mul3A : i32
    %add3A = arith.addi %mul3A_0, %arg1 : i32
    %c0_i32 = arith.constant 0 : i32
    %c0_i32_1 = arith.constant 0 : i32
    %c0_i32_2 = arith.constant 0 : i32
    return %add3A, %c0_i32, %c0_i32_1 : i32, i32, i32
  }
}

module attributes {stable_mosaic.version = 14 : i64} {
  func.func @body(%arg0: i32, %arg1: i32, %arg2: memref<1x64x6400xf32, #tpu.memory_space<vmem>>, %arg3: memref<1x3200x128xf32, #tpu.memory_space<vmem>>) attributes {dimension_semantics = [#tpu.dimension_semantics<arbitrary>, #tpu.dimension_semantics<arbitrary>], iteration_bounds = array<i64: 1, 16>, scalar_prefetch = 0 : i64, scratch_operands = 0 : i64, tpu.core_type = #tpu.core_type<tc>, window_params = [{transform_indices = @transform_0, window_bounds = array<i64: 1, 64, 6400>}, {transform_indices = @transform_1, window_bounds = array<i64: 1, 3200, 128>}]} {
    %get3A = arith.constant 0 : index
    %get3A_0 = arith.constant 0 : index
    %get3A_1 = arith.constant 0 : index
    %get3A_2 = vector.load %arg2[%get3A, %get3A_0, %get3A_1] : memref<1x64x6400xf32, #tpu.memory_space<vmem>>, vector<1x64x6400xf32>
    %get3A_3 = vector.shape_cast %get3A_2 : vector<1x64x6400xf32> to vector<64x6400xf32>
    %transpose3A = tpu.transpose %get3A_3, [1, 0] : vector<64x6400xf32> -> vector<6400x64xf32>
    %slice3A = vector.extract_strided_slice %transpose3A {offsets = [0, 0], sizes = [3200, 64], strides = [1, 1]} : vector<6400x64xf32> to vector<3200x64xf32>
    %swap3A = arith.constant 0 : index
    %swap3A_4 = arith.constant 0 : index
    %swap3A_5 = arith.constant 0 : index
    %swap3A_6 = vector.load %arg3[%swap3A, %swap3A_4, %swap3A_5] : memref<1x3200x128xf32, #tpu.memory_space<vmem>>, vector<1x3200x64xf32>
    %swap3A_7 = vector.shape_cast %swap3A_6 : vector<1x3200x64xf32> to vector<3200x64xf32>
    %swap3A_8 = vector.shape_cast %slice3A : vector<3200x64xf32> to vector<1x3200x64xf32>
    tpu.vector_store %arg3[%swap3A, %swap3A_4, %swap3A_5], %swap3A_8 {strides = array<i32>} : memref<1x3200x128xf32, #tpu.memory_space<vmem>>, vector<1x3200x64xf32>,
    %slice3A_9 = vector.extract_strided_slice %transpose3A {offsets = [3200, 0], sizes = [3200, 64], strides = [1, 1]} : vector<6400x64xf32> to vector<3200x64xf32>
    %swap3A_10 = arith.constant 0 : index
    %swap3A_11 = arith.constant 0 : index
    %swap3A_12 = arith.constant 64 : index
    %swap3A_13 = vector.load %arg3[%swap3A_10, %swap3A_11, %swap3A_12] : memref<1x3200x128xf32, #tpu.memory_space<vmem>>, vector<1x3200x64xf32>
    %swap3A_14 = vector.shape_cast %swap3A_13 : vector<1x3200x64xf32> to vector<3200x64xf32>
    %swap3A_15 = vector.shape_cast %slice3A_9 : vector<3200x64xf32> to vector<1x3200x64xf32>
    tpu.vector_store %arg3[%swap3A_10, %swap3A_11, %swap3A_12], %swap3A_15 {strides = array<i32>} : memref<1x3200x128xf32, #tpu.memory_space<vmem>>, vector<1x3200x64xf32>,
    return
  }
  func.func @transform_0(%arg0: i32, %arg1: i32) -> (i32, i32, i32) {
    %c0_i32 = arith.constant 0 : i32
    %c0_i32_0 = arith.constant 0 : i32
    return %arg0, %c0_i32, %arg1 : i32, i32, i32
  }
  func.func @transform_1(%arg0: i32, %arg1: i32) -> (i32, i32, i32) {
    %mul3A = arith.constant 16 : i32
    %mul3A_0 = arith.muli %arg0, %mul3A : i32
    %add3A = arith.addi %mul3A_0, %arg1 : i32
    %c0_i32 = arith.constant 0 : i32
    %c0_i32_1 = arith.constant 0 : i32
    %c0_i32_2 = arith.constant 0 : i32
    return %add3A, %c0_i32, %c0_i32_1 : i32, i32, i32
  }
}

module attributes {stable_mosaic.version = 14 : i64} {
  func.func @_att_body(%arg0: i32, %arg1: i32, %arg2: memref<5x5120x128xf32, #tpu.memory_space<vmem>>, %arg3: memref<11x512x128xf32, #tpu.memory_space<vmem>>, %arg4: memref<256x36xf32, #tpu.memory_space<vmem>>, %arg5: memref<1x36xf32, #tpu.memory_space<vmem>>, %arg6: memref<1x36xf32, #tpu.memory_space<vmem>>, %arg7: memref<1x36xf32, #tpu.memory_space<vmem>>, %arg8: memref<1x36xf32, #tpu.memory_space<vmem>>, %arg9: memref<1x36xf32, #tpu.memory_space<vmem>>, %arg10: memref<1x1xf32, #tpu.memory_space<vmem>>, %arg11: memref<512x128xf32, #tpu.memory_space<vmem>>, %arg12: memref<5120x128xf32, #tpu.memory_space<vmem>>, %arg13: memref<5120x36xf32, #tpu.memory_space<vmem>>, %arg14: memref<5120x36xf32, #tpu.memory_space<vmem>>, %arg15: memref<128x36xf32, #tpu.memory_space<vmem>>, %arg16: memref<128x36xf32, #tpu.memory_space<vmem>>, %arg17: memref<128x36xf32, #tpu.memory_space<vmem>>, %arg18: memref<128x36xf32, #tpu.memory_space<vmem>>, %arg19: memref<5x5120x36xf32, #tpu.memory_space<vmem>>, %arg20: memref<5x5120x36xf32, #tpu.memory_space<vmem>>, %arg21: memref<2x36xf32, #tpu.memory_space<vmem>>, %arg22: memref<3x36xf32, #tpu.memory_space<vmem>>) attributes {dimension_semantics = [#tpu.dimension_semantics<arbitrary>, #tpu.dimension_semantics<arbitrary>], iteration_bounds = array<i64: 2, 5>, scalar_prefetch = 0 : i64, scratch_operands = 11 : i64, tpu.core_type = #tpu.core_type<tc>, window_params = [{pipeline_mode = #tpu.pipeline_mode<synchronous>, transform_indices = @transform_0, window_bounds = array<i64: 5, 5120, 128>}, {pipeline_mode = #tpu.pipeline_mode<synchronous>, transform_indices = @transform_1, window_bounds = array<i64: 11, 512, 128>}, {pipeline_mode = #tpu.pipeline_mode<synchronous>, transform_indices = @transform_2, window_bounds = array<i64: 256, 36>}, {pipeline_mode = #tpu.pipeline_mode<synchronous>, transform_indices = @transform_3, window_bounds = array<i64: 1, 36>}, {pipeline_mode = #tpu.pipeline_mode<synchronous>, transform_indices = @transform_4, window_bounds = array<i64: 1, 36>}, {pipeline_mode = #tpu.pipeline_mode<synchronous>, transform_indices = @transform_5, window_bounds = array<i64: 1, 36>}, {pipeline_mode = #tpu.pipeline_mode<synchronous>, transform_indices = @transform_6, window_bounds = array<i64: 1, 36>}, {pipeline_mode = #tpu.pipeline_mode<synchronous>, transform_indices = @transform_7, window_bounds = array<i64: 1, 36>}, {pipeline_mode = #tpu.pipeline_mode<synchronous>, transform_indices = @transform_8, window_bounds = array<i64: 1, 1>}, {pipeline_mode = #tpu.pipeline_mode<synchronous>, transform_indices = @transform_9, window_bounds = array<i64: 512, 128>}]} {
    %eq3A = arith.constant 0 : i32
    %eq3A_0 = arith.cmpi eq, %arg0, %eq3A : i32
    %eq3A_1 = arith.constant 0 : i32
    %eq3A_2 = arith.cmpi eq, %arg1, %eq3A_1 : i32
    %and3A = arith.andi %eq3A_0, %eq3A_2 : i1
    %convert_element_type3A = arith.extui %and3A : i1 to i32
    %cond3A = arith.constant 0 : i32
    %cond3A_3 = arith.cmpi ne, %convert_element_type3A, %cond3A : i32
    scf.if %cond3A_3 {
      %get3A = arith.constant 0 : index
      %get3A_22 = arith.constant 0 : index
      %get3A_23 = arith.constant 0 : index
      %get3A_24 = vector.load %arg3[%get3A, %get3A_22, %get3A_23] : memref<11x512x128xf32, #tpu.memory_space<vmem>>, vector<1x512x128xf32>
      %get3A_25 = vector.shape_cast %get3A_24 : vector<1x512x128xf32> to vector<512x128xf32>
      %iota3A = tpu.iota {dimensions = array<i32: 1>} : vector<512x128xi32>
      %lt3A = arith.constant 64 : i32
      %lt3A_26 = vector.broadcast %lt3A : i32 to vector<512x128xi32>
      %lt3A_27 = arith.cmpi slt, %iota3A, %lt3A_26 : vector<512x128xi32>
      %jit3A = arith.constant 0.000000e+00 : f32
      %broadcast_in_dim3A = vector.broadcast %jit3A : f32 to vector<512x128xf32>
      %select_n3A = arith.select %lt3A_27, %get3A_25, %broadcast_in_dim3A : vector<512x128xi1>, vector<512x128xf32>
      %jit3A_28 = arith.constant 0.000000e+00 : f32
      %broadcast_in_dim3A_29 = vector.broadcast %jit3A_28 : f32 to vector<512x128xf32>
      %select_n3A_30 = arith.select %lt3A_27, %broadcast_in_dim3A_29, %get3A_25 : vector<512x128xi1>, vector<512x128xf32>
      %mul3A = arith.mulf %select_n3A, %select_n3A : vector<512x128xf32>
      %reduce_sum3A = arith.constant dense<0.000000e+00> : vector<512xf32>
      %reduce_sum3A_31 = vector.multi_reduction <add>, %mul3A, %reduce_sum3A [1] : vector<512x128xf32> to vector<512xf32>
      %broadcast_in_dim3A_32 = vector.shape_cast %reduce_sum3A_31 : vector<512xf32> to vector<512x1xf32>
      %sqrt3A = math.sqrt %broadcast_in_dim3A_32 : vector<512x1xf32>
      %mul3A_33 = arith.mulf %select_n3A_30, %select_n3A_30 : vector<512x128xf32>
      %reduce_sum3A_34 = arith.constant dense<0.000000e+00> : vector<512xf32>
      %reduce_sum3A_35 = vector.multi_reduction <add>, %mul3A_33, %reduce_sum3A_34 [1] : vector<512x128xf32> to vector<512xf32>
      %broadcast_in_dim3A_36 = vector.shape_cast %reduce_sum3A_35 : vector<512xf32> to vector<512x1xf32>
      %sqrt3A_37 = math.sqrt %broadcast_in_dim3A_36 : vector<512x1xf32>
      %max3A = arith.constant 9.99999996E-13 : f32
      %max3A_38 = vector.broadcast %max3A : f32 to vector<512x1xf32>
      %max3A_39 = arith.maximumf %sqrt3A, %max3A_38 : vector<512x1xf32>
      %div3A = arith.constant 1.000000e+00 : f32
      %div3A_40 = vector.broadcast %div3A : f32 to vector<512x1xf32>
      %div3A_41 = arith.divf %div3A_40, %max3A_39 : vector<512x1xf32>
      %max3A_42 = arith.constant 9.99999996E-13 : f32
      %max3A_43 = vector.broadcast %max3A_42 : f32 to vector<512x1xf32>
      %max3A_44 = arith.maximumf %sqrt3A_37, %max3A_43 : vector<512x1xf32>
      %div3A_45 = arith.constant 1.000000e+00 : f32
      %div3A_46 = vector.broadcast %div3A_45 : f32 to vector<512x1xf32>
      %div3A_47 = arith.divf %div3A_46, %max3A_44 : vector<512x1xf32>
      %broadcast_in_dim3A_48 = vector.shape_cast %div3A_41 : vector<512x1xf32> to vector<512x1xf32>
      %broadcast_in_dim3A_49 = vector.broadcast %broadcast_in_dim3A_48 : vector<512x1xf32> to vector<512x128xf32>
      %broadcast_in_dim3A_50 = vector.shape_cast %div3A_47 : vector<512x1xf32> to vector<512x1xf32>
      %broadcast_in_dim3A_51 = vector.broadcast %broadcast_in_dim3A_50 : vector<512x1xf32> to vector<512x128xf32>
      %select_n3A_52 = arith.select %lt3A_27, %broadcast_in_dim3A_49, %broadcast_in_dim3A_51 : vector<512x128xi1>, vector<512x128xf32>
      %mul3A_53 = arith.mulf %get3A_25, %select_n3A_52 : vector<512x128xf32>
      %swap3A = arith.constant 0 : index
      %swap3A_54 = arith.constant 0 : index
      %swap3A_55 = vector.load %arg12[%swap3A, %swap3A_54] : memref<5120x128xf32, #tpu.memory_space<vmem>>, vector<512x128xf32>
      tpu.vector_store %arg12[%swap3A, %swap3A_54], %mul3A_53 {strides = array<i32>} : memref<5120x128xf32, #tpu.memory_space<vmem>>, vector<512x128xf32>,
      %swap3A_56 = arith.constant 512 : index
      %swap3A_57 = arith.constant 0 : index
      %swap3A_58 = vector.load %arg12[%swap3A_56, %swap3A_57] : memref<5120x128xf32, #tpu.memory_space<vmem>>, vector<512x128xf32>
      tpu.vector_store %arg12[%swap3A_56, %swap3A_57], %mul3A_53 {strides = array<i32>} : memref<5120x128xf32, #tpu.memory_space<vmem>>, vector<512x128xf32>,
      %swap3A_59 = arith.constant 1024 : index
      %swap3A_60 = arith.constant 0 : index
      %swap3A_61 = vector.load %arg12[%swap3A_59, %swap3A_60] : memref<5120x128xf32, #tpu.memory_space<vmem>>, vector<512x128xf32>
      tpu.vector_store %arg12[%swap3A_59, %swap3A_60], %mul3A_53 {strides = array<i32>} : memref<5120x128xf32, #tpu.memory_space<vmem>>, vector<512x128xf32>,
      %swap3A_62 = arith.constant 1536 : index
      %swap3A_63 = arith.constant 0 : index
      %swap3A_64 = vector.load %arg12[%swap3A_62, %swap3A_63] : memref<5120x128xf32, #tpu.memory_space<vmem>>, vector<512x128xf32>
      tpu.vector_store %arg12[%swap3A_62, %swap3A_63], %mul3A_53 {strides = array<i32>} : memref<5120x128xf32, #tpu.memory_space<vmem>>, vector<512x128xf32>,
      %swap3A_65 = arith.constant 2048 : index
      %swap3A_66 = arith.constant 0 : index
      %swap3A_67 = vector.load %arg12[%swap3A_65, %swap3A_66] : memref<5120x128xf32, #tpu.memory_space<vmem>>, vector<512x128xf32>
      tpu.vector_store %arg12[%swap3A_65, %swap3A_66], %mul3A_53 {strides = array<i32>} : memref<5120x128xf32, #tpu.memory_space<vmem>>, vector<512x128xf32>,
      %swap3A_68 = arith.constant 2560 : index
      %swap3A_69 = arith.constant 0 : index
      %swap3A_70 = vector.load %arg12[%swap3A_68, %swap3A_69] : memref<5120x128xf32, #tpu.memory_space<vmem>>, vector<512x128xf32>
      tpu.vector_store %arg12[%swap3A_68, %swap3A_69], %mul3A_53 {strides = array<i32>} : memref<5120x128xf32, #tpu.memory_space<vmem>>, vector<512x128xf32>,
      %swap3A_71 = arith.constant 3072 : index
      %swap3A_72 = arith.constant 0 : index
      %swap3A_73 = vector.load %arg12[%swap3A_71, %swap3A_72] : memref<5120x128xf32, #tpu.memory_space<vmem>>, vector<512x128xf32>
      tpu.vector_store %arg12[%swap3A_71, %swap3A_72], %mul3A_53 {strides = array<i32>} : memref<5120x128xf32, #tpu.memory_space<vmem>>, vector<512x128xf32>,
      %swap3A_74 = arith.constant 3584 : index
      %swap3A_75 = arith.constant 0 : index
      %swap3A_76 = vector.load %arg12[%swap3A_74, %swap3A_75] : memref<5120x128xf32, #tpu.memory_space<vmem>>, vector<512x128xf32>
      tpu.vector_store %arg12[%swap3A_74, %swap3A_75], %mul3A_53 {strides = array<i32>} : memref<5120x128xf32, #tpu.memory_space<vmem>>, vector<512x128xf32>,
      %swap3A_77 = arith.constant 4096 : index
      %swap3A_78 = arith.constant 0 : index
      %swap3A_79 = vector.load %arg12[%swap3A_77, %swap3A_78] : memref<5120x128xf32, #tpu.memory_space<vmem>>, vector<512x128xf32>
      tpu.vector_store %arg12[%swap3A_77, %swap3A_78], %mul3A_53 {strides = array<i32>} : memref<5120x128xf32, #tpu.memory_space<vmem>>, vector<512x128xf32>,
      %swap3A_80 = arith.constant 4608 : index
      %swap3A_81 = arith.constant 0 : index
      %swap3A_82 = vector.load %arg12[%swap3A_80, %swap3A_81] : memref<5120x128xf32, #tpu.memory_space<vmem>>, vector<512x128xf32>
      tpu.vector_store %arg12[%swap3A_80, %swap3A_81], %mul3A_53 {strides = array<i32>} : memref<5120x128xf32, #tpu.memory_space<vmem>>, vector<512x128xf32>,
      %broadcast_in_dim3A_83 = arith.constant 0.000000e+00 : f32
      %broadcast_in_dim3A_84 = vector.broadcast %broadcast_in_dim3A_83 : f32 to vector<64x36xf32>
      %get3A_85 = arith.constant 0 : index
      %get3A_86 = arith.constant 0 : index
      %get3A_87 = vector.load %arg4[%get3A_85, %get3A_86] : memref<256x36xf32, #tpu.memory_space<vmem>>, vector<64x36xf32>
      %get3A_88 = arith.constant 128 : index
      %get3A_89 = arith.constant 0 : index
      %get3A_90 = vector.load %arg4[%get3A_88, %get3A_89] : memref<256x36xf32, #tpu.memory_space<vmem>>, vector<64x36xf32>
      %add3A = arith.addf %get3A_87, %get3A_90 : vector<64x36xf32>
      %get3A_91 = arith.constant 64 : index
      %get3A_92 = arith.constant 0 : index
      %get3A_93 = vector.load %arg4[%get3A_91, %get3A_92] : memref<256x36xf32, #tpu.memory_space<vmem>>, vector<64x36xf32>
      %get3A_94 = arith.constant 128 : index
      %get3A_95 = arith.constant 0 : index
      %get3A_96 = vector.load %arg4[%get3A_94, %get3A_95] : memref<256x36xf32, #tpu.memory_space<vmem>>, vector<64x36xf32>
      %sub3A = arith.subf %get3A_93, %get3A_96 : vector<64x36xf32>
      %get3A_97 = arith.constant 192 : index
      %get3A_98 = arith.constant 0 : index
      %get3A_99 = vector.load %arg4[%get3A_97, %get3A_98] : memref<256x36xf32, #tpu.memory_space<vmem>>, vector<64x36xf32>
      %concatenate3A = tpu.concatenate %sub3A, %broadcast_in_dim3A_84 in 0 : vector<64x36xf32>, vector<64x36xf32> -> vector<128x36xf32>
      %swap3A_100 = arith.constant 0 : index
      %swap3A_101 = arith.constant 0 : index
      %swap3A_102 = vector.load %arg15[%swap3A_100, %swap3A_101] : memref<128x36xf32, #tpu.memory_space<vmem>>, vector<128x36xf32>
      tpu.vector_store %arg15[%swap3A_100, %swap3A_101], %concatenate3A {strides = array<i32>} : memref<128x36xf32, #tpu.memory_space<vmem>>, vector<128x36xf32>,
      %concatenate3A_103 = tpu.concatenate %broadcast_in_dim3A_84, %sub3A in 0 : vector<64x36xf32>, vector<64x36xf32> -> vector<128x36xf32>
      %swap3A_104 = arith.constant 0 : index
      %swap3A_105 = arith.constant 0 : index
      %swap3A_106 = vector.load %arg16[%swap3A_104, %swap3A_105] : memref<128x36xf32, #tpu.memory_space<vmem>>, vector<128x36xf32>
      tpu.vector_store %arg16[%swap3A_104, %swap3A_105], %concatenate3A_103 {strides = array<i32>} : memref<128x36xf32, #tpu.memory_space<vmem>>, vector<128x36xf32>,
      %concatenate3A_107 = tpu.concatenate %get3A_99, %broadcast_in_dim3A_84 in 0 : vector<64x36xf32>, vector<64x36xf32> -> vector<128x36xf32>
      %swap3A_108 = arith.constant 0 : index
      %swap3A_109 = arith.constant 0 : index
      %swap3A_110 = vector.load %arg17[%swap3A_108, %swap3A_109] : memref<128x36xf32, #tpu.memory_space<vmem>>, vector<128x36xf32>
      tpu.vector_store %arg17[%swap3A_108, %swap3A_109], %concatenate3A_107 {strides = array<i32>} : memref<128x36xf32, #tpu.memory_space<vmem>>, vector<128x36xf32>,
      %concatenate3A_111 = tpu.concatenate %broadcast_in_dim3A_84, %get3A_99 in 0 : vector<64x36xf32>, vector<64x36xf32> -> vector<128x36xf32>
      %swap3A_112 = arith.constant 0 : index
      %swap3A_113 = arith.constant 0 : index
      %swap3A_114 = vector.load %arg18[%swap3A_112, %swap3A_113] : memref<128x36xf32, #tpu.memory_space<vmem>>, vector<128x36xf32>
      tpu.vector_store %arg18[%swap3A_112, %swap3A_113], %concatenate3A_111 {strides = array<i32>} : memref<128x36xf32, #tpu.memory_space<vmem>>, vector<128x36xf32>,
      %concatenate3A_115 = tpu.concatenate %add3A, %broadcast_in_dim3A_84 in 0 : vector<64x36xf32>, vector<64x36xf32> -> vector<128x36xf32>
      %concatenate3A_116 = tpu.concatenate %broadcast_in_dim3A_84, %add3A in 0 : vector<64x36xf32>, vector<64x36xf32> -> vector<128x36xf32>
      %dot_general3A = arith.constant dense<0.000000e+00> : vector<512x36xf32>
      %dot_general3A_117 = tpu.matmul %mul3A_53, %concatenate3A_115, %dot_general3A {dimension_numbers = #tpu.dot_dimension_numbers<[1], [0], [0], [1], [0, 0, 1, 1], [], []>, transpose_lhs_hint = false} : vector<512x128xf32>, vector<128x36xf32>, vector<512x36xf32> -> vector<512x36xf32>
      %get3A_118 = arith.constant 0 : index
      %get3A_119 = arith.constant 0 : index
      %get3A_120 = vector.load %arg5[%get3A_118, %get3A_119] : memref<1x36xf32, #tpu.memory_space<vmem>>, vector<1x36xf32>
      %add3A_121 = vector.broadcast %get3A_120 : vector<1x36xf32> to vector<512x36xf32>
      %add3A_122 = arith.addf %dot_general3A_117, %add3A_121 : vector<512x36xf32>
      %dot_general3A_123 = arith.constant dense<0.000000e+00> : vector<512x36xf32>
      %dot_general3A_124 = tpu.matmul %mul3A_53, %concatenate3A_116, %dot_general3A_123 {dimension_numbers = #tpu.dot_dimension_numbers<[1], [0], [0], [1], [0, 0, 1, 1], [], []>, transpose_lhs_hint = false} : vector<512x128xf32>, vector<128x36xf32>, vector<512x36xf32> -> vector<512x36xf32>
      %get3A_125 = arith.constant 0 : index
      %get3A_126 = arith.constant 0 : index
      %get3A_127 = vector.load %arg5[%get3A_125, %get3A_126] : memref<1x36xf32, #tpu.memory_space<vmem>>, vector<1x36xf32>
      %add3A_128 = vector.broadcast %get3A_127 : vector<1x36xf32> to vector<512x36xf32>
      %add3A_129 = arith.addf %dot_general3A_124, %add3A_128 : vector<512x36xf32>
      %swap3A_130 = arith.constant 0 : index
      %swap3A_131 = arith.constant 0 : index
      %swap3A_132 = vector.load %arg13[%swap3A_130, %swap3A_131] : memref<5120x36xf32, #tpu.memory_space<vmem>>, vector<512x36xf32>
      tpu.vector_store %arg13[%swap3A_130, %swap3A_131], %add3A_122 {strides = array<i32>} : memref<5120x36xf32, #tpu.memory_space<vmem>>, vector<512x36xf32>,
      %swap3A_133 = arith.constant 0 : index
      %swap3A_134 = arith.constant 0 : index
      %swap3A_135 = vector.load %arg14[%swap3A_133, %swap3A_134] : memref<5120x36xf32, #tpu.memory_space<vmem>>, vector<512x36xf32>
      tpu.vector_store %arg14[%swap3A_133, %swap3A_134], %add3A_129 {strides = array<i32>} : memref<5120x36xf32, #tpu.memory_space<vmem>>, vector<512x36xf32>,
      %swap3A_136 = arith.constant 512 : index
      %swap3A_137 = arith.constant 0 : index
      %swap3A_138 = vector.load %arg13[%swap3A_136, %swap3A_137] : memref<5120x36xf32, #tpu.memory_space<vmem>>, vector<512x36xf32>
      tpu.vector_store %arg13[%swap3A_136, %swap3A_137], %add3A_122 {strides = array<i32>} : memref<5120x36xf32, #tpu.memory_space<vmem>>, vector<512x36xf32>,
      %swap3A_139 = arith.constant 512 : index
      %swap3A_140 = arith.constant 0 : index
      %swap3A_141 = vector.load %arg14[%swap3A_139, %swap3A_140] : memref<5120x36xf32, #tpu.memory_space<vmem>>, vector<512x36xf32>
      tpu.vector_store %arg14[%swap3A_139, %swap3A_140], %add3A_129 {strides = array<i32>} : memref<5120x36xf32, #tpu.memory_space<vmem>>, vector<512x36xf32>,
      %swap3A_142 = arith.constant 1024 : index
      %swap3A_143 = arith.constant 0 : index
      %swap3A_144 = vector.load %arg13[%swap3A_142, %swap3A_143] : memref<5120x36xf32, #tpu.memory_space<vmem>>, vector<512x36xf32>
      tpu.vector_store %arg13[%swap3A_142, %swap3A_143], %add3A_122 {strides = array<i32>} : memref<5120x36xf32, #tpu.memory_space<vmem>>, vector<512x36xf32>,
      %swap3A_145 = arith.constant 1024 : index
      %swap3A_146 = arith.constant 0 : index
      %swap3A_147 = vector.load %arg14[%swap3A_145, %swap3A_146] : memref<5120x36xf32, #tpu.memory_space<vmem>>, vector<512x36xf32>
      tpu.vector_store %arg14[%swap3A_145, %swap3A_146], %add3A_129 {strides = array<i32>} : memref<5120x36xf32, #tpu.memory_space<vmem>>, vector<512x36xf32>,
      %swap3A_148 = arith.constant 1536 : index
      %swap3A_149 = arith.constant 0 : index
      %swap3A_150 = vector.load %arg13[%swap3A_148, %swap3A_149] : memref<5120x36xf32, #tpu.memory_space<vmem>>, vector<512x36xf32>
      tpu.vector_store %arg13[%swap3A_148, %swap3A_149], %add3A_122 {strides = array<i32>} : memref<5120x36xf32, #tpu.memory_space<vmem>>, vector<512x36xf32>,
      %swap3A_151 = arith.constant 1536 : index
      %swap3A_152 = arith.constant 0 : index
      %swap3A_153 = vector.load %arg14[%swap3A_151, %swap3A_152] : memref<5120x36xf32, #tpu.memory_space<vmem>>, vector<512x36xf32>
      tpu.vector_store %arg14[%swap3A_151, %swap3A_152], %add3A_129 {strides = array<i32>} : memref<5120x36xf32, #tpu.memory_space<vmem>>, vector<512x36xf32>,
      %swap3A_154 = arith.constant 2048 : index
      %swap3A_155 = arith.constant 0 : index
      %swap3A_156 = vector.load %arg13[%swap3A_154, %swap3A_155] : memref<5120x36xf32, #tpu.memory_space<vmem>>, vector<512x36xf32>
      tpu.vector_store %arg13[%swap3A_154, %swap3A_155], %add3A_122 {strides = array<i32>} : memref<5120x36xf32, #tpu.memory_space<vmem>>, vector<512x36xf32>,
      %swap3A_157 = arith.constant 2048 : index
      %swap3A_158 = arith.constant 0 : index
      %swap3A_159 = vector.load %arg14[%swap3A_157, %swap3A_158] : memref<5120x36xf32, #tpu.memory_space<vmem>>, vector<512x36xf32>
      tpu.vector_store %arg14[%swap3A_157, %swap3A_158], %add3A_129 {strides = array<i32>} : memref<5120x36xf32, #tpu.memory_space<vmem>>, vector<512x36xf32>,
      %swap3A_160 = arith.constant 2560 : index
      %swap3A_161 = arith.constant 0 : index
      %swap3A_162 = vector.load %arg13[%swap3A_160, %swap3A_161] : memref<5120x36xf32, #tpu.memory_space<vmem>>, vector<512x36xf32>
      tpu.vector_store %arg13[%swap3A_160, %swap3A_161], %add3A_122 {strides = array<i32>} : memref<5120x36xf32, #tpu.memory_space<vmem>>, vector<512x36xf32>,
      %swap3A_163 = arith.constant 2560 : index
      %swap3A_164 = arith.constant 0 : index
      %swap3A_165 = vector.load %arg14[%swap3A_163, %swap3A_164] : memref<5120x36xf32, #tpu.memory_space<vmem>>, vector<512x36xf32>
      tpu.vector_store %arg14[%swap3A_163, %swap3A_164], %add3A_129 {strides = array<i32>} : memref<5120x36xf32, #tpu.memory_space<vmem>>, vector<512x36xf32>,
      %swap3A_166 = arith.constant 3072 : index
      %swap3A_167 = arith.constant 0 : index
      %swap3A_168 = vector.load %arg13[%swap3A_166, %swap3A_167] : memref<5120x36xf32, #tpu.memory_space<vmem>>, vector<512x36xf32>
      tpu.vector_store %arg13[%swap3A_166, %swap3A_167], %add3A_122 {strides = array<i32>} : memref<5120x36xf32, #tpu.memory_space<vmem>>, vector<512x36xf32>,
      %swap3A_169 = arith.constant 3072 : index
      %swap3A_170 = arith.constant 0 : index
      %swap3A_171 = vector.load %arg14[%swap3A_169, %swap3A_170] : memref<5120x36xf32, #tpu.memory_space<vmem>>, vector<512x36xf32>
      tpu.vector_store %arg14[%swap3A_169, %swap3A_170], %add3A_129 {strides = array<i32>} : memref<5120x36xf32, #tpu.memory_space<vmem>>, vector<512x36xf32>,
      %swap3A_172 = arith.constant 3584 : index
      %swap3A_173 = arith.constant 0 : index
      %swap3A_174 = vector.load %arg13[%swap3A_172, %swap3A_173] : memref<5120x36xf32, #tpu.memory_space<vmem>>, vector<512x36xf32>
      tpu.vector_store %arg13[%swap3A_172, %swap3A_173], %add3A_122 {strides = array<i32>} : memref<5120x36xf32, #tpu.memory_space<vmem>>, vector<512x36xf32>,
      %swap3A_175 = arith.constant 3584 : index
      %swap3A_176 = arith.constant 0 : index
      %swap3A_177 = vector.load %arg14[%swap3A_175, %swap3A_176] : memref<5120x36xf32, #tpu.memory_space<vmem>>, vector<512x36xf32>
      tpu.vector_store %arg14[%swap3A_175, %swap3A_176], %add3A_129 {strides = array<i32>} : memref<5120x36xf32, #tpu.memory_space<vmem>>, vector<512x36xf32>,
      %swap3A_178 = arith.constant 4096 : index
      %swap3A_179 = arith.constant 0 : index
      %swap3A_180 = vector.load %arg13[%swap3A_178, %swap3A_179] : memref<5120x36xf32, #tpu.memory_space<vmem>>, vector<512x36xf32>
      tpu.vector_store %arg13[%swap3A_178, %swap3A_179], %add3A_122 {strides = array<i32>} : memref<5120x36xf32, #tpu.memory_space<vmem>>, vector<512x36xf32>,
      %swap3A_181 = arith.constant 4096 : index
      %swap3A_182 = arith.constant 0 : index
      %swap3A_183 = vector.load %arg14[%swap3A_181, %swap3A_182] : memref<5120x36xf32, #tpu.memory_space<vmem>>, vector<512x36xf32>
      tpu.vector_store %arg14[%swap3A_181, %swap3A_182], %add3A_129 {strides = array<i32>} : memref<5120x36xf32, #tpu.memory_space<vmem>>, vector<512x36xf32>,
      %swap3A_184 = arith.constant 4608 : index
      %swap3A_185 = arith.constant 0 : index
      %swap3A_186 = vector.load %arg13[%swap3A_184, %swap3A_185] : memref<5120x36xf32, #tpu.memory_space<vmem>>, vector<512x36xf32>
      tpu.vector_store %arg13[%swap3A_184, %swap3A_185], %add3A_122 {strides = array<i32>} : memref<5120x36xf32, #tpu.memory_space<vmem>>, vector<512x36xf32>,
      %swap3A_187 = arith.constant 4608 : index
      %swap3A_188 = arith.constant 0 : index
      %swap3A_189 = vector.load %arg14[%swap3A_187, %swap3A_188] : memref<5120x36xf32, #tpu.memory_space<vmem>>, vector<512x36xf32>
      tpu.vector_store %arg14[%swap3A_187, %swap3A_188], %add3A_129 {strides = array<i32>} : memref<5120x36xf32, #tpu.memory_space<vmem>>, vector<512x36xf32>,
      %broadcast_in_dim3A_190 = arith.constant 0.000000e+00 : f32
      %broadcast_in_dim3A_191 = vector.broadcast %broadcast_in_dim3A_190 : f32 to vector<2x36xf32>
      %swap3A_192 = arith.constant 0 : index
      %swap3A_193 = arith.constant 0 : index
      %swap3A_194 = vector.load %arg21[%swap3A_192, %swap3A_193] : memref<2x36xf32, #tpu.memory_space<vmem>>, vector<2x36xf32>
      tpu.vector_store %arg21[%swap3A_192, %swap3A_193], %broadcast_in_dim3A_191 {strides = array<i32>} : memref<2x36xf32, #tpu.memory_space<vmem>>, vector<2x36xf32>,
    } else {
    }
    %eq3A_4 = arith.constant 0 : i32
    %eq3A_5 = arith.cmpi eq, %arg0, %eq3A_4 : i32
    %convert_element_type3A_6 = arith.extui %eq3A_5 : i1 to i32
    %cond3A_7 = arith.constant 0 : i32
    %cond3A_8 = arith.cmpi ne, %convert_element_type3A_6, %cond3A_7 : i32
    scf.if %cond3A_8 {
      %get3A = arith.index_cast %arg1 : i32 to index
      %get3A_22 = arith.constant 0 : index
      %get3A_23 = arith.constant 0 : index
      %get3A_24 = vector.load %arg2[%get3A, %get3A_22, %get3A_23] : memref<5x5120x128xf32, #tpu.memory_space<vmem>>, vector<1x5120x128xf32>
      %get3A_25 = vector.shape_cast %get3A_24 : vector<1x5120x128xf32> to vector<5120x128xf32>
      %get3A_26 = arith.constant 0 : index
      %get3A_27 = arith.constant 0 : index
      %get3A_28 = vector.load %arg12[%get3A_26, %get3A_27] : memref<5120x128xf32, #tpu.memory_space<vmem>>, vector<5120x128xf32>
      %mul3A = arith.mulf %get3A_28, %get3A_25 : vector<5120x128xf32>
      %get3A_29 = arith.constant 0 : index
      %get3A_30 = arith.constant 0 : index
      %get3A_31 = vector.load %arg15[%get3A_29, %get3A_30] : memref<128x36xf32, #tpu.memory_space<vmem>>, vector<128x36xf32>
      %dot_general3A = arith.constant dense<0.000000e+00> : vector<5120x36xf32>
      %dot_general3A_32 = tpu.matmul %get3A_25, %get3A_31, %dot_general3A {dimension_numbers = #tpu.dot_dimension_numbers<[1], [0], [0], [1], [0, 0, 1, 1], [], []>, transpose_lhs_hint = false} : vector<5120x128xf32>, vector<128x36xf32>, vector<5120x36xf32> -> vector<5120x36xf32>
      %get3A_33 = arith.constant 0 : index
      %get3A_34 = arith.constant 0 : index
      %get3A_35 = vector.load %arg17[%get3A_33, %get3A_34] : memref<128x36xf32, #tpu.memory_space<vmem>>, vector<128x36xf32>
      %dot_general3A_36 = arith.constant dense<0.000000e+00> : vector<5120x36xf32>
      %dot_general3A_37 = tpu.matmul %mul3A, %get3A_35, %dot_general3A_36 {dimension_numbers = #tpu.dot_dimension_numbers<[1], [0], [0], [1], [0, 0, 1, 1], [], []>, transpose_lhs_hint = false} : vector<5120x128xf32>, vector<128x36xf32>, vector<5120x36xf32> -> vector<5120x36xf32>
      %add3A = arith.addf %dot_general3A_32, %dot_general3A_37 : vector<5120x36xf32>
      %get3A_38 = arith.constant 0 : index
      %get3A_39 = arith.constant 0 : index
      %get3A_40 = vector.load %arg13[%get3A_38, %get3A_39] : memref<5120x36xf32, #tpu.memory_space<vmem>>, vector<5120x36xf32>
      %add3A_41 = arith.addf %add3A, %get3A_40 : vector<5120x36xf32>
      %get3A_42 = arith.constant 0 : index
      %get3A_43 = arith.constant 0 : index
      %get3A_44 = vector.load %arg16[%get3A_42, %get3A_43] : memref<128x36xf32, #tpu.memory_space<vmem>>, vector<128x36xf32>
      %dot_general3A_45 = arith.constant dense<0.000000e+00> : vector<5120x36xf32>
      %dot_general3A_46 = tpu.matmul %get3A_25, %get3A_44, %dot_general3A_45 {dimension_numbers = #tpu.dot_dimension_numbers<[1], [0], [0], [1], [0, 0, 1, 1], [], []>, transpose_lhs_hint = false} : vector<5120x128xf32>, vector<128x36xf32>, vector<5120x36xf32> -> vector<5120x36xf32>
      %get3A_47 = arith.constant 0 : index
      %get3A_48 = arith.constant 0 : index
      %get3A_49 = vector.load %arg18[%get3A_47, %get3A_48] : memref<128x36xf32, #tpu.memory_space<vmem>>, vector<128x36xf32>
      %dot_general3A_50 = arith.constant dense<0.000000e+00> : vector<5120x36xf32>
      %dot_general3A_51 = tpu.matmul %mul3A, %get3A_49, %dot_general3A_50 {dimension_numbers = #tpu.dot_dimension_numbers<[1], [0], [0], [1], [0, 0, 1, 1], [], []>, transpose_lhs_hint = false} : vector<5120x128xf32>, vector<128x36xf32>, vector<5120x36xf32> -> vector<5120x36xf32>
      %add3A_52 = arith.addf %dot_general3A_46, %dot_general3A_51 : vector<5120x36xf32>
      %get3A_53 = arith.constant 0 : index
      %get3A_54 = arith.constant 0 : index
      %get3A_55 = vector.load %arg14[%get3A_53, %get3A_54] : memref<5120x36xf32, #tpu.memory_space<vmem>>, vector<5120x36xf32>
      %add3A_56 = arith.addf %add3A_52, %get3A_55 : vector<5120x36xf32>
      %swap3A = arith.index_cast %arg1 : i32 to index
      %swap3A_57 = arith.constant 0 : index
      %swap3A_58 = arith.constant 0 : index
      %swap3A_59 = vector.load %arg19[%swap3A, %swap3A_57, %swap3A_58] : memref<5x5120x36xf32, #tpu.memory_space<vmem>>, vector<1x5120x36xf32>
      %swap3A_60 = vector.shape_cast %swap3A_59 : vector<1x5120x36xf32> to vector<5120x36xf32>
      %swap3A_61 = vector.shape_cast %add3A_41 : vector<5120x36xf32> to vector<1x5120x36xf32>
      tpu.vector_store %arg19[%swap3A, %swap3A_57, %swap3A_58], %swap3A_61 {strides = array<i32>} : memref<5x5120x36xf32, #tpu.memory_space<vmem>>, vector<1x5120x36xf32>,
      %swap3A_62 = arith.index_cast %arg1 : i32 to index
      %swap3A_63 = arith.constant 0 : index
      %swap3A_64 = arith.constant 0 : index
      %swap3A_65 = vector.load %arg20[%swap3A_62, %swap3A_63, %swap3A_64] : memref<5x5120x36xf32, #tpu.memory_space<vmem>>, vector<1x5120x36xf32>
      %swap3A_66 = vector.shape_cast %swap3A_65 : vector<1x5120x36xf32> to vector<5120x36xf32>
      %swap3A_67 = vector.shape_cast %add3A_56 : vector<5120x36xf32> to vector<1x5120x36xf32>
      tpu.vector_store %arg20[%swap3A_62, %swap3A_63, %swap3A_64], %swap3A_67 {strides = array<i32>} : memref<5x5120x36xf32, #tpu.memory_space<vmem>>, vector<1x5120x36xf32>,
      %get3A_68 = arith.constant 0 : index
      %get3A_69 = arith.constant 0 : index
      %get3A_70 = vector.load %arg21[%get3A_68, %get3A_69] : memref<2x36xf32, #tpu.memory_space<vmem>>, vector<1x36xf32>
      %reduce_sum3A = arith.constant dense<0.000000e+00> : vector<36xf32>
      %reduce_sum3A_71 = vector.multi_reduction <add>, %add3A_41, %reduce_sum3A [0] : vector<5120x36xf32> to vector<36xf32>
      %broadcast_in_dim3A = vector.shape_cast %reduce_sum3A_71 : vector<36xf32> to vector<1x36xf32>
      %reduce_sum3A_72 = arith.constant dense<0.000000e+00> : vector<36xf32>
      %reduce_sum3A_73 = vector.multi_reduction <add>, %add3A_56, %reduce_sum3A_72 [0] : vector<5120x36xf32> to vector<36xf32>
      %broadcast_in_dim3A_74 = vector.shape_cast %reduce_sum3A_73 : vector<36xf32> to vector<1x36xf32>
      %add3A_75 = arith.addf %broadcast_in_dim3A, %broadcast_in_dim3A_74 : vector<1x36xf32>
      %add3A_76 = arith.addf %get3A_70, %add3A_75 : vector<1x36xf32>
      %swap3A_77 = arith.constant 0 : index
      %swap3A_78 = arith.constant 0 : index
      %swap3A_79 = vector.load %arg21[%swap3A_77, %swap3A_78] : memref<2x36xf32, #tpu.memory_space<vmem>>, vector<1x36xf32>
      tpu.vector_store %arg21[%swap3A_77, %swap3A_78], %add3A_76 {strides = array<i32>} : memref<2x36xf32, #tpu.memory_space<vmem>>, vector<1x36xf32>,
      %get3A_80 = arith.constant 1 : index
      %get3A_81 = arith.constant 0 : index
      %get3A_82 = vector.load %arg21[%get3A_80, %get3A_81] : memref<2x36xf32, #tpu.memory_space<vmem>>, vector<1x36xf32>
      %mul3A_83 = arith.mulf %add3A_41, %add3A_41 : vector<5120x36xf32>
      %reduce_sum3A_84 = arith.constant dense<0.000000e+00> : vector<36xf32>
      %reduce_sum3A_85 = vector.multi_reduction <add>, %mul3A_83, %reduce_sum3A_84 [0] : vector<5120x36xf32> to vector<36xf32>
      %broadcast_in_dim3A_86 = vector.shape_cast %reduce_sum3A_85 : vector<36xf32> to vector<1x36xf32>
      %mul3A_87 = arith.mulf %add3A_56, %add3A_56 : vector<5120x36xf32>
      %reduce_sum3A_88 = arith.constant dense<0.000000e+00> : vector<36xf32>
      %reduce_sum3A_89 = vector.multi_reduction <add>, %mul3A_87, %reduce_sum3A_88 [0] : vector<5120x36xf32> to vector<36xf32>
      %broadcast_in_dim3A_90 = vector.shape_cast %reduce_sum3A_89 : vector<36xf32> to vector<1x36xf32>
      %add3A_91 = arith.addf %broadcast_in_dim3A_86, %broadcast_in_dim3A_90 : vector<1x36xf32>
      %add3A_92 = arith.addf %get3A_82, %add3A_91 : vector<1x36xf32>
      %swap3A_93 = arith.constant 1 : index
      %swap3A_94 = arith.constant 0 : index
      %swap3A_95 = vector.load %arg21[%swap3A_93, %swap3A_94] : memref<2x36xf32, #tpu.memory_space<vmem>>, vector<1x36xf32>
      tpu.vector_store %arg21[%swap3A_93, %swap3A_94], %add3A_92 {strides = array<i32>} : memref<2x36xf32, #tpu.memory_space<vmem>>, vector<1x36xf32>,
    } else {
    }
    %eq3A_9 = arith.constant 1 : i32
    %eq3A_10 = arith.cmpi eq, %arg0, %eq3A_9 : i32
    %eq3A_11 = arith.constant 0 : i32
    %eq3A_12 = arith.cmpi eq, %arg1, %eq3A_11 : i32
    %and3A_13 = arith.andi %eq3A_10, %eq3A_12 : i1
    %convert_element_type3A_14 = arith.extui %and3A_13 : i1 to i32
    %cond3A_15 = arith.constant 0 : i32
    %cond3A_16 = arith.cmpi ne, %convert_element_type3A_14, %cond3A_15 : i32
    scf.if %cond3A_16 {
      %get3A = arith.constant 0 : index
      %get3A_22 = arith.constant 0 : index
      %get3A_23 = vector.load %arg21[%get3A, %get3A_22] : memref<2x36xf32, #tpu.memory_space<vmem>>, vector<1x36xf32>
      %div3A = arith.constant 5.120000e+04 : f32
      %div3A_24 = vector.broadcast %div3A : f32 to vector<1x36xf32>
      %div3A_25 = arith.divf %get3A_23, %div3A_24 : vector<1x36xf32>
      %get3A_26 = arith.constant 1 : index
      %get3A_27 = arith.constant 0 : index
      %get3A_28 = vector.load %arg21[%get3A_26, %get3A_27] : memref<2x36xf32, #tpu.memory_space<vmem>>, vector<1x36xf32>
      %div3A_29 = arith.constant 5.120000e+04 : f32
      %div3A_30 = vector.broadcast %div3A_29 : f32 to vector<1x36xf32>
      %div3A_31 = arith.divf %get3A_28, %div3A_30 : vector<1x36xf32>
      %mul3A = arith.mulf %div3A_25, %div3A_25 : vector<1x36xf32>
      %sub3A = arith.subf %div3A_31, %mul3A : vector<1x36xf32>
      %add3A = arith.constant 9.99999974E-6 : f32
      %add3A_32 = vector.broadcast %add3A : f32 to vector<1x36xf32>
      %add3A_33 = arith.addf %sub3A, %add3A_32 : vector<1x36xf32>
      %rsqrt3A = math.rsqrt %add3A_33 : vector<1x36xf32>
      %get3A_34 = arith.constant 0 : index
      %get3A_35 = arith.constant 0 : index
      %get3A_36 = vector.load %arg6[%get3A_34, %get3A_35] : memref<1x36xf32, #tpu.memory_space<vmem>>, vector<1x36xf32>
      %mul3A_37 = arith.mulf %get3A_36, %get3A_36 : vector<1x36xf32>
      %mul3A_38 = arith.mulf %mul3A_37, %sub3A : vector<1x36xf32>
      %mul3A_39 = arith.mulf %rsqrt3A, %rsqrt3A : vector<1x36xf32>
      %mul3A_40 = arith.mulf %mul3A_38, %mul3A_39 : vector<1x36xf32>
      %add3A_41 = arith.constant 9.99999974E-6 : f32
      %add3A_42 = vector.broadcast %add3A_41 : f32 to vector<1x36xf32>
      %add3A_43 = arith.addf %mul3A_40, %add3A_42 : vector<1x36xf32>
      %rsqrt3A_44 = math.rsqrt %add3A_43 : vector<1x36xf32>
      %swap3A = arith.constant 0 : index
      %swap3A_45 = arith.constant 0 : index
      %swap3A_46 = vector.load %arg22[%swap3A, %swap3A_45] : memref<3x36xf32, #tpu.memory_space<vmem>>, vector<1x36xf32>
      tpu.vector_store %arg22[%swap3A, %swap3A_45], %div3A_25 {strides = array<i32>} : memref<3x36xf32, #tpu.memory_space<vmem>>, vector<1x36xf32>,
      %swap3A_47 = arith.constant 1 : index
      %swap3A_48 = arith.constant 0 : index
      %swap3A_49 = vector.load %arg22[%swap3A_47, %swap3A_48] : memref<3x36xf32, #tpu.memory_space<vmem>>, vector<1x36xf32>
      tpu.vector_store %arg22[%swap3A_47, %swap3A_48], %rsqrt3A {strides = array<i32>} : memref<3x36xf32, #tpu.memory_space<vmem>>, vector<1x36xf32>,
      %mul3A_50 = arith.mulf %get3A_36, %rsqrt3A_44 : vector<1x36xf32>
      %swap3A_51 = arith.constant 2 : index
      %swap3A_52 = arith.constant 0 : index
      %swap3A_53 = vector.load %arg22[%swap3A_51, %swap3A_52] : memref<3x36xf32, #tpu.memory_space<vmem>>, vector<1x36xf32>
      tpu.vector_store %arg22[%swap3A_51, %swap3A_52], %mul3A_50 {strides = array<i32>} : memref<3x36xf32, #tpu.memory_space<vmem>>, vector<1x36xf32>,
      %broadcast_in_dim3A = arith.constant 0.000000e+00 : f32
      %broadcast_in_dim3A_54 = vector.broadcast %broadcast_in_dim3A : f32 to vector<512x128xf32>
      %swap3A_55 = arith.constant 0 : index
      %swap3A_56 = arith.constant 0 : index
      %swap3A_57 = vector.load %arg11[%swap3A_55, %swap3A_56] : memref<512x128xf32, #tpu.memory_space<vmem>>, vector<512x128xf32>
      tpu.vector_store %arg11[%swap3A_55, %swap3A_56], %broadcast_in_dim3A_54 {strides = array<i32>} : memref<512x128xf32, #tpu.memory_space<vmem>>, vector<512x128xf32>,
    } else {
    }
    %eq3A_17 = arith.constant 1 : i32
    %eq3A_18 = arith.cmpi eq, %arg0, %eq3A_17 : i32
    %convert_element_type3A_19 = arith.extui %eq3A_18 : i1 to i32
    %cond3A_20 = arith.constant 0 : i32
    %cond3A_21 = arith.cmpi ne, %convert_element_type3A_19, %cond3A_20 : i32
    scf.if %cond3A_21 {
      %get3A = arith.index_cast %arg1 : i32 to index
      %get3A_22 = arith.constant 0 : index
      %get3A_23 = arith.constant 0 : index
      %get3A_24 = vector.load %arg19[%get3A, %get3A_22, %get3A_23] : memref<5x5120x36xf32, #tpu.memory_space<vmem>>, vector<1x5120x36xf32>
      %get3A_25 = vector.shape_cast %get3A_24 : vector<1x5120x36xf32> to vector<5120x36xf32>
      %get3A_26 = arith.constant 0 : index
      %get3A_27 = arith.constant 0 : index
      %get3A_28 = vector.load %arg22[%get3A_26, %get3A_27] : memref<3x36xf32, #tpu.memory_space<vmem>>, vector<1x36xf32>
      %sub3A = vector.broadcast %get3A_28 : vector<1x36xf32> to vector<5120x36xf32>
      %sub3A_29 = arith.subf %get3A_25, %sub3A : vector<5120x36xf32>
      %get3A_30 = arith.constant 1 : index
      %get3A_31 = arith.constant 0 : index
      %get3A_32 = vector.load %arg22[%get3A_30, %get3A_31] : memref<3x36xf32, #tpu.memory_space<vmem>>, vector<1x36xf32>
      %mul3A = vector.broadcast %get3A_32 : vector<1x36xf32> to vector<5120x36xf32>
      %mul3A_33 = arith.mulf %sub3A_29, %mul3A : vector<5120x36xf32>
      %get3A_34 = arith.constant 0 : index
      %get3A_35 = arith.constant 0 : index
      %get3A_36 = vector.load %arg6[%get3A_34, %get3A_35] : memref<1x36xf32, #tpu.memory_space<vmem>>, vector<1x36xf32>
      %mul3A_37 = vector.broadcast %get3A_36 : vector<1x36xf32> to vector<5120x36xf32>
      %mul3A_38 = arith.mulf %mul3A_37, %mul3A_33 : vector<5120x36xf32>
      %get3A_39 = arith.constant 0 : index
      %get3A_40 = arith.constant 0 : index
      %get3A_41 = vector.load %arg7[%get3A_39, %get3A_40] : memref<1x36xf32, #tpu.memory_space<vmem>>, vector<1x36xf32>
      %add3A = vector.broadcast %get3A_41 : vector<1x36xf32> to vector<5120x36xf32>
      %add3A_42 = arith.addf %mul3A_38, %add3A : vector<5120x36xf32>
      %get3A_43 = arith.constant 2 : index
      %get3A_44 = arith.constant 0 : index
      %get3A_45 = vector.load %arg22[%get3A_43, %get3A_44] : memref<3x36xf32, #tpu.memory_space<vmem>>, vector<1x36xf32>
      %mul3A_46 = vector.broadcast %get3A_45 : vector<1x36xf32> to vector<5120x36xf32>
      %mul3A_47 = arith.mulf %mul3A_46, %mul3A_33 : vector<5120x36xf32>
      %logistic3A = arith.negf %mul3A_47 : vector<5120x36xf32>
      %logistic3A_48 = math.exp %logistic3A : vector<5120x36xf32>
      %logistic3A_49 = arith.constant 1.000000e+00 : f32
      %logistic3A_50 = vector.broadcast %logistic3A_49 : f32 to vector<5120x36xf32>
      %logistic3A_51 = arith.addf %logistic3A_50, %logistic3A_48 : vector<5120x36xf32>
      %logistic3A_52 = arith.divf %logistic3A_50, %logistic3A_51 : vector<5120x36xf32>
      %get3A_53 = arith.constant 0 : index
      %get3A_54 = arith.constant 0 : index
      %get3A_55 = vector.load %arg8[%get3A_53, %get3A_54] : memref<1x36xf32, #tpu.memory_space<vmem>>, vector<1x36xf32>
      %sub3A_56 = arith.constant 1.000000e+00 : f32
      %sub3A_57 = vector.broadcast %sub3A_56 : f32 to vector<1x36xf32>
      %sub3A_58 = arith.subf %sub3A_57, %get3A_55 : vector<1x36xf32>
      %mul3A_59 = vector.broadcast %sub3A_58 : vector<1x36xf32> to vector<5120x36xf32>
      %mul3A_60 = arith.mulf %logistic3A_52, %mul3A_59 : vector<5120x36xf32>
      %add3A_61 = vector.broadcast %get3A_55 : vector<1x36xf32> to vector<5120x36xf32>
      %add3A_62 = arith.addf %add3A_61, %mul3A_60 : vector<5120x36xf32>
      %mul3A_63 = arith.mulf %add3A_42, %add3A_62 : vector<5120x36xf32>
      %get3A_64 = arith.constant 0 : index
      %get3A_65 = arith.constant 0 : index
      %get3A_66 = vector.load %arg9[%get3A_64, %get3A_65] : memref<1x36xf32, #tpu.memory_space<vmem>>, vector<1x36xf32>
      %mul3A_67 = vector.broadcast %get3A_66 : vector<1x36xf32> to vector<5120x36xf32>
      %mul3A_68 = arith.mulf %mul3A_63, %mul3A_67 : vector<5120x36xf32>
      %reduce_sum3A = arith.constant dense<0.000000e+00> : vector<5120xf32>
      %reduce_sum3A_69 = vector.multi_reduction <add>, %mul3A_68, %reduce_sum3A [1] : vector<5120x36xf32> to vector<5120xf32>
      %broadcast_in_dim3A = vector.shape_cast %reduce_sum3A_69 : vector<5120xf32> to vector<5120x1xf32>
      %get3A_70 = arith.constant 0 : index
      %get3A_71 = arith.constant 0 : index
      %get3A_72 = vector.load %arg10[%get3A_70, %get3A_71] : memref<1x1xf32, #tpu.memory_space<vmem>>, vector<1x1xf32>
      %get3A_73 = vector.extract %get3A_72[0, 0] : f32 from vector<1x1xf32>
      %add3A_74 = vector.broadcast %get3A_73 : f32 to vector<5120x1xf32>
      %add3A_75 = arith.addf %broadcast_in_dim3A, %add3A_74 : vector<5120x1xf32>
      %get3A_76 = arith.index_cast %arg1 : i32 to index
      %get3A_77 = arith.constant 0 : index
      %get3A_78 = arith.constant 0 : index
      %get3A_79 = vector.load %arg20[%get3A_76, %get3A_77, %get3A_78] : memref<5x5120x36xf32, #tpu.memory_space<vmem>>, vector<1x5120x36xf32>
      %get3A_80 = vector.shape_cast %get3A_79 : vector<1x5120x36xf32> to vector<5120x36xf32>
      %get3A_81 = arith.constant 0 : index
      %get3A_82 = arith.constant 0 : index
      %get3A_83 = vector.load %arg22[%get3A_81, %get3A_82] : memref<3x36xf32, #tpu.memory_space<vmem>>, vector<1x36xf32>
      %sub3A_84 = vector.broadcast %get3A_83 : vector<1x36xf32> to vector<5120x36xf32>
      %sub3A_85 = arith.subf %get3A_80, %sub3A_84 : vector<5120x36xf32>
      %get3A_86 = arith.constant 1 : index
      %get3A_87 = arith.constant 0 : index
      %get3A_88 = vector.load %arg22[%get3A_86, %get3A_87] : memref<3x36xf32, #tpu.memory_space<vmem>>, vector<1x36xf32>
      %mul3A_89 = vector.broadcast %get3A_88 : vector<1x36xf32> to vector<5120x36xf32>
      %mul3A_90 = arith.mulf %sub3A_85, %mul3A_89 : vector<5120x36xf32>
      %get3A_91 = arith.constant 0 : index
      %get3A_92 = arith.constant 0 : index
      %get3A_93 = vector.load %arg6[%get3A_91, %get3A_92] : memref<1x36xf32, #tpu.memory_space<vmem>>, vector<1x36xf32>
      %mul3A_94 = vector.broadcast %get3A_93 : vector<1x36xf32> to vector<5120x36xf32>
      %mul3A_95 = arith.mulf %mul3A_94, %mul3A_90 : vector<5120x36xf32>
      %get3A_96 = arith.constant 0 : index
      %get3A_97 = arith.constant 0 : index
      %get3A_98 = vector.load %arg7[%get3A_96, %get3A_97] : memref<1x36xf32, #tpu.memory_space<vmem>>, vector<1x36xf32>
      %add3A_99 = vector.broadcast %get3A_98 : vector<1x36xf32> to vector<5120x36xf32>
      %add3A_100 = arith.addf %mul3A_95, %add3A_99 : vector<5120x36xf32>
      %get3A_101 = arith.constant 2 : index
      %get3A_102 = arith.constant 0 : index
      %get3A_103 = vector.load %arg22[%get3A_101, %get3A_102] : memref<3x36xf32, #tpu.memory_space<vmem>>, vector<1x36xf32>
      %mul3A_104 = vector.broadcast %get3A_103 : vector<1x36xf32> to vector<5120x36xf32>
      %mul3A_105 = arith.mulf %mul3A_104, %mul3A_90 : vector<5120x36xf32>
      %logistic3A_106 = arith.negf %mul3A_105 : vector<5120x36xf32>
      %logistic3A_107 = math.exp %logistic3A_106 : vector<5120x36xf32>
      %logistic3A_108 = arith.constant 1.000000e+00 : f32
      %logistic3A_109 = vector.broadcast %logistic3A_108 : f32 to vector<5120x36xf32>
      %logistic3A_110 = arith.addf %logistic3A_109, %logistic3A_107 : vector<5120x36xf32>
      %logistic3A_111 = arith.divf %logistic3A_109, %logistic3A_110 : vector<5120x36xf32>
      %get3A_112 = arith.constant 0 : index
      %get3A_113 = arith.constant 0 : index
      %get3A_114 = vector.load %arg8[%get3A_112, %get3A_113] : memref<1x36xf32, #tpu.memory_space<vmem>>, vector<1x36xf32>
      %sub3A_115 = arith.constant 1.000000e+00 : f32
      %sub3A_116 = vector.broadcast %sub3A_115 : f32 to vector<1x36xf32>
      %sub3A_117 = arith.subf %sub3A_116, %get3A_114 : vector<1x36xf32>
      %mul3A_118 = vector.broadcast %sub3A_117 : vector<1x36xf32> to vector<5120x36xf32>
      %mul3A_119 = arith.mulf %logistic3A_111, %mul3A_118 : vector<5120x36xf32>
      %add3A_120 = vector.broadcast %get3A_114 : vector<1x36xf32> to vector<5120x36xf32>
      %add3A_121 = arith.addf %add3A_120, %mul3A_119 : vector<5120x36xf32>
      %mul3A_122 = arith.mulf %add3A_100, %add3A_121 : vector<5120x36xf32>
      %get3A_123 = arith.constant 0 : index
      %get3A_124 = arith.constant 0 : index
      %get3A_125 = vector.load %arg9[%get3A_123, %get3A_124] : memref<1x36xf32, #tpu.memory_space<vmem>>, vector<1x36xf32>
      %mul3A_126 = vector.broadcast %get3A_125 : vector<1x36xf32> to vector<5120x36xf32>
      %mul3A_127 = arith.mulf %mul3A_122, %mul3A_126 : vector<5120x36xf32>
      %reduce_sum3A_128 = arith.constant dense<0.000000e+00> : vector<5120xf32>
      %reduce_sum3A_129 = vector.multi_reduction <add>, %mul3A_127, %reduce_sum3A_128 [1] : vector<5120x36xf32> to vector<5120xf32>
      %broadcast_in_dim3A_130 = vector.shape_cast %reduce_sum3A_129 : vector<5120xf32> to vector<5120x1xf32>
      %get3A_131 = arith.constant 0 : index
      %get3A_132 = arith.constant 0 : index
      %get3A_133 = vector.load %arg10[%get3A_131, %get3A_132] : memref<1x1xf32, #tpu.memory_space<vmem>>, vector<1x1xf32>
      %get3A_134 = vector.extract %get3A_133[0, 0] : f32 from vector<1x1xf32>
      %add3A_135 = vector.broadcast %get3A_134 : f32 to vector<5120x1xf32>
      %add3A_136 = arith.addf %broadcast_in_dim3A_130, %add3A_135 : vector<5120x1xf32>
      %get3A_137 = arith.index_cast %arg1 : i32 to index
      %get3A_138 = arith.constant 0 : index
      %get3A_139 = arith.constant 0 : index
      %get3A_140 = vector.load %arg2[%get3A_137, %get3A_138, %get3A_139] : memref<5x5120x128xf32, #tpu.memory_space<vmem>>, vector<1x5120x128xf32>
      %get3A_141 = vector.shape_cast %get3A_140 : vector<1x5120x128xf32> to vector<5120x128xf32>
      %iota3A = tpu.iota {dimensions = array<i32: 1>} : vector<5120x128xi32>
      %lt3A = arith.constant 64 : i32
      %lt3A_142 = vector.broadcast %lt3A : i32 to vector<5120x128xi32>
      %lt3A_143 = arith.cmpi slt, %iota3A, %lt3A_142 : vector<5120x128xi32>
      %broadcast_in_dim3A_144 = vector.shape_cast %add3A_75 : vector<5120x1xf32> to vector<5120x1xf32>
      %broadcast_in_dim3A_145 = vector.broadcast %broadcast_in_dim3A_144 : vector<5120x1xf32> to vector<5120x128xf32>
      %broadcast_in_dim3A_146 = vector.shape_cast %add3A_136 : vector<5120x1xf32> to vector<5120x1xf32>
      %broadcast_in_dim3A_147 = vector.broadcast %broadcast_in_dim3A_146 : vector<5120x1xf32> to vector<5120x128xf32>
      %select_n3A = arith.select %lt3A_143, %broadcast_in_dim3A_145, %broadcast_in_dim3A_147 : vector<5120x128xi1>, vector<5120x128xf32>
      %mul3A_148 = arith.mulf %select_n3A, %get3A_141 : vector<5120x128xf32>
      %slice3A = vector.extract_strided_slice %mul3A_148 {offsets = [0, 0], sizes = [512, 128], strides = [1, 1]} : vector<5120x128xf32> to vector<512x128xf32>
      %slice3A_149 = vector.extract_strided_slice %mul3A_148 {offsets = [512, 0], sizes = [512, 128], strides = [1, 1]} : vector<5120x128xf32> to vector<512x128xf32>
      %add3A_150 = arith.addf %slice3A, %slice3A_149 : vector<512x128xf32>
      %slice3A_151 = vector.extract_strided_slice %mul3A_148 {offsets = [1024, 0], sizes = [512, 128], strides = [1, 1]} : vector<5120x128xf32> to vector<512x128xf32>
      %add3A_152 = arith.addf %add3A_150, %slice3A_151 : vector<512x128xf32>
      %slice3A_153 = vector.extract_strided_slice %mul3A_148 {offsets = [1536, 0], sizes = [512, 128], strides = [1, 1]} : vector<5120x128xf32> to vector<512x128xf32>
      %add3A_154 = arith.addf %add3A_152, %slice3A_153 : vector<512x128xf32>
      %slice3A_155 = vector.extract_strided_slice %mul3A_148 {offsets = [2048, 0], sizes = [512, 128], strides = [1, 1]} : vector<5120x128xf32> to vector<512x128xf32>
      %add3A_156 = arith.addf %add3A_154, %slice3A_155 : vector<512x128xf32>
      %slice3A_157 = vector.extract_strided_slice %mul3A_148 {offsets = [2560, 0], sizes = [512, 128], strides = [1, 1]} : vector<5120x128xf32> to vector<512x128xf32>
      %add3A_158 = arith.addf %add3A_156, %slice3A_157 : vector<512x128xf32>
      %slice3A_159 = vector.extract_strided_slice %mul3A_148 {offsets = [3072, 0], sizes = [512, 128], strides = [1, 1]} : vector<5120x128xf32> to vector<512x128xf32>
      %add3A_160 = arith.addf %add3A_158, %slice3A_159 : vector<512x128xf32>
      %slice3A_161 = vector.extract_strided_slice %mul3A_148 {offsets = [3584, 0], sizes = [512, 128], strides = [1, 1]} : vector<5120x128xf32> to vector<512x128xf32>
      %add3A_162 = arith.addf %add3A_160, %slice3A_161 : vector<512x128xf32>
      %slice3A_163 = vector.extract_strided_slice %mul3A_148 {offsets = [4096, 0], sizes = [512, 128], strides = [1, 1]} : vector<5120x128xf32> to vector<512x128xf32>
      %add3A_164 = arith.addf %add3A_162, %slice3A_163 : vector<512x128xf32>
      %slice3A_165 = vector.extract_strided_slice %mul3A_148 {offsets = [4608, 0], sizes = [512, 128], strides = [1, 1]} : vector<5120x128xf32> to vector<512x128xf32>
      %add3A_166 = arith.addf %add3A_164, %slice3A_165 : vector<512x128xf32>
      %get3A_167 = arith.constant 0 : index
      %get3A_168 = arith.constant 0 : index
      %get3A_169 = vector.load %arg11[%get3A_167, %get3A_168] : memref<512x128xf32, #tpu.memory_space<vmem>>, vector<512x128xf32>
      %add3A_170 = arith.addf %get3A_169, %add3A_166 : vector<512x128xf32>
      %swap3A = arith.constant 0 : index
      %swap3A_171 = arith.constant 0 : index
      %swap3A_172 = vector.load %arg11[%swap3A, %swap3A_171] : memref<512x128xf32, #tpu.memory_space<vmem>>, vector<512x128xf32>
      tpu.vector_store %arg11[%swap3A, %swap3A_171], %add3A_170 {strides = array<i32>} : memref<512x128xf32, #tpu.memory_space<vmem>>, vector<512x128xf32>,
    } else {
    }
    return
  }
  func.func @transform_0(%arg0: i32, %arg1: i32) -> (i32, i32, i32) {
    %c0_i32 = arith.constant 0 : i32
    %c0_i32_0 = arith.constant 0 : i32
    %c0_i32_1 = arith.constant 0 : i32
    %c0_i32_2 = arith.constant 0 : i32
    return %c0_i32, %c0_i32_0, %c0_i32_1 : i32, i32, i32
  }
  func.func @transform_1(%arg0: i32, %arg1: i32) -> (i32, i32, i32) {
    %c0_i32 = arith.constant 0 : i32
    %c0_i32_0 = arith.constant 0 : i32
    %c0_i32_1 = arith.constant 0 : i32
    %c0_i32_2 = arith.constant 0 : i32
    return %c0_i32, %c0_i32_0, %c0_i32_1 : i32, i32, i32
  }
  func.func @transform_2(%arg0: i32, %arg1: i32) -> (i32, i32) {
    %c0_i32 = arith.constant 0 : i32
    %c0_i32_0 = arith.constant 0 : i32
    %c0_i32_1 = arith.constant 0 : i32
    return %c0_i32, %c0_i32_0 : i32, i32
  }
  func.func @transform_3(%arg0: i32, %arg1: i32) -> (i32, i32) {
    %c0_i32 = arith.constant 0 : i32
    %c0_i32_0 = arith.constant 0 : i32
    %c0_i32_1 = arith.constant 0 : i32
    return %c0_i32, %c0_i32_0 : i32, i32
  }
  func.func @transform_4(%arg0: i32, %arg1: i32) -> (i32, i32) {
    %c0_i32 = arith.constant 0 : i32
    %c0_i32_0 = arith.constant 0 : i32
    %c0_i32_1 = arith.constant 0 : i32
    return %c0_i32, %c0_i32_0 : i32, i32
  }
  func.func @transform_5(%arg0: i32, %arg1: i32) -> (i32, i32) {
    %c0_i32 = arith.constant 0 : i32
    %c0_i32_0 = arith.constant 0 : i32
    %c0_i32_1 = arith.constant 0 : i32
    return %c0_i32, %c0_i32_0 : i32, i32
  }
  func.func @transform_6(%arg0: i32, %arg1: i32) -> (i32, i32) {
    %c0_i32 = arith.constant 0 : i32
    %c0_i32_0 = arith.constant 0 : i32
    %c0_i32_1 = arith.constant 0 : i32
    return %c0_i32, %c0_i32_0 : i32, i32
  }
  func.func @transform_7(%arg0: i32, %arg1: i32) -> (i32, i32) {
    %c0_i32 = arith.constant 0 : i32
    %c0_i32_0 = arith.constant 0 : i32
    %c0_i32_1 = arith.constant 0 : i32
    return %c0_i32, %c0_i32_0 : i32, i32
  }
  func.func @transform_8(%arg0: i32, %arg1: i32) -> (i32, i32) {
    %c0_i32 = arith.constant 0 : i32
    %c0_i32_0 = arith.constant 0 : i32
    %c0_i32_1 = arith.constant 0 : i32
    return %c0_i32, %c0_i32_0 : i32, i32
  }
  func.func @transform_9(%arg0: i32, %arg1: i32) -> (i32, i32) {
    %c0_i32 = arith.constant 0 : i32
    %c0_i32_0 = arith.constant 0 : i32
    %c0_i32_1 = arith.constant 0 : i32
    return %c0_i32, %c0_i32_0 : i32, i32
  }
}

module attributes {stable_mosaic.version = 14 : i64} {
  func.func @_tower_body(%arg0: memref<26x512x128xf32, #tpu.memory_space<vmem>>, %arg1: memref<11x512x128xf32, #tpu.memory_space<vmem>>, %arg2: memref<512x128xf32, #tpu.memory_space<vmem>>, %arg3: memref<128x128xf32, #tpu.memory_space<vmem>>, %arg4: memref<26x128x512xf32, #tpu.memory_space<vmem>>, %arg5: memref<128x512xf32, #tpu.memory_space<vmem>>, %arg6: memref<1x512xf32, #tpu.memory_space<vmem>>, %arg7: memref<1x256xf32, #tpu.memory_space<vmem>>, %arg8: memref<1x256xf32, #tpu.memory_space<vmem>>, %arg9: memref<1x256xf32, #tpu.memory_space<vmem>>, %arg10: memref<256x128xf32, #tpu.memory_space<vmem>>, %arg11: memref<256x128xf32, #tpu.memory_space<vmem>>, %arg12: memref<1x128xf32, #tpu.memory_space<vmem>>, %arg13: memref<1x128xf32, #tpu.memory_space<vmem>>, %arg14: memref<1x128xf32, #tpu.memory_space<vmem>>, %arg15: memref<1x128xf32, #tpu.memory_space<vmem>>, %arg16: memref<512x22xf32, #tpu.memory_space<vmem>>) attributes {dimension_semantics = [], scalar_prefetch = 0 : i64, scratch_operands = 0 : i64, tpu.core_type = #tpu.core_type<tc>} {
    %get3A = arith.constant 0 : index
    %get3A_0 = arith.constant 0 : index
    %get3A_1 = vector.load %arg2[%get3A, %get3A_0] : memref<512x128xf32, #tpu.memory_space<vmem>>, vector<512x128xf32>
    %get3A_2 = arith.constant 0 : index
    %get3A_3 = arith.constant 0 : index
    %get3A_4 = vector.load %arg5[%get3A_2, %get3A_3] : memref<128x512xf32, #tpu.memory_space<vmem>>, vector<128x512xf32>
    %dot_general3A = arith.constant dense<0.000000e+00> : vector<512x512xf32>
    %dot_general3A_5 = tpu.matmul %get3A_1, %get3A_4, %dot_general3A {dimension_numbers = #tpu.dot_dimension_numbers<[1], [0], [0], [1], [0, 0, 1, 1], [], []>, transpose_lhs_hint = false} : vector<512x128xf32>, vector<128x512xf32>, vector<512x512xf32> -> vector<512x512xf32>
    %get3A_6 = arith.constant 0 : index
    %get3A_7 = arith.constant 0 : index
    %get3A_8 = vector.load %arg6[%get3A_6, %get3A_7] : memref<1x512xf32, #tpu.memory_space<vmem>>, vector<1x512xf32>
    %add3A = vector.broadcast %get3A_8 : vector<1x512xf32> to vector<512x512xf32>
    %add3A_9 = arith.addf %dot_general3A_5, %add3A : vector<512x512xf32>
    %get3A_10 = arith.constant 0 : index
    %get3A_11 = arith.constant 0 : index
    %get3A_12 = arith.constant 0 : index
    %get3A_13 = vector.load %arg0[%get3A_10, %get3A_11, %get3A_12] : memref<26x512x128xf32, #tpu.memory_space<vmem>>, vector<1x512x128xf32>
    %get3A_14 = vector.shape_cast %get3A_13 : vector<1x512x128xf32> to vector<512x128xf32>
    %get3A_15 = arith.constant 0 : index
    %get3A_16 = arith.constant 0 : index
    %get3A_17 = arith.constant 0 : index
    %get3A_18 = vector.load %arg4[%get3A_15, %get3A_16, %get3A_17] : memref<26x128x512xf32, #tpu.memory_space<vmem>>, vector<1x128x512xf32>
    %get3A_19 = vector.shape_cast %get3A_18 : vector<1x128x512xf32> to vector<128x512xf32>
    %dot_general3A_20 = arith.constant dense<0.000000e+00> : vector<512x512xf32>
    %dot_general3A_21 = tpu.matmul %get3A_14, %get3A_19, %dot_general3A_20 {dimension_numbers = #tpu.dot_dimension_numbers<[1], [0], [0], [1], [0, 0, 1, 1], [], []>, transpose_lhs_hint = false} : vector<512x128xf32>, vector<128x512xf32>, vector<512x512xf32> -> vector<512x512xf32>
    %add3A_22 = arith.addf %add3A_9, %dot_general3A_21 : vector<512x512xf32>
    %get3A_23 = arith.constant 1 : index
    %get3A_24 = arith.constant 0 : index
    %get3A_25 = arith.constant 0 : index
    %get3A_26 = vector.load %arg0[%get3A_23, %get3A_24, %get3A_25] : memref<26x512x128xf32, #tpu.memory_space<vmem>>, vector<1x512x128xf32>
    %get3A_27 = vector.shape_cast %get3A_26 : vector<1x512x128xf32> to vector<512x128xf32>
    %get3A_28 = arith.constant 1 : index
    %get3A_29 = arith.constant 0 : index
    %get3A_30 = arith.constant 0 : index
    %get3A_31 = vector.load %arg4[%get3A_28, %get3A_29, %get3A_30] : memref<26x128x512xf32, #tpu.memory_space<vmem>>, vector<1x128x512xf32>
    %get3A_32 = vector.shape_cast %get3A_31 : vector<1x128x512xf32> to vector<128x512xf32>
    %dot_general3A_33 = arith.constant dense<0.000000e+00> : vector<512x512xf32>
    %dot_general3A_34 = tpu.matmul %get3A_27, %get3A_32, %dot_general3A_33 {dimension_numbers = #tpu.dot_dimension_numbers<[1], [0], [0], [1], [0, 0, 1, 1], [], []>, transpose_lhs_hint = false} : vector<512x128xf32>, vector<128x512xf32>, vector<512x512xf32> -> vector<512x512xf32>
    %add3A_35 = arith.addf %add3A_22, %dot_general3A_34 : vector<512x512xf32>
    %get3A_36 = arith.constant 2 : index
    %get3A_37 = arith.constant 0 : index
    %get3A_38 = arith.constant 0 : index
    %get3A_39 = vector.load %arg0[%get3A_36, %get3A_37, %get3A_38] : memref<26x512x128xf32, #tpu.memory_space<vmem>>, vector<1x512x128xf32>
    %get3A_40 = vector.shape_cast %get3A_39 : vector<1x512x128xf32> to vector<512x128xf32>
    %get3A_41 = arith.constant 2 : index
    %get3A_42 = arith.constant 0 : index
    %get3A_43 = arith.constant 0 : index
    %get3A_44 = vector.load %arg4[%get3A_41, %get3A_42, %get3A_43] : memref<26x128x512xf32, #tpu.memory_space<vmem>>, vector<1x128x512xf32>
    %get3A_45 = vector.shape_cast %get3A_44 : vector<1x128x512xf32> to vector<128x512xf32>
    %dot_general3A_46 = arith.constant dense<0.000000e+00> : vector<512x512xf32>
    %dot_general3A_47 = tpu.matmul %get3A_40, %get3A_45, %dot_general3A_46 {dimension_numbers = #tpu.dot_dimension_numbers<[1], [0], [0], [1], [0, 0, 1, 1], [], []>, transpose_lhs_hint = false} : vector<512x128xf32>, vector<128x512xf32>, vector<512x512xf32> -> vector<512x512xf32>
    %add3A_48 = arith.addf %add3A_35, %dot_general3A_47 : vector<512x512xf32>
    %get3A_49 = arith.constant 3 : index
    %get3A_50 = arith.constant 0 : index
    %get3A_51 = arith.constant 0 : index
    %get3A_52 = vector.load %arg0[%get3A_49, %get3A_50, %get3A_51] : memref<26x512x128xf32, #tpu.memory_space<vmem>>, vector<1x512x128xf32>
    %get3A_53 = vector.shape_cast %get3A_52 : vector<1x512x128xf32> to vector<512x128xf32>
    %get3A_54 = arith.constant 3 : index
    %get3A_55 = arith.constant 0 : index
    %get3A_56 = arith.constant 0 : index
    %get3A_57 = vector.load %arg4[%get3A_54, %get3A_55, %get3A_56] : memref<26x128x512xf32, #tpu.memory_space<vmem>>, vector<1x128x512xf32>
    %get3A_58 = vector.shape_cast %get3A_57 : vector<1x128x512xf32> to vector<128x512xf32>
    %dot_general3A_59 = arith.constant dense<0.000000e+00> : vector<512x512xf32>
    %dot_general3A_60 = tpu.matmul %get3A_53, %get3A_58, %dot_general3A_59 {dimension_numbers = #tpu.dot_dimension_numbers<[1], [0], [0], [1], [0, 0, 1, 1], [], []>, transpose_lhs_hint = false} : vector<512x128xf32>, vector<128x512xf32>, vector<512x512xf32> -> vector<512x512xf32>
    %add3A_61 = arith.addf %add3A_48, %dot_general3A_60 : vector<512x512xf32>
    %get3A_62 = arith.constant 4 : index
    %get3A_63 = arith.constant 0 : index
    %get3A_64 = arith.constant 0 : index
    %get3A_65 = vector.load %arg0[%get3A_62, %get3A_63, %get3A_64] : memref<26x512x128xf32, #tpu.memory_space<vmem>>, vector<1x512x128xf32>
    %get3A_66 = vector.shape_cast %get3A_65 : vector<1x512x128xf32> to vector<512x128xf32>
    %get3A_67 = arith.constant 4 : index
    %get3A_68 = arith.constant 0 : index
    %get3A_69 = arith.constant 0 : index
    %get3A_70 = vector.load %arg4[%get3A_67, %get3A_68, %get3A_69] : memref<26x128x512xf32, #tpu.memory_space<vmem>>, vector<1x128x512xf32>
    %get3A_71 = vector.shape_cast %get3A_70 : vector<1x128x512xf32> to vector<128x512xf32>
    %dot_general3A_72 = arith.constant dense<0.000000e+00> : vector<512x512xf32>
    %dot_general3A_73 = tpu.matmul %get3A_66, %get3A_71, %dot_general3A_72 {dimension_numbers = #tpu.dot_dimension_numbers<[1], [0], [0], [1], [0, 0, 1, 1], [], []>, transpose_lhs_hint = false} : vector<512x128xf32>, vector<128x512xf32>, vector<512x512xf32> -> vector<512x512xf32>
    %add3A_74 = arith.addf %add3A_61, %dot_general3A_73 : vector<512x512xf32>
    %get3A_75 = arith.constant 5 : index
    %get3A_76 = arith.constant 0 : index
    %get3A_77 = arith.constant 0 : index
    %get3A_78 = vector.load %arg0[%get3A_75, %get3A_76, %get3A_77] : memref<26x512x128xf32, #tpu.memory_space<vmem>>, vector<1x512x128xf32>
    %get3A_79 = vector.shape_cast %get3A_78 : vector<1x512x128xf32> to vector<512x128xf32>
    %get3A_80 = arith.constant 5 : index
    %get3A_81 = arith.constant 0 : index
    %get3A_82 = arith.constant 0 : index
    %get3A_83 = vector.load %arg4[%get3A_80, %get3A_81, %get3A_82] : memref<26x128x512xf32, #tpu.memory_space<vmem>>, vector<1x128x512xf32>
    %get3A_84 = vector.shape_cast %get3A_83 : vector<1x128x512xf32> to vector<128x512xf32>
    %dot_general3A_85 = arith.constant dense<0.000000e+00> : vector<512x512xf32>
    %dot_general3A_86 = tpu.matmul %get3A_79, %get3A_84, %dot_general3A_85 {dimension_numbers = #tpu.dot_dimension_numbers<[1], [0], [0], [1], [0, 0, 1, 1], [], []>, transpose_lhs_hint = false} : vector<512x128xf32>, vector<128x512xf32>, vector<512x512xf32> -> vector<512x512xf32>
    %add3A_87 = arith.addf %add3A_74, %dot_general3A_86 : vector<512x512xf32>
    %get3A_88 = arith.constant 6 : index
    %get3A_89 = arith.constant 0 : index
    %get3A_90 = arith.constant 0 : index
    %get3A_91 = vector.load %arg0[%get3A_88, %get3A_89, %get3A_90] : memref<26x512x128xf32, #tpu.memory_space<vmem>>, vector<1x512x128xf32>
    %get3A_92 = vector.shape_cast %get3A_91 : vector<1x512x128xf32> to vector<512x128xf32>
    %get3A_93 = arith.constant 6 : index
    %get3A_94 = arith.constant 0 : index
    %get3A_95 = arith.constant 0 : index
    %get3A_96 = vector.load %arg4[%get3A_93, %get3A_94, %get3A_95] : memref<26x128x512xf32, #tpu.memory_space<vmem>>, vector<1x128x512xf32>
    %get3A_97 = vector.shape_cast %get3A_96 : vector<1x128x512xf32> to vector<128x512xf32>
    %dot_general3A_98 = arith.constant dense<0.000000e+00> : vector<512x512xf32>
    %dot_general3A_99 = tpu.matmul %get3A_92, %get3A_97, %dot_general3A_98 {dimension_numbers = #tpu.dot_dimension_numbers<[1], [0], [0], [1], [0, 0, 1, 1], [], []>, transpose_lhs_hint = false} : vector<512x128xf32>, vector<128x512xf32>, vector<512x512xf32> -> vector<512x512xf32>
    %add3A_100 = arith.addf %add3A_87, %dot_general3A_99 : vector<512x512xf32>
    %get3A_101 = arith.constant 7 : index
    %get3A_102 = arith.constant 0 : index
    %get3A_103 = arith.constant 0 : index
    %get3A_104 = vector.load %arg0[%get3A_101, %get3A_102, %get3A_103] : memref<26x512x128xf32, #tpu.memory_space<vmem>>, vector<1x512x128xf32>
    %get3A_105 = vector.shape_cast %get3A_104 : vector<1x512x128xf32> to vector<512x128xf32>
    %get3A_106 = arith.constant 7 : index
    %get3A_107 = arith.constant 0 : index
    %get3A_108 = arith.constant 0 : index
    %get3A_109 = vector.load %arg4[%get3A_106, %get3A_107, %get3A_108] : memref<26x128x512xf32, #tpu.memory_space<vmem>>, vector<1x128x512xf32>
    %get3A_110 = vector.shape_cast %get3A_109 : vector<1x128x512xf32> to vector<128x512xf32>
    %dot_general3A_111 = arith.constant dense<0.000000e+00> : vector<512x512xf32>
    %dot_general3A_112 = tpu.matmul %get3A_105, %get3A_110, %dot_general3A_111 {dimension_numbers = #tpu.dot_dimension_numbers<[1], [0], [0], [1], [0, 0, 1, 1], [], []>, transpose_lhs_hint = false} : vector<512x128xf32>, vector<128x512xf32>, vector<512x512xf32> -> vector<512x512xf32>
    %add3A_113 = arith.addf %add3A_100, %dot_general3A_112 : vector<512x512xf32>
    %get3A_114 = arith.constant 8 : index
    %get3A_115 = arith.constant 0 : index
    %get3A_116 = arith.constant 0 : index
    %get3A_117 = vector.load %arg0[%get3A_114, %get3A_115, %get3A_116] : memref<26x512x128xf32, #tpu.memory_space<vmem>>, vector<1x512x128xf32>
    %get3A_118 = vector.shape_cast %get3A_117 : vector<1x512x128xf32> to vector<512x128xf32>
    %get3A_119 = arith.constant 8 : index
    %get3A_120 = arith.constant 0 : index
    %get3A_121 = arith.constant 0 : index
    %get3A_122 = vector.load %arg4[%get3A_119, %get3A_120, %get3A_121] : memref<26x128x512xf32, #tpu.memory_space<vmem>>, vector<1x128x512xf32>
    %get3A_123 = vector.shape_cast %get3A_122 : vector<1x128x512xf32> to vector<128x512xf32>
    %dot_general3A_124 = arith.constant dense<0.000000e+00> : vector<512x512xf32>
    %dot_general3A_125 = tpu.matmul %get3A_118, %get3A_123, %dot_general3A_124 {dimension_numbers = #tpu.dot_dimension_numbers<[1], [0], [0], [1], [0, 0, 1, 1], [], []>, transpose_lhs_hint = false} : vector<512x128xf32>, vector<128x512xf32>, vector<512x512xf32> -> vector<512x512xf32>
    %add3A_126 = arith.addf %add3A_113, %dot_general3A_125 : vector<512x512xf32>
    %get3A_127 = arith.constant 9 : index
    %get3A_128 = arith.constant 0 : index
    %get3A_129 = arith.constant 0 : index
    %get3A_130 = vector.load %arg0[%get3A_127, %get3A_128, %get3A_129] : memref<26x512x128xf32, #tpu.memory_space<vmem>>, vector<1x512x128xf32>
    %get3A_131 = vector.shape_cast %get3A_130 : vector<1x512x128xf32> to vector<512x128xf32>
    %get3A_132 = arith.constant 9 : index
    %get3A_133 = arith.constant 0 : index
    %get3A_134 = arith.constant 0 : index
    %get3A_135 = vector.load %arg4[%get3A_132, %get3A_133, %get3A_134] : memref<26x128x512xf32, #tpu.memory_space<vmem>>, vector<1x128x512xf32>
    %get3A_136 = vector.shape_cast %get3A_135 : vector<1x128x512xf32> to vector<128x512xf32>
    %dot_general3A_137 = arith.constant dense<0.000000e+00> : vector<512x512xf32>
    %dot_general3A_138 = tpu.matmul %get3A_131, %get3A_136, %dot_general3A_137 {dimension_numbers = #tpu.dot_dimension_numbers<[1], [0], [0], [1], [0, 0, 1, 1], [], []>, transpose_lhs_hint = false} : vector<512x128xf32>, vector<128x512xf32>, vector<512x512xf32> -> vector<512x512xf32>
    %add3A_139 = arith.addf %add3A_126, %dot_general3A_138 : vector<512x512xf32>
    %get3A_140 = arith.constant 10 : index
    %get3A_141 = arith.constant 0 : index
    %get3A_142 = arith.constant 0 : index
    %get3A_143 = vector.load %arg0[%get3A_140, %get3A_141, %get3A_142] : memref<26x512x128xf32, #tpu.memory_space<vmem>>, vector<1x512x128xf32>
    %get3A_144 = vector.shape_cast %get3A_143 : vector<1x512x128xf32> to vector<512x128xf32>
    %get3A_145 = arith.constant 10 : index
    %get3A_146 = arith.constant 0 : index
    %get3A_147 = arith.constant 0 : index
    %get3A_148 = vector.load %arg4[%get3A_145, %get3A_146, %get3A_147] : memref<26x128x512xf32, #tpu.memory_space<vmem>>, vector<1x128x512xf32>
    %get3A_149 = vector.shape_cast %get3A_148 : vector<1x128x512xf32> to vector<128x512xf32>
    %dot_general3A_150 = arith.constant dense<0.000000e+00> : vector<512x512xf32>
    %dot_general3A_151 = tpu.matmul %get3A_144, %get3A_149, %dot_general3A_150 {dimension_numbers = #tpu.dot_dimension_numbers<[1], [0], [0], [1], [0, 0, 1, 1], [], []>, transpose_lhs_hint = false} : vector<512x128xf32>, vector<128x512xf32>, vector<512x512xf32> -> vector<512x512xf32>
    %add3A_152 = arith.addf %add3A_139, %dot_general3A_151 : vector<512x512xf32>
    %get3A_153 = arith.constant 11 : index
    %get3A_154 = arith.constant 0 : index
    %get3A_155 = arith.constant 0 : index
    %get3A_156 = vector.load %arg0[%get3A_153, %get3A_154, %get3A_155] : memref<26x512x128xf32, #tpu.memory_space<vmem>>, vector<1x512x128xf32>
    %get3A_157 = vector.shape_cast %get3A_156 : vector<1x512x128xf32> to vector<512x128xf32>
    %get3A_158 = arith.constant 11 : index
    %get3A_159 = arith.constant 0 : index
    %get3A_160 = arith.constant 0 : index
    %get3A_161 = vector.load %arg4[%get3A_158, %get3A_159, %get3A_160] : memref<26x128x512xf32, #tpu.memory_space<vmem>>, vector<1x128x512xf32>
    %get3A_162 = vector.shape_cast %get3A_161 : vector<1x128x512xf32> to vector<128x512xf32>
    %dot_general3A_163 = arith.constant dense<0.000000e+00> : vector<512x512xf32>
    %dot_general3A_164 = tpu.matmul %get3A_157, %get3A_162, %dot_general3A_163 {dimension_numbers = #tpu.dot_dimension_numbers<[1], [0], [0], [1], [0, 0, 1, 1], [], []>, transpose_lhs_hint = false} : vector<512x128xf32>, vector<128x512xf32>, vector<512x512xf32> -> vector<512x512xf32>
    %add3A_165 = arith.addf %add3A_152, %dot_general3A_164 : vector<512x512xf32>
    %get3A_166 = arith.constant 12 : index
    %get3A_167 = arith.constant 0 : index
    %get3A_168 = arith.constant 0 : index
    %get3A_169 = vector.load %arg0[%get3A_166, %get3A_167, %get3A_168] : memref<26x512x128xf32, #tpu.memory_space<vmem>>, vector<1x512x128xf32>
    %get3A_170 = vector.shape_cast %get3A_169 : vector<1x512x128xf32> to vector<512x128xf32>
    %get3A_171 = arith.constant 12 : index
    %get3A_172 = arith.constant 0 : index
    %get3A_173 = arith.constant 0 : index
    %get3A_174 = vector.load %arg4[%get3A_171, %get3A_172, %get3A_173] : memref<26x128x512xf32, #tpu.memory_space<vmem>>, vector<1x128x512xf32>
    %get3A_175 = vector.shape_cast %get3A_174 : vector<1x128x512xf32> to vector<128x512xf32>
    %dot_general3A_176 = arith.constant dense<0.000000e+00> : vector<512x512xf32>
    %dot_general3A_177 = tpu.matmul %get3A_170, %get3A_175, %dot_general3A_176 {dimension_numbers = #tpu.dot_dimension_numbers<[1], [0], [0], [1], [0, 0, 1, 1], [], []>, transpose_lhs_hint = false} : vector<512x128xf32>, vector<128x512xf32>, vector<512x512xf32> -> vector<512x512xf32>
    %add3A_178 = arith.addf %add3A_165, %dot_general3A_177 : vector<512x512xf32>
    %get3A_179 = arith.constant 13 : index
    %get3A_180 = arith.constant 0 : index
    %get3A_181 = arith.constant 0 : index
    %get3A_182 = vector.load %arg0[%get3A_179, %get3A_180, %get3A_181] : memref<26x512x128xf32, #tpu.memory_space<vmem>>, vector<1x512x128xf32>
    %get3A_183 = vector.shape_cast %get3A_182 : vector<1x512x128xf32> to vector<512x128xf32>
    %get3A_184 = arith.constant 13 : index
    %get3A_185 = arith.constant 0 : index
    %get3A_186 = arith.constant 0 : index
    %get3A_187 = vector.load %arg4[%get3A_184, %get3A_185, %get3A_186] : memref<26x128x512xf32, #tpu.memory_space<vmem>>, vector<1x128x512xf32>
    %get3A_188 = vector.shape_cast %get3A_187 : vector<1x128x512xf32> to vector<128x512xf32>
    %dot_general3A_189 = arith.constant dense<0.000000e+00> : vector<512x512xf32>
    %dot_general3A_190 = tpu.matmul %get3A_183, %get3A_188, %dot_general3A_189 {dimension_numbers = #tpu.dot_dimension_numbers<[1], [0], [0], [1], [0, 0, 1, 1], [], []>, transpose_lhs_hint = false} : vector<512x128xf32>, vector<128x512xf32>, vector<512x512xf32> -> vector<512x512xf32>
    %add3A_191 = arith.addf %add3A_178, %dot_general3A_190 : vector<512x512xf32>
    %get3A_192 = arith.constant 14 : index
    %get3A_193 = arith.constant 0 : index
    %get3A_194 = arith.constant 0 : index
    %get3A_195 = vector.load %arg0[%get3A_192, %get3A_193, %get3A_194] : memref<26x512x128xf32, #tpu.memory_space<vmem>>, vector<1x512x128xf32>
    %get3A_196 = vector.shape_cast %get3A_195 : vector<1x512x128xf32> to vector<512x128xf32>
    %get3A_197 = arith.constant 14 : index
    %get3A_198 = arith.constant 0 : index
    %get3A_199 = arith.constant 0 : index
    %get3A_200 = vector.load %arg4[%get3A_197, %get3A_198, %get3A_199] : memref<26x128x512xf32, #tpu.memory_space<vmem>>, vector<1x128x512xf32>
    %get3A_201 = vector.shape_cast %get3A_200 : vector<1x128x512xf32> to vector<128x512xf32>
    %dot_general3A_202 = arith.constant dense<0.000000e+00> : vector<512x512xf32>
    %dot_general3A_203 = tpu.matmul %get3A_196, %get3A_201, %dot_general3A_202 {dimension_numbers = #tpu.dot_dimension_numbers<[1], [0], [0], [1], [0, 0, 1, 1], [], []>, transpose_lhs_hint = false} : vector<512x128xf32>, vector<128x512xf32>, vector<512x512xf32> -> vector<512x512xf32>
    %add3A_204 = arith.addf %add3A_191, %dot_general3A_203 : vector<512x512xf32>
    %get3A_205 = arith.constant 15 : index
    %get3A_206 = arith.constant 0 : index
    %get3A_207 = arith.constant 0 : index
    %get3A_208 = vector.load %arg0[%get3A_205, %get3A_206, %get3A_207] : memref<26x512x128xf32, #tpu.memory_space<vmem>>, vector<1x512x128xf32>
    %get3A_209 = vector.shape_cast %get3A_208 : vector<1x512x128xf32> to vector<512x128xf32>
    %get3A_210 = arith.constant 15 : index
    %get3A_211 = arith.constant 0 : index
    %get3A_212 = arith.constant 0 : index
    %get3A_213 = vector.load %arg4[%get3A_210, %get3A_211, %get3A_212] : memref<26x128x512xf32, #tpu.memory_space<vmem>>, vector<1x128x512xf32>
    %get3A_214 = vector.shape_cast %get3A_213 : vector<1x128x512xf32> to vector<128x512xf32>
    %dot_general3A_215 = arith.constant dense<0.000000e+00> : vector<512x512xf32>
    %dot_general3A_216 = tpu.matmul %get3A_209, %get3A_214, %dot_general3A_215 {dimension_numbers = #tpu.dot_dimension_numbers<[1], [0], [0], [1], [0, 0, 1, 1], [], []>, transpose_lhs_hint = false} : vector<512x128xf32>, vector<128x512xf32>, vector<512x512xf32> -> vector<512x512xf32>
    %add3A_217 = arith.addf %add3A_204, %dot_general3A_216 : vector<512x512xf32>
    %get3A_218 = arith.constant 16 : index
    %get3A_219 = arith.constant 0 : index
    %get3A_220 = arith.constant 0 : index
    %get3A_221 = vector.load %arg0[%get3A_218, %get3A_219, %get3A_220] : memref<26x512x128xf32, #tpu.memory_space<vmem>>, vector<1x512x128xf32>
    %get3A_222 = vector.shape_cast %get3A_221 : vector<1x512x128xf32> to vector<512x128xf32>
    %get3A_223 = arith.constant 16 : index
    %get3A_224 = arith.constant 0 : index
    %get3A_225 = arith.constant 0 : index
    %get3A_226 = vector.load %arg4[%get3A_223, %get3A_224, %get3A_225] : memref<26x128x512xf32, #tpu.memory_space<vmem>>, vector<1x128x512xf32>
    %get3A_227 = vector.shape_cast %get3A_226 : vector<1x128x512xf32> to vector<128x512xf32>
    %dot_general3A_228 = arith.constant dense<0.000000e+00> : vector<512x512xf32>
    %dot_general3A_229 = tpu.matmul %get3A_222, %get3A_227, %dot_general3A_228 {dimension_numbers = #tpu.dot_dimension_numbers<[1], [0], [0], [1], [0, 0, 1, 1], [], []>, transpose_lhs_hint = false} : vector<512x128xf32>, vector<128x512xf32>, vector<512x512xf32> -> vector<512x512xf32>
    %add3A_230 = arith.addf %add3A_217, %dot_general3A_229 : vector<512x512xf32>
    %get3A_231 = arith.constant 17 : index
    %get3A_232 = arith.constant 0 : index
    %get3A_233 = arith.constant 0 : index
    %get3A_234 = vector.load %arg0[%get3A_231, %get3A_232, %get3A_233] : memref<26x512x128xf32, #tpu.memory_space<vmem>>, vector<1x512x128xf32>
    %get3A_235 = vector.shape_cast %get3A_234 : vector<1x512x128xf32> to vector<512x128xf32>
    %get3A_236 = arith.constant 17 : index
    %get3A_237 = arith.constant 0 : index
    %get3A_238 = arith.constant 0 : index
    %get3A_239 = vector.load %arg4[%get3A_236, %get3A_237, %get3A_238] : memref<26x128x512xf32, #tpu.memory_space<vmem>>, vector<1x128x512xf32>
    %get3A_240 = vector.shape_cast %get3A_239 : vector<1x128x512xf32> to vector<128x512xf32>
    %dot_general3A_241 = arith.constant dense<0.000000e+00> : vector<512x512xf32>
    %dot_general3A_242 = tpu.matmul %get3A_235, %get3A_240, %dot_general3A_241 {dimension_numbers = #tpu.dot_dimension_numbers<[1], [0], [0], [1], [0, 0, 1, 1], [], []>, transpose_lhs_hint = false} : vector<512x128xf32>, vector<128x512xf32>, vector<512x512xf32> -> vector<512x512xf32>
    %add3A_243 = arith.addf %add3A_230, %dot_general3A_242 : vector<512x512xf32>
    %get3A_244 = arith.constant 18 : index
    %get3A_245 = arith.constant 0 : index
    %get3A_246 = arith.constant 0 : index
    %get3A_247 = vector.load %arg0[%get3A_244, %get3A_245, %get3A_246] : memref<26x512x128xf32, #tpu.memory_space<vmem>>, vector<1x512x128xf32>
    %get3A_248 = vector.shape_cast %get3A_247 : vector<1x512x128xf32> to vector<512x128xf32>
    %get3A_249 = arith.constant 18 : index
    %get3A_250 = arith.constant 0 : index
    %get3A_251 = arith.constant 0 : index
    %get3A_252 = vector.load %arg4[%get3A_249, %get3A_250, %get3A_251] : memref<26x128x512xf32, #tpu.memory_space<vmem>>, vector<1x128x512xf32>
    %get3A_253 = vector.shape_cast %get3A_252 : vector<1x128x512xf32> to vector<128x512xf32>
    %dot_general3A_254 = arith.constant dense<0.000000e+00> : vector<512x512xf32>
    %dot_general3A_255 = tpu.matmul %get3A_248, %get3A_253, %dot_general3A_254 {dimension_numbers = #tpu.dot_dimension_numbers<[1], [0], [0], [1], [0, 0, 1, 1], [], []>, transpose_lhs_hint = false} : vector<512x128xf32>, vector<128x512xf32>, vector<512x512xf32> -> vector<512x512xf32>
    %add3A_256 = arith.addf %add3A_243, %dot_general3A_255 : vector<512x512xf32>
    %get3A_257 = arith.constant 19 : index
    %get3A_258 = arith.constant 0 : index
    %get3A_259 = arith.constant 0 : index
    %get3A_260 = vector.load %arg0[%get3A_257, %get3A_258, %get3A_259] : memref<26x512x128xf32, #tpu.memory_space<vmem>>, vector<1x512x128xf32>
    %get3A_261 = vector.shape_cast %get3A_260 : vector<1x512x128xf32> to vector<512x128xf32>
    %get3A_262 = arith.constant 19 : index
    %get3A_263 = arith.constant 0 : index
    %get3A_264 = arith.constant 0 : index
    %get3A_265 = vector.load %arg4[%get3A_262, %get3A_263, %get3A_264] : memref<26x128x512xf32, #tpu.memory_space<vmem>>, vector<1x128x512xf32>
    %get3A_266 = vector.shape_cast %get3A_265 : vector<1x128x512xf32> to vector<128x512xf32>
    %dot_general3A_267 = arith.constant dense<0.000000e+00> : vector<512x512xf32>
    %dot_general3A_268 = tpu.matmul %get3A_261, %get3A_266, %dot_general3A_267 {dimension_numbers = #tpu.dot_dimension_numbers<[1], [0], [0], [1], [0, 0, 1, 1], [], []>, transpose_lhs_hint = false} : vector<512x128xf32>, vector<128x512xf32>, vector<512x512xf32> -> vector<512x512xf32>
    %add3A_269 = arith.addf %add3A_256, %dot_general3A_268 : vector<512x512xf32>
    %get3A_270 = arith.constant 20 : index
    %get3A_271 = arith.constant 0 : index
    %get3A_272 = arith.constant 0 : index
    %get3A_273 = vector.load %arg0[%get3A_270, %get3A_271, %get3A_272] : memref<26x512x128xf32, #tpu.memory_space<vmem>>, vector<1x512x128xf32>
    %get3A_274 = vector.shape_cast %get3A_273 : vector<1x512x128xf32> to vector<512x128xf32>
    %get3A_275 = arith.constant 20 : index
    %get3A_276 = arith.constant 0 : index
    %get3A_277 = arith.constant 0 : index
    %get3A_278 = vector.load %arg4[%get3A_275, %get3A_276, %get3A_277] : memref<26x128x512xf32, #tpu.memory_space<vmem>>, vector<1x128x512xf32>
    %get3A_279 = vector.shape_cast %get3A_278 : vector<1x128x512xf32> to vector<128x512xf32>
    %dot_general3A_280 = arith.constant dense<0.000000e+00> : vector<512x512xf32>
    %dot_general3A_281 = tpu.matmul %get3A_274, %get3A_279, %dot_general3A_280 {dimension_numbers = #tpu.dot_dimension_numbers<[1], [0], [0], [1], [0, 0, 1, 1], [], []>, transpose_lhs_hint = false} : vector<512x128xf32>, vector<128x512xf32>, vector<512x512xf32> -> vector<512x512xf32>
    %add3A_282 = arith.addf %add3A_269, %dot_general3A_281 : vector<512x512xf32>
    %get3A_283 = arith.constant 21 : index
    %get3A_284 = arith.constant 0 : index
    %get3A_285 = arith.constant 0 : index
    %get3A_286 = vector.load %arg0[%get3A_283, %get3A_284, %get3A_285] : memref<26x512x128xf32, #tpu.memory_space<vmem>>, vector<1x512x128xf32>
    %get3A_287 = vector.shape_cast %get3A_286 : vector<1x512x128xf32> to vector<512x128xf32>
    %get3A_288 = arith.constant 21 : index
    %get3A_289 = arith.constant 0 : index
    %get3A_290 = arith.constant 0 : index
    %get3A_291 = vector.load %arg4[%get3A_288, %get3A_289, %get3A_290] : memref<26x128x512xf32, #tpu.memory_space<vmem>>, vector<1x128x512xf32>
    %get3A_292 = vector.shape_cast %get3A_291 : vector<1x128x512xf32> to vector<128x512xf32>
    %dot_general3A_293 = arith.constant dense<0.000000e+00> : vector<512x512xf32>
    %dot_general3A_294 = tpu.matmul %get3A_287, %get3A_292, %dot_general3A_293 {dimension_numbers = #tpu.dot_dimension_numbers<[1], [0], [0], [1], [0, 0, 1, 1], [], []>, transpose_lhs_hint = false} : vector<512x128xf32>, vector<128x512xf32>, vector<512x512xf32> -> vector<512x512xf32>
    %add3A_295 = arith.addf %add3A_282, %dot_general3A_294 : vector<512x512xf32>
    %get3A_296 = arith.constant 22 : index
    %get3A_297 = arith.constant 0 : index
    %get3A_298 = arith.constant 0 : index
    %get3A_299 = vector.load %arg0[%get3A_296, %get3A_297, %get3A_298] : memref<26x512x128xf32, #tpu.memory_space<vmem>>, vector<1x512x128xf32>
    %get3A_300 = vector.shape_cast %get3A_299 : vector<1x512x128xf32> to vector<512x128xf32>
    %get3A_301 = arith.constant 22 : index
    %get3A_302 = arith.constant 0 : index
    %get3A_303 = arith.constant 0 : index
    %get3A_304 = vector.load %arg4[%get3A_301, %get3A_302, %get3A_303] : memref<26x128x512xf32, #tpu.memory_space<vmem>>, vector<1x128x512xf32>
    %get3A_305 = vector.shape_cast %get3A_304 : vector<1x128x512xf32> to vector<128x512xf32>
    %dot_general3A_306 = arith.constant dense<0.000000e+00> : vector<512x512xf32>
    %dot_general3A_307 = tpu.matmul %get3A_300, %get3A_305, %dot_general3A_306 {dimension_numbers = #tpu.dot_dimension_numbers<[1], [0], [0], [1], [0, 0, 1, 1], [], []>, transpose_lhs_hint = false} : vector<512x128xf32>, vector<128x512xf32>, vector<512x512xf32> -> vector<512x512xf32>
    %add3A_308 = arith.addf %add3A_295, %dot_general3A_307 : vector<512x512xf32>
    %get3A_309 = arith.constant 23 : index
    %get3A_310 = arith.constant 0 : index
    %get3A_311 = arith.constant 0 : index
    %get3A_312 = vector.load %arg0[%get3A_309, %get3A_310, %get3A_311] : memref<26x512x128xf32, #tpu.memory_space<vmem>>, vector<1x512x128xf32>
    %get3A_313 = vector.shape_cast %get3A_312 : vector<1x512x128xf32> to vector<512x128xf32>
    %get3A_314 = arith.constant 23 : index
    %get3A_315 = arith.constant 0 : index
    %get3A_316 = arith.constant 0 : index
    %get3A_317 = vector.load %arg4[%get3A_314, %get3A_315, %get3A_316] : memref<26x128x512xf32, #tpu.memory_space<vmem>>, vector<1x128x512xf32>
    %get3A_318 = vector.shape_cast %get3A_317 : vector<1x128x512xf32> to vector<128x512xf32>
    %dot_general3A_319 = arith.constant dense<0.000000e+00> : vector<512x512xf32>
    %dot_general3A_320 = tpu.matmul %get3A_313, %get3A_318, %dot_general3A_319 {dimension_numbers = #tpu.dot_dimension_numbers<[1], [0], [0], [1], [0, 0, 1, 1], [], []>, transpose_lhs_hint = false} : vector<512x128xf32>, vector<128x512xf32>, vector<512x512xf32> -> vector<512x512xf32>
    %add3A_321 = arith.addf %add3A_308, %dot_general3A_320 : vector<512x512xf32>
    %get3A_322 = arith.constant 24 : index
    %get3A_323 = arith.constant 0 : index
    %get3A_324 = arith.constant 0 : index
    %get3A_325 = vector.load %arg0[%get3A_322, %get3A_323, %get3A_324] : memref<26x512x128xf32, #tpu.memory_space<vmem>>, vector<1x512x128xf32>
    %get3A_326 = vector.shape_cast %get3A_325 : vector<1x512x128xf32> to vector<512x128xf32>
    %get3A_327 = arith.constant 24 : index
    %get3A_328 = arith.constant 0 : index
    %get3A_329 = arith.constant 0 : index
    %get3A_330 = vector.load %arg4[%get3A_327, %get3A_328, %get3A_329] : memref<26x128x512xf32, #tpu.memory_space<vmem>>, vector<1x128x512xf32>
    %get3A_331 = vector.shape_cast %get3A_330 : vector<1x128x512xf32> to vector<128x512xf32>
    %dot_general3A_332 = arith.constant dense<0.000000e+00> : vector<512x512xf32>
    %dot_general3A_333 = tpu.matmul %get3A_326, %get3A_331, %dot_general3A_332 {dimension_numbers = #tpu.dot_dimension_numbers<[1], [0], [0], [1], [0, 0, 1, 1], [], []>, transpose_lhs_hint = false} : vector<512x128xf32>, vector<128x512xf32>, vector<512x512xf32> -> vector<512x512xf32>
    %add3A_334 = arith.addf %add3A_321, %dot_general3A_333 : vector<512x512xf32>
    %get3A_335 = arith.constant 25 : index
    %get3A_336 = arith.constant 0 : index
    %get3A_337 = arith.constant 0 : index
    %get3A_338 = vector.load %arg0[%get3A_335, %get3A_336, %get3A_337] : memref<26x512x128xf32, #tpu.memory_space<vmem>>, vector<1x512x128xf32>
    %get3A_339 = vector.shape_cast %get3A_338 : vector<1x512x128xf32> to vector<512x128xf32>
    %get3A_340 = arith.constant 25 : index
    %get3A_341 = arith.constant 0 : index
    %get3A_342 = arith.constant 0 : index
    %get3A_343 = vector.load %arg4[%get3A_340, %get3A_341, %get3A_342] : memref<26x128x512xf32, #tpu.memory_space<vmem>>, vector<1x128x512xf32>
    %get3A_344 = vector.shape_cast %get3A_343 : vector<1x128x512xf32> to vector<128x512xf32>
    %dot_general3A_345 = arith.constant dense<0.000000e+00> : vector<512x512xf32>
    %dot_general3A_346 = tpu.matmul %get3A_339, %get3A_344, %dot_general3A_345 {dimension_numbers = #tpu.dot_dimension_numbers<[1], [0], [0], [1], [0, 0, 1, 1], [], []>, transpose_lhs_hint = false} : vector<512x128xf32>, vector<128x512xf32>, vector<512x512xf32> -> vector<512x512xf32>
    %add3A_347 = arith.addf %add3A_334, %dot_general3A_346 : vector<512x512xf32>
    %slice3A = vector.extract_strided_slice %add3A_347 {offsets = [0, 0], sizes = [512, 256], strides = [1, 1]} : vector<512x512xf32> to vector<512x256xf32>
    %slice3A_348 = vector.extract_strided_slice %add3A_347 {offsets = [0, 256], sizes = [512, 256], strides = [1, 1]} : vector<512x512xf32> to vector<512x256xf32>
    %get3A_349 = arith.constant 0 : index
    %get3A_350 = arith.constant 0 : index
    %get3A_351 = vector.load %arg7[%get3A_349, %get3A_350] : memref<1x256xf32, #tpu.memory_space<vmem>>, vector<1x256xf32>
    %get3A_352 = arith.constant 0 : index
    %get3A_353 = arith.constant 0 : index
    %get3A_354 = vector.load %arg8[%get3A_352, %get3A_353] : memref<1x256xf32, #tpu.memory_space<vmem>>, vector<1x256xf32>
    %get3A_355 = arith.constant 0 : index
    %get3A_356 = arith.constant 0 : index
    %get3A_357 = vector.load %arg9[%get3A_355, %get3A_356] : memref<1x256xf32, #tpu.memory_space<vmem>>, vector<1x256xf32>
    %reduce_sum3A = arith.constant dense<0.000000e+00> : vector<256xf32>
    %reduce_sum3A_358 = vector.multi_reduction <add>, %slice3A, %reduce_sum3A [0] : vector<512x256xf32> to vector<256xf32>
    %broadcast_in_dim3A = vector.shape_cast %reduce_sum3A_358 : vector<256xf32> to vector<1x256xf32>
    %reduce_sum3A_359 = arith.constant dense<0.000000e+00> : vector<256xf32>
    %reduce_sum3A_360 = vector.multi_reduction <add>, %slice3A_348, %reduce_sum3A_359 [0] : vector<512x256xf32> to vector<256xf32>
    %broadcast_in_dim3A_361 = vector.shape_cast %reduce_sum3A_360 : vector<256xf32> to vector<1x256xf32>
    %add3A_362 = arith.addf %broadcast_in_dim3A, %broadcast_in_dim3A_361 : vector<1x256xf32>
    %div3A = arith.constant 1.024000e+03 : f32
    %div3A_363 = vector.broadcast %div3A : f32 to vector<1x256xf32>
    %div3A_364 = arith.divf %add3A_362, %div3A_363 : vector<1x256xf32>
    %sub3A = vector.broadcast %div3A_364 : vector<1x256xf32> to vector<512x256xf32>
    %sub3A_365 = arith.subf %slice3A, %sub3A : vector<512x256xf32>
    %sub3A_366 = vector.broadcast %div3A_364 : vector<1x256xf32> to vector<512x256xf32>
    %sub3A_367 = arith.subf %slice3A_348, %sub3A_366 : vector<512x256xf32>
    %mul3A = arith.mulf %sub3A_365, %sub3A_365 : vector<512x256xf32>
    %reduce_sum3A_368 = arith.constant dense<0.000000e+00> : vector<256xf32>
    %reduce_sum3A_369 = vector.multi_reduction <add>, %mul3A, %reduce_sum3A_368 [0] : vector<512x256xf32> to vector<256xf32>
    %broadcast_in_dim3A_370 = vector.shape_cast %reduce_sum3A_369 : vector<256xf32> to vector<1x256xf32>
    %mul3A_371 = arith.mulf %sub3A_367, %sub3A_367 : vector<512x256xf32>
    %reduce_sum3A_372 = arith.constant dense<0.000000e+00> : vector<256xf32>
    %reduce_sum3A_373 = vector.multi_reduction <add>, %mul3A_371, %reduce_sum3A_372 [0] : vector<512x256xf32> to vector<256xf32>
    %broadcast_in_dim3A_374 = vector.shape_cast %reduce_sum3A_373 : vector<256xf32> to vector<1x256xf32>
    %add3A_375 = arith.addf %broadcast_in_dim3A_370, %broadcast_in_dim3A_374 : vector<1x256xf32>
    %div3A_376 = arith.constant 1.024000e+03 : f32
    %div3A_377 = vector.broadcast %div3A_376 : f32 to vector<1x256xf32>
    %div3A_378 = arith.divf %add3A_375, %div3A_377 : vector<1x256xf32>
    %add3A_379 = arith.constant 9.99999974E-6 : f32
    %add3A_380 = vector.broadcast %add3A_379 : f32 to vector<1x256xf32>
    %add3A_381 = arith.addf %div3A_378, %add3A_380 : vector<1x256xf32>
    %rsqrt3A = math.rsqrt %add3A_381 : vector<1x256xf32>
    %mul3A_382 = arith.mulf %get3A_351, %get3A_351 : vector<1x256xf32>
    %mul3A_383 = arith.mulf %mul3A_382, %div3A_378 : vector<1x256xf32>
    %mul3A_384 = arith.mulf %rsqrt3A, %rsqrt3A : vector<1x256xf32>
    %mul3A_385 = arith.mulf %mul3A_383, %mul3A_384 : vector<1x256xf32>
    %add3A_386 = arith.constant 9.99999974E-6 : f32
    %add3A_387 = vector.broadcast %add3A_386 : f32 to vector<1x256xf32>
    %add3A_388 = arith.addf %mul3A_385, %add3A_387 : vector<1x256xf32>
    %rsqrt3A_389 = math.rsqrt %add3A_388 : vector<1x256xf32>
    %mul3A_390 = arith.mulf %get3A_351, %rsqrt3A_389 : vector<1x256xf32>
    %mul3A_391 = vector.broadcast %rsqrt3A : vector<1x256xf32> to vector<512x256xf32>
    %mul3A_392 = arith.mulf %sub3A_365, %mul3A_391 : vector<512x256xf32>
    %mul3A_393 = vector.broadcast %get3A_351 : vector<1x256xf32> to vector<512x256xf32>
    %mul3A_394 = arith.mulf %mul3A_393, %mul3A_392 : vector<512x256xf32>
    %add3A_395 = vector.broadcast %get3A_354 : vector<1x256xf32> to vector<512x256xf32>
    %add3A_396 = arith.addf %mul3A_394, %add3A_395 : vector<512x256xf32>
    %mul3A_397 = vector.broadcast %mul3A_390 : vector<1x256xf32> to vector<512x256xf32>
    %mul3A_398 = arith.mulf %mul3A_397, %mul3A_392 : vector<512x256xf32>
    %logistic3A = arith.negf %mul3A_398 : vector<512x256xf32>
    %logistic3A_399 = math.exp %logistic3A : vector<512x256xf32>
    %logistic3A_400 = arith.constant 1.000000e+00 : f32
    %logistic3A_401 = vector.broadcast %logistic3A_400 : f32 to vector<512x256xf32>
    %logistic3A_402 = arith.addf %logistic3A_401, %logistic3A_399 : vector<512x256xf32>
    %logistic3A_403 = arith.divf %logistic3A_401, %logistic3A_402 : vector<512x256xf32>
    %sub3A_404 = arith.constant 1.000000e+00 : f32
    %sub3A_405 = vector.broadcast %sub3A_404 : f32 to vector<1x256xf32>
    %sub3A_406 = arith.subf %sub3A_405, %get3A_357 : vector<1x256xf32>
    %mul3A_407 = vector.broadcast %sub3A_406 : vector<1x256xf32> to vector<512x256xf32>
    %mul3A_408 = arith.mulf %logistic3A_403, %mul3A_407 : vector<512x256xf32>
    %add3A_409 = vector.broadcast %get3A_357 : vector<1x256xf32> to vector<512x256xf32>
    %add3A_410 = arith.addf %add3A_409, %mul3A_408 : vector<512x256xf32>
    %mul3A_411 = arith.mulf %add3A_396, %add3A_410 : vector<512x256xf32>
    %mul3A_412 = vector.broadcast %rsqrt3A : vector<1x256xf32> to vector<512x256xf32>
    %mul3A_413 = arith.mulf %sub3A_367, %mul3A_412 : vector<512x256xf32>
    %mul3A_414 = vector.broadcast %get3A_351 : vector<1x256xf32> to vector<512x256xf32>
    %mul3A_415 = arith.mulf %mul3A_414, %mul3A_413 : vector<512x256xf32>
    %add3A_416 = vector.broadcast %get3A_354 : vector<1x256xf32> to vector<512x256xf32>
    %add3A_417 = arith.addf %mul3A_415, %add3A_416 : vector<512x256xf32>
    %mul3A_418 = vector.broadcast %mul3A_390 : vector<1x256xf32> to vector<512x256xf32>
    %mul3A_419 = arith.mulf %mul3A_418, %mul3A_413 : vector<512x256xf32>
    %logistic3A_420 = arith.negf %mul3A_419 : vector<512x256xf32>
    %logistic3A_421 = math.exp %logistic3A_420 : vector<512x256xf32>
    %logistic3A_422 = arith.constant 1.000000e+00 : f32
    %logistic3A_423 = vector.broadcast %logistic3A_422 : f32 to vector<512x256xf32>
    %logistic3A_424 = arith.addf %logistic3A_423, %logistic3A_421 : vector<512x256xf32>
    %logistic3A_425 = arith.divf %logistic3A_423, %logistic3A_424 : vector<512x256xf32>
    %sub3A_426 = arith.constant 1.000000e+00 : f32
    %sub3A_427 = vector.broadcast %sub3A_426 : f32 to vector<1x256xf32>
    %sub3A_428 = arith.subf %sub3A_427, %get3A_357 : vector<1x256xf32>
    %mul3A_429 = vector.broadcast %sub3A_428 : vector<1x256xf32> to vector<512x256xf32>
    %mul3A_430 = arith.mulf %logistic3A_425, %mul3A_429 : vector<512x256xf32>
    %add3A_431 = vector.broadcast %get3A_357 : vector<1x256xf32> to vector<512x256xf32>
    %add3A_432 = arith.addf %add3A_431, %mul3A_430 : vector<512x256xf32>
    %mul3A_433 = arith.mulf %add3A_417, %add3A_432 : vector<512x256xf32>
    %get3A_434 = arith.constant 0 : index
    %get3A_435 = arith.constant 0 : index
    %get3A_436 = vector.load %arg10[%get3A_434, %get3A_435] : memref<256x128xf32, #tpu.memory_space<vmem>>, vector<256x128xf32>
    %dot_general3A_437 = arith.constant dense<0.000000e+00> : vector<512x128xf32>
    %dot_general3A_438 = tpu.matmul %mul3A_411, %get3A_436, %dot_general3A_437 {dimension_numbers = #tpu.dot_dimension_numbers<[1], [0], [0], [1], [0, 0, 1, 1], [], []>, transpose_lhs_hint = false} : vector<512x256xf32>, vector<256x128xf32>, vector<512x128xf32> -> vector<512x128xf32>
    %get3A_439 = arith.constant 0 : index
    %get3A_440 = arith.constant 0 : index
    %get3A_441 = vector.load %arg11[%get3A_439, %get3A_440] : memref<256x128xf32, #tpu.memory_space<vmem>>, vector<256x128xf32>
    %dot_general3A_442 = arith.constant dense<0.000000e+00> : vector<512x128xf32>
    %dot_general3A_443 = tpu.matmul %mul3A_433, %get3A_441, %dot_general3A_442 {dimension_numbers = #tpu.dot_dimension_numbers<[1], [0], [0], [1], [0, 0, 1, 1], [], []>, transpose_lhs_hint = false} : vector<512x256xf32>, vector<256x128xf32>, vector<512x128xf32> -> vector<512x128xf32>
    %add3A_444 = arith.addf %dot_general3A_438, %dot_general3A_443 : vector<512x128xf32>
    %get3A_445 = arith.constant 0 : index
    %get3A_446 = arith.constant 0 : index
    %get3A_447 = vector.load %arg12[%get3A_445, %get3A_446] : memref<1x128xf32, #tpu.memory_space<vmem>>, vector<1x128xf32>
    %add3A_448 = vector.broadcast %get3A_447 : vector<1x128xf32> to vector<512x128xf32>
    %add3A_449 = arith.addf %add3A_444, %add3A_448 : vector<512x128xf32>
    %reduce_sum3A_450 = arith.constant dense<0.000000e+00> : vector<128xf32>
    %reduce_sum3A_451 = vector.multi_reduction <add>, %add3A_449, %reduce_sum3A_450 [0] : vector<512x128xf32> to vector<128xf32>
    %broadcast_in_dim3A_452 = vector.shape_cast %reduce_sum3A_451 : vector<128xf32> to vector<1x128xf32>
    %get3A_453 = arith.constant 0 : index
    %get3A_454 = arith.constant 0 : index
    %get3A_455 = vector.load %arg3[%get3A_453, %get3A_454] : memref<128x128xf32, #tpu.memory_space<vmem>>, vector<128x128xf32>
    %dot_general3A_456 = arith.constant dense<0.000000e+00> : vector<1x128xf32>
    %dot_general3A_457 = tpu.matmul %broadcast_in_dim3A_452, %get3A_455, %dot_general3A_456 {dimension_numbers = #tpu.dot_dimension_numbers<[1], [0], [0], [1], [0, 0, 1, 1], [], []>, transpose_lhs_hint = false} : vector<1x128xf32>, vector<128x128xf32>, vector<1x128xf32> -> vector<1x128xf32>
    %div3A_458 = arith.constant 1.024000e+03 : f32
    %div3A_459 = vector.broadcast %div3A_458 : f32 to vector<1x128xf32>
    %div3A_460 = arith.divf %dot_general3A_457, %div3A_459 : vector<1x128xf32>
    %sub3A_461 = vector.broadcast %div3A_460 : vector<1x128xf32> to vector<512x128xf32>
    %sub3A_462 = arith.subf %add3A_449, %sub3A_461 : vector<512x128xf32>
    %mul3A_463 = arith.mulf %sub3A_462, %sub3A_462 : vector<512x128xf32>
    %reduce_sum3A_464 = arith.constant dense<0.000000e+00> : vector<128xf32>
    %reduce_sum3A_465 = vector.multi_reduction <add>, %mul3A_463, %reduce_sum3A_464 [0] : vector<512x128xf32> to vector<128xf32>
    %broadcast_in_dim3A_466 = vector.shape_cast %reduce_sum3A_465 : vector<128xf32> to vector<1x128xf32>
    %get3A_467 = arith.constant 0 : index
    %get3A_468 = arith.constant 0 : index
    %get3A_469 = vector.load %arg3[%get3A_467, %get3A_468] : memref<128x128xf32, #tpu.memory_space<vmem>>, vector<128x128xf32>
    %dot_general3A_470 = arith.constant dense<0.000000e+00> : vector<1x128xf32>
    %dot_general3A_471 = tpu.matmul %broadcast_in_dim3A_466, %get3A_469, %dot_general3A_470 {dimension_numbers = #tpu.dot_dimension_numbers<[1], [0], [0], [1], [0, 0, 1, 1], [], []>, transpose_lhs_hint = false} : vector<1x128xf32>, vector<128x128xf32>, vector<1x128xf32> -> vector<1x128xf32>
    %div3A_472 = arith.constant 1.024000e+03 : f32
    %div3A_473 = vector.broadcast %div3A_472 : f32 to vector<1x128xf32>
    %div3A_474 = arith.divf %dot_general3A_471, %div3A_473 : vector<1x128xf32>
    %add3A_475 = arith.constant 9.99999974E-6 : f32
    %add3A_476 = vector.broadcast %add3A_475 : f32 to vector<1x128xf32>
    %add3A_477 = arith.addf %div3A_474, %add3A_476 : vector<1x128xf32>
    %rsqrt3A_478 = math.rsqrt %add3A_477 : vector<1x128xf32>
    %get3A_479 = arith.constant 0 : index
    %get3A_480 = arith.constant 0 : index
    %get3A_481 = vector.load %arg13[%get3A_479, %get3A_480] : memref<1x128xf32, #tpu.memory_space<vmem>>, vector<1x128xf32>
    %mul3A_482 = arith.mulf %get3A_481, %get3A_481 : vector<1x128xf32>
    %mul3A_483 = arith.mulf %mul3A_482, %div3A_474 : vector<1x128xf32>
    %mul3A_484 = arith.mulf %rsqrt3A_478, %rsqrt3A_478 : vector<1x128xf32>
    %mul3A_485 = arith.mulf %mul3A_483, %mul3A_484 : vector<1x128xf32>
    %add3A_486 = arith.constant 9.99999974E-6 : f32
    %add3A_487 = vector.broadcast %add3A_486 : f32 to vector<1x128xf32>
    %add3A_488 = arith.addf %mul3A_485, %add3A_487 : vector<1x128xf32>
    %rsqrt3A_489 = math.rsqrt %add3A_488 : vector<1x128xf32>
    %mul3A_490 = vector.broadcast %rsqrt3A_478 : vector<1x128xf32> to vector<512x128xf32>
    %mul3A_491 = arith.mulf %sub3A_462, %mul3A_490 : vector<512x128xf32>
    %mul3A_492 = vector.broadcast %get3A_481 : vector<1x128xf32> to vector<512x128xf32>
    %mul3A_493 = arith.mulf %mul3A_492, %mul3A_491 : vector<512x128xf32>
    %get3A_494 = arith.constant 0 : index
    %get3A_495 = arith.constant 0 : index
    %get3A_496 = vector.load %arg14[%get3A_494, %get3A_495] : memref<1x128xf32, #tpu.memory_space<vmem>>, vector<1x128xf32>
    %add3A_497 = vector.broadcast %get3A_496 : vector<1x128xf32> to vector<512x128xf32>
    %add3A_498 = arith.addf %mul3A_493, %add3A_497 : vector<512x128xf32>
    %mul3A_499 = arith.mulf %get3A_481, %rsqrt3A_489 : vector<1x128xf32>
    %mul3A_500 = vector.broadcast %mul3A_499 : vector<1x128xf32> to vector<512x128xf32>
    %mul3A_501 = arith.mulf %mul3A_500, %mul3A_491 : vector<512x128xf32>
    %logistic3A_502 = arith.negf %mul3A_501 : vector<512x128xf32>
    %logistic3A_503 = math.exp %logistic3A_502 : vector<512x128xf32>
    %logistic3A_504 = arith.constant 1.000000e+00 : f32
    %logistic3A_505 = vector.broadcast %logistic3A_504 : f32 to vector<512x128xf32>
    %logistic3A_506 = arith.addf %logistic3A_505, %logistic3A_503 : vector<512x128xf32>
    %logistic3A_507 = arith.divf %logistic3A_505, %logistic3A_506 : vector<512x128xf32>
    %get3A_508 = arith.constant 0 : index
    %get3A_509 = arith.constant 0 : index
    %get3A_510 = vector.load %arg15[%get3A_508, %get3A_509] : memref<1x128xf32, #tpu.memory_space<vmem>>, vector<1x128xf32>
    %sub3A_511 = arith.constant 1.000000e+00 : f32
    %sub3A_512 = vector.broadcast %sub3A_511 : f32 to vector<1x128xf32>
    %sub3A_513 = arith.subf %sub3A_512, %get3A_510 : vector<1x128xf32>
    %mul3A_514 = vector.broadcast %sub3A_513 : vector<1x128xf32> to vector<512x128xf32>
    %mul3A_515 = arith.mulf %logistic3A_507, %mul3A_514 : vector<512x128xf32>
    %add3A_516 = vector.broadcast %get3A_510 : vector<1x128xf32> to vector<512x128xf32>
    %add3A_517 = arith.addf %add3A_516, %mul3A_515 : vector<512x128xf32>
    %mul3A_518 = arith.mulf %add3A_498, %add3A_517 : vector<512x128xf32>
    %iota3A = tpu.iota {dimensions = array<i32: 1>} : vector<512x128xi32>
    %lt3A = arith.constant 64 : i32
    %lt3A_519 = vector.broadcast %lt3A : i32 to vector<512x128xi32>
    %lt3A_520 = arith.cmpi slt, %iota3A, %lt3A_519 : vector<512x128xi32>
    %jit3A = arith.constant 0.000000e+00 : f32
    %broadcast_in_dim3A_521 = vector.broadcast %jit3A : f32 to vector<512x128xf32>
    %select_n3A = arith.select %lt3A_520, %mul3A_518, %broadcast_in_dim3A_521 : vector<512x128xi1>, vector<512x128xf32>
    %jit3A_522 = arith.constant 0.000000e+00 : f32
    %broadcast_in_dim3A_523 = vector.broadcast %jit3A_522 : f32 to vector<512x128xf32>
    %select_n3A_524 = arith.select %lt3A_520, %broadcast_in_dim3A_523, %mul3A_518 : vector<512x128xi1>, vector<512x128xf32>
    %mul3A_525 = arith.mulf %select_n3A, %select_n3A : vector<512x128xf32>
    %reduce_sum3A_526 = arith.constant dense<0.000000e+00> : vector<512xf32>
    %reduce_sum3A_527 = vector.multi_reduction <add>, %mul3A_525, %reduce_sum3A_526 [1] : vector<512x128xf32> to vector<512xf32>
    %broadcast_in_dim3A_528 = vector.shape_cast %reduce_sum3A_527 : vector<512xf32> to vector<512x1xf32>
    %sqrt3A = math.sqrt %broadcast_in_dim3A_528 : vector<512x1xf32>
    %mul3A_529 = arith.mulf %select_n3A_524, %select_n3A_524 : vector<512x128xf32>
    %reduce_sum3A_530 = arith.constant dense<0.000000e+00> : vector<512xf32>
    %reduce_sum3A_531 = vector.multi_reduction <add>, %mul3A_529, %reduce_sum3A_530 [1] : vector<512x128xf32> to vector<512xf32>
    %broadcast_in_dim3A_532 = vector.shape_cast %reduce_sum3A_531 : vector<512xf32> to vector<512x1xf32>
    %sqrt3A_533 = math.sqrt %broadcast_in_dim3A_532 : vector<512x1xf32>
    %max3A = arith.constant 9.99999996E-13 : f32
    %max3A_534 = vector.broadcast %max3A : f32 to vector<512x1xf32>
    %max3A_535 = arith.maximumf %sqrt3A, %max3A_534 : vector<512x1xf32>
    %div3A_536 = arith.constant 1.000000e+00 : f32
    %div3A_537 = vector.broadcast %div3A_536 : f32 to vector<512x1xf32>
    %div3A_538 = arith.divf %div3A_537, %max3A_535 : vector<512x1xf32>
    %max3A_539 = arith.constant 9.99999996E-13 : f32
    %max3A_540 = vector.broadcast %max3A_539 : f32 to vector<512x1xf32>
    %max3A_541 = arith.maximumf %sqrt3A_533, %max3A_540 : vector<512x1xf32>
    %div3A_542 = arith.constant 1.000000e+00 : f32
    %div3A_543 = vector.broadcast %div3A_542 : f32 to vector<512x1xf32>
    %div3A_544 = arith.divf %div3A_543, %max3A_541 : vector<512x1xf32>
    %broadcast_in_dim3A_545 = vector.shape_cast %div3A_538 : vector<512x1xf32> to vector<512x1xf32>
    %broadcast_in_dim3A_546 = vector.broadcast %broadcast_in_dim3A_545 : vector<512x1xf32> to vector<512x128xf32>
    %broadcast_in_dim3A_547 = vector.shape_cast %div3A_544 : vector<512x1xf32> to vector<512x1xf32>
    %broadcast_in_dim3A_548 = vector.broadcast %broadcast_in_dim3A_547 : vector<512x1xf32> to vector<512x128xf32>
    %select_n3A_549 = arith.select %lt3A_520, %broadcast_in_dim3A_546, %broadcast_in_dim3A_548 : vector<512x128xi1>, vector<512x128xf32>
    %mul3A_550 = arith.mulf %mul3A_518, %select_n3A_549 : vector<512x128xf32>
    %iota3A_551 = tpu.iota {dimensions = array<i32: 1>} : vector<512x128xi32>
    %lt3A_552 = arith.constant 64 : i32
    %lt3A_553 = vector.broadcast %lt3A_552 : i32 to vector<512x128xi32>
    %lt3A_554 = arith.cmpi slt, %iota3A_551, %lt3A_553 : vector<512x128xi32>
    %get3A_555 = arith.constant 0 : index
    %get3A_556 = arith.constant 0 : index
    %get3A_557 = arith.constant 0 : index
    %get3A_558 = vector.load %arg1[%get3A_555, %get3A_556, %get3A_557] : memref<11x512x128xf32, #tpu.memory_space<vmem>>, vector<1x512x128xf32>
    %get3A_559 = vector.shape_cast %get3A_558 : vector<1x512x128xf32> to vector<512x128xf32>
    %iota3A_560 = tpu.iota {dimensions = array<i32: 1>} : vector<512x128xi32>
    %lt3A_561 = arith.constant 64 : i32
    %lt3A_562 = vector.broadcast %lt3A_561 : i32 to vector<512x128xi32>
    %lt3A_563 = arith.cmpi slt, %iota3A_560, %lt3A_562 : vector<512x128xi32>
    %jit3A_564 = arith.constant 0.000000e+00 : f32
    %broadcast_in_dim3A_565 = vector.broadcast %jit3A_564 : f32 to vector<512x128xf32>
    %select_n3A_566 = arith.select %lt3A_563, %get3A_559, %broadcast_in_dim3A_565 : vector<512x128xi1>, vector<512x128xf32>
    %jit3A_567 = arith.constant 0.000000e+00 : f32
    %broadcast_in_dim3A_568 = vector.broadcast %jit3A_567 : f32 to vector<512x128xf32>
    %select_n3A_569 = arith.select %lt3A_563, %broadcast_in_dim3A_568, %get3A_559 : vector<512x128xi1>, vector<512x128xf32>
    %mul3A_570 = arith.mulf %select_n3A_566, %select_n3A_566 : vector<512x128xf32>
    %reduce_sum3A_571 = arith.constant dense<0.000000e+00> : vector<512xf32>
    %reduce_sum3A_572 = vector.multi_reduction <add>, %mul3A_570, %reduce_sum3A_571 [1] : vector<512x128xf32> to vector<512xf32>
    %broadcast_in_dim3A_573 = vector.shape_cast %reduce_sum3A_572 : vector<512xf32> to vector<512x1xf32>
    %sqrt3A_574 = math.sqrt %broadcast_in_dim3A_573 : vector<512x1xf32>
    %mul3A_575 = arith.mulf %select_n3A_569, %select_n3A_569 : vector<512x128xf32>
    %reduce_sum3A_576 = arith.constant dense<0.000000e+00> : vector<512xf32>
    %reduce_sum3A_577 = vector.multi_reduction <add>, %mul3A_575, %reduce_sum3A_576 [1] : vector<512x128xf32> to vector<512xf32>
    %broadcast_in_dim3A_578 = vector.shape_cast %reduce_sum3A_577 : vector<512xf32> to vector<512x1xf32>
    %sqrt3A_579 = math.sqrt %broadcast_in_dim3A_578 : vector<512x1xf32>
    %max3A_580 = arith.constant 9.99999996E-13 : f32
    %max3A_581 = vector.broadcast %max3A_580 : f32 to vector<512x1xf32>
    %max3A_582 = arith.maximumf %sqrt3A_574, %max3A_581 : vector<512x1xf32>
    %div3A_583 = arith.constant 1.000000e+00 : f32
    %div3A_584 = vector.broadcast %div3A_583 : f32 to vector<512x1xf32>
    %div3A_585 = arith.divf %div3A_584, %max3A_582 : vector<512x1xf32>
    %max3A_586 = arith.constant 9.99999996E-13 : f32
    %max3A_587 = vector.broadcast %max3A_586 : f32 to vector<512x1xf32>
    %max3A_588 = arith.maximumf %sqrt3A_579, %max3A_587 : vector<512x1xf32>
    %div3A_589 = arith.constant 1.000000e+00 : f32
    %div3A_590 = vector.broadcast %div3A_589 : f32 to vector<512x1xf32>
    %div3A_591 = arith.divf %div3A_590, %max3A_588 : vector<512x1xf32>
    %broadcast_in_dim3A_592 = vector.shape_cast %div3A_585 : vector<512x1xf32> to vector<512x1xf32>
    %broadcast_in_dim3A_593 = vector.broadcast %broadcast_in_dim3A_592 : vector<512x1xf32> to vector<512x128xf32>
    %broadcast_in_dim3A_594 = vector.shape_cast %div3A_591 : vector<512x1xf32> to vector<512x1xf32>
    %broadcast_in_dim3A_595 = vector.broadcast %broadcast_in_dim3A_594 : vector<512x1xf32> to vector<512x128xf32>
    %select_n3A_596 = arith.select %lt3A_563, %broadcast_in_dim3A_593, %broadcast_in_dim3A_595 : vector<512x128xi1>, vector<512x128xf32>
    %mul3A_597 = arith.mulf %get3A_559, %select_n3A_596 : vector<512x128xf32>
    %mul3A_598 = arith.mulf %mul3A_550, %mul3A_597 : vector<512x128xf32>
    %jit3A_599 = arith.constant 0.000000e+00 : f32
    %broadcast_in_dim3A_600 = vector.broadcast %jit3A_599 : f32 to vector<512x128xf32>
    %select_n3A_601 = arith.select %lt3A_554, %mul3A_598, %broadcast_in_dim3A_600 : vector<512x128xi1>, vector<512x128xf32>
    %reduce_sum3A_602 = arith.constant dense<0.000000e+00> : vector<512xf32>
    %reduce_sum3A_603 = vector.multi_reduction <add>, %select_n3A_601, %reduce_sum3A_602 [1] : vector<512x128xf32> to vector<512xf32>
    %broadcast_in_dim3A_604 = vector.shape_cast %reduce_sum3A_603 : vector<512xf32> to vector<512x1xf32>
    %jit3A_605 = arith.constant 0.000000e+00 : f32
    %broadcast_in_dim3A_606 = vector.broadcast %jit3A_605 : f32 to vector<512x128xf32>
    %select_n3A_607 = arith.select %lt3A_554, %broadcast_in_dim3A_606, %mul3A_598 : vector<512x128xi1>, vector<512x128xf32>
    %reduce_sum3A_608 = arith.constant dense<0.000000e+00> : vector<512xf32>
    %reduce_sum3A_609 = vector.multi_reduction <add>, %select_n3A_607, %reduce_sum3A_608 [1] : vector<512x128xf32> to vector<512xf32>
    %broadcast_in_dim3A_610 = vector.shape_cast %reduce_sum3A_609 : vector<512xf32> to vector<512x1xf32>
    %swap3A = arith.constant 0 : index
    %swap3A_611 = arith.constant 0 : index
    %swap3A_612 = vector.load %arg16[%swap3A, %swap3A_611] : memref<512x22xf32, #tpu.memory_space<vmem>>, vector<512x1xf32>
    tpu.vector_store %arg16[%swap3A, %swap3A_611], %broadcast_in_dim3A_604 {strides = array<i32>} : memref<512x22xf32, #tpu.memory_space<vmem>>, vector<512x1xf32>,
    %swap3A_613 = arith.constant 0 : index
    %swap3A_614 = arith.constant 11 : index
    %swap3A_615 = vector.load %arg16[%swap3A_613, %swap3A_614] : memref<512x22xf32, #tpu.memory_space<vmem>>, vector<512x1xf32>
    tpu.vector_store %arg16[%swap3A_613, %swap3A_614], %broadcast_in_dim3A_610 {strides = array<i32>} : memref<512x22xf32, #tpu.memory_space<vmem>>, vector<512x1xf32>,
    %get3A_616 = arith.constant 1 : index
    %get3A_617 = arith.constant 0 : index
    %get3A_618 = arith.constant 0 : index
    %get3A_619 = vector.load %arg1[%get3A_616, %get3A_617, %get3A_618] : memref<11x512x128xf32, #tpu.memory_space<vmem>>, vector<1x512x128xf32>
    %get3A_620 = vector.shape_cast %get3A_619 : vector<1x512x128xf32> to vector<512x128xf32>
    %iota3A_621 = tpu.iota {dimensions = array<i32: 1>} : vector<512x128xi32>
    %lt3A_622 = arith.constant 64 : i32
    %lt3A_623 = vector.broadcast %lt3A_622 : i32 to vector<512x128xi32>
    %lt3A_624 = arith.cmpi slt, %iota3A_621, %lt3A_623 : vector<512x128xi32>
    %jit3A_625 = arith.constant 0.000000e+00 : f32
    %broadcast_in_dim3A_626 = vector.broadcast %jit3A_625 : f32 to vector<512x128xf32>
    %select_n3A_627 = arith.select %lt3A_624, %get3A_620, %broadcast_in_dim3A_626 : vector<512x128xi1>, vector<512x128xf32>
    %jit3A_628 = arith.constant 0.000000e+00 : f32
    %broadcast_in_dim3A_629 = vector.broadcast %jit3A_628 : f32 to vector<512x128xf32>
    %select_n3A_630 = arith.select %lt3A_624, %broadcast_in_dim3A_629, %get3A_620 : vector<512x128xi1>, vector<512x128xf32>
    %mul3A_631 = arith.mulf %select_n3A_627, %select_n3A_627 : vector<512x128xf32>
    %reduce_sum3A_632 = arith.constant dense<0.000000e+00> : vector<512xf32>
    %reduce_sum3A_633 = vector.multi_reduction <add>, %mul3A_631, %reduce_sum3A_632 [1] : vector<512x128xf32> to vector<512xf32>
    %broadcast_in_dim3A_634 = vector.shape_cast %reduce_sum3A_633 : vector<512xf32> to vector<512x1xf32>
    %sqrt3A_635 = math.sqrt %broadcast_in_dim3A_634 : vector<512x1xf32>
    %mul3A_636 = arith.mulf %select_n3A_630, %select_n3A_630 : vector<512x128xf32>
    %reduce_sum3A_637 = arith.constant dense<0.000000e+00> : vector<512xf32>
    %reduce_sum3A_638 = vector.multi_reduction <add>, %mul3A_636, %reduce_sum3A_637 [1] : vector<512x128xf32> to vector<512xf32>
    %broadcast_in_dim3A_639 = vector.shape_cast %reduce_sum3A_638 : vector<512xf32> to vector<512x1xf32>
    %sqrt3A_640 = math.sqrt %broadcast_in_dim3A_639 : vector<512x1xf32>
    %max3A_641 = arith.constant 9.99999996E-13 : f32
    %max3A_642 = vector.broadcast %max3A_641 : f32 to vector<512x1xf32>
    %max3A_643 = arith.maximumf %sqrt3A_635, %max3A_642 : vector<512x1xf32>
    %div3A_644 = arith.constant 1.000000e+00 : f32
    %div3A_645 = vector.broadcast %div3A_644 : f32 to vector<512x1xf32>
    %div3A_646 = arith.divf %div3A_645, %max3A_643 : vector<512x1xf32>
    %max3A_647 = arith.constant 9.99999996E-13 : f32
    %max3A_648 = vector.broadcast %max3A_647 : f32 to vector<512x1xf32>
    %max3A_649 = arith.maximumf %sqrt3A_640, %max3A_648 : vector<512x1xf32>
    %div3A_650 = arith.constant 1.000000e+00 : f32
    %div3A_651 = vector.broadcast %div3A_650 : f32 to vector<512x1xf32>
    %div3A_652 = arith.divf %div3A_651, %max3A_649 : vector<512x1xf32>
    %broadcast_in_dim3A_653 = vector.shape_cast %div3A_646 : vector<512x1xf32> to vector<512x1xf32>
    %broadcast_in_dim3A_654 = vector.broadcast %broadcast_in_dim3A_653 : vector<512x1xf32> to vector<512x128xf32>
    %broadcast_in_dim3A_655 = vector.shape_cast %div3A_652 : vector<512x1xf32> to vector<512x1xf32>
    %broadcast_in_dim3A_656 = vector.broadcast %broadcast_in_dim3A_655 : vector<512x1xf32> to vector<512x128xf32>
    %select_n3A_657 = arith.select %lt3A_624, %broadcast_in_dim3A_654, %broadcast_in_dim3A_656 : vector<512x128xi1>, vector<512x128xf32>
    %mul3A_658 = arith.mulf %get3A_620, %select_n3A_657 : vector<512x128xf32>
    %mul3A_659 = arith.mulf %mul3A_550, %mul3A_658 : vector<512x128xf32>
    %jit3A_660 = arith.constant 0.000000e+00 : f32
    %broadcast_in_dim3A_661 = vector.broadcast %jit3A_660 : f32 to vector<512x128xf32>
    %select_n3A_662 = arith.select %lt3A_554, %mul3A_659, %broadcast_in_dim3A_661 : vector<512x128xi1>, vector<512x128xf32>
    %reduce_sum3A_663 = arith.constant dense<0.000000e+00> : vector<512xf32>
    %reduce_sum3A_664 = vector.multi_reduction <add>, %select_n3A_662, %reduce_sum3A_663 [1] : vector<512x128xf32> to vector<512xf32>
    %broadcast_in_dim3A_665 = vector.shape_cast %reduce_sum3A_664 : vector<512xf32> to vector<512x1xf32>
    %jit3A_666 = arith.constant 0.000000e+00 : f32
    %broadcast_in_dim3A_667 = vector.broadcast %jit3A_666 : f32 to vector<512x128xf32>
    %select_n3A_668 = arith.select %lt3A_554, %broadcast_in_dim3A_667, %mul3A_659 : vector<512x128xi1>, vector<512x128xf32>
    %reduce_sum3A_669 = arith.constant dense<0.000000e+00> : vector<512xf32>
    %reduce_sum3A_670 = vector.multi_reduction <add>, %select_n3A_668, %reduce_sum3A_669 [1] : vector<512x128xf32> to vector<512xf32>
    %broadcast_in_dim3A_671 = vector.shape_cast %reduce_sum3A_670 : vector<512xf32> to vector<512x1xf32>
    %swap3A_672 = arith.constant 0 : index
    %swap3A_673 = arith.constant 1 : index
    %swap3A_674 = vector.load %arg16[%swap3A_672, %swap3A_673] : memref<512x22xf32, #tpu.memory_space<vmem>>, vector<512x1xf32>
    tpu.vector_store %arg16[%swap3A_672, %swap3A_673], %broadcast_in_dim3A_665 {strides = array<i32>} : memref<512x22xf32, #tpu.memory_space<vmem>>, vector<512x1xf32>,
    %swap3A_675 = arith.constant 0 : index
    %swap3A_676 = arith.constant 12 : index
    %swap3A_677 = vector.load %arg16[%swap3A_675, %swap3A_676] : memref<512x22xf32, #tpu.memory_space<vmem>>, vector<512x1xf32>
    tpu.vector_store %arg16[%swap3A_675, %swap3A_676], %broadcast_in_dim3A_671 {strides = array<i32>} : memref<512x22xf32, #tpu.memory_space<vmem>>, vector<512x1xf32>,
    %get3A_678 = arith.constant 2 : index
    %get3A_679 = arith.constant 0 : index
    %get3A_680 = arith.constant 0 : index
    %get3A_681 = vector.load %arg1[%get3A_678, %get3A_679, %get3A_680] : memref<11x512x128xf32, #tpu.memory_space<vmem>>, vector<1x512x128xf32>
    %get3A_682 = vector.shape_cast %get3A_681 : vector<1x512x128xf32> to vector<512x128xf32>
    %iota3A_683 = tpu.iota {dimensions = array<i32: 1>} : vector<512x128xi32>
    %lt3A_684 = arith.constant 64 : i32
    %lt3A_685 = vector.broadcast %lt3A_684 : i32 to vector<512x128xi32>
    %lt3A_686 = arith.cmpi slt, %iota3A_683, %lt3A_685 : vector<512x128xi32>
    %jit3A_687 = arith.constant 0.000000e+00 : f32
    %broadcast_in_dim3A_688 = vector.broadcast %jit3A_687 : f32 to vector<512x128xf32>
    %select_n3A_689 = arith.select %lt3A_686, %get3A_682, %broadcast_in_dim3A_688 : vector<512x128xi1>, vector<512x128xf32>
    %jit3A_690 = arith.constant 0.000000e+00 : f32
    %broadcast_in_dim3A_691 = vector.broadcast %jit3A_690 : f32 to vector<512x128xf32>
    %select_n3A_692 = arith.select %lt3A_686, %broadcast_in_dim3A_691, %get3A_682 : vector<512x128xi1>, vector<512x128xf32>
    %mul3A_693 = arith.mulf %select_n3A_689, %select_n3A_689 : vector<512x128xf32>
    %reduce_sum3A_694 = arith.constant dense<0.000000e+00> : vector<512xf32>
    %reduce_sum3A_695 = vector.multi_reduction <add>, %mul3A_693, %reduce_sum3A_694 [1] : vector<512x128xf32> to vector<512xf32>
    %broadcast_in_dim3A_696 = vector.shape_cast %reduce_sum3A_695 : vector<512xf32> to vector<512x1xf32>
    %sqrt3A_697 = math.sqrt %broadcast_in_dim3A_696 : vector<512x1xf32>
    %mul3A_698 = arith.mulf %select_n3A_692, %select_n3A_692 : vector<512x128xf32>
    %reduce_sum3A_699 = arith.constant dense<0.000000e+00> : vector<512xf32>
    %reduce_sum3A_700 = vector.multi_reduction <add>, %mul3A_698, %reduce_sum3A_699 [1] : vector<512x128xf32> to vector<512xf32>
    %broadcast_in_dim3A_701 = vector.shape_cast %reduce_sum3A_700 : vector<512xf32> to vector<512x1xf32>
    %sqrt3A_702 = math.sqrt %broadcast_in_dim3A_701 : vector<512x1xf32>
    %max3A_703 = arith.constant 9.99999996E-13 : f32
    %max3A_704 = vector.broadcast %max3A_703 : f32 to vector<512x1xf32>
    %max3A_705 = arith.maximumf %sqrt3A_697, %max3A_704 : vector<512x1xf32>
    %div3A_706 = arith.constant 1.000000e+00 : f32
    %div3A_707 = vector.broadcast %div3A_706 : f32 to vector<512x1xf32>
    %div3A_708 = arith.divf %div3A_707, %max3A_705 : vector<512x1xf32>
    %max3A_709 = arith.constant 9.99999996E-13 : f32
    %max3A_710 = vector.broadcast %max3A_709 : f32 to vector<512x1xf32>
    %max3A_711 = arith.maximumf %sqrt3A_702, %max3A_710 : vector<512x1xf32>
    %div3A_712 = arith.constant 1.000000e+00 : f32
    %div3A_713 = vector.broadcast %div3A_712 : f32 to vector<512x1xf32>
    %div3A_714 = arith.divf %div3A_713, %max3A_711 : vector<512x1xf32>
    %broadcast_in_dim3A_715 = vector.shape_cast %div3A_708 : vector<512x1xf32> to vector<512x1xf32>
    %broadcast_in_dim3A_716 = vector.broadcast %broadcast_in_dim3A_715 : vector<512x1xf32> to vector<512x128xf32>
    %broadcast_in_dim3A_717 = vector.shape_cast %div3A_714 : vector<512x1xf32> to vector<512x1xf32>
    %broadcast_in_dim3A_718 = vector.broadcast %broadcast_in_dim3A_717 : vector<512x1xf32> to vector<512x128xf32>
    %select_n3A_719 = arith.select %lt3A_686, %broadcast_in_dim3A_716, %broadcast_in_dim3A_718 : vector<512x128xi1>, vector<512x128xf32>
    %mul3A_720 = arith.mulf %get3A_682, %select_n3A_719 : vector<512x128xf32>
    %mul3A_721 = arith.mulf %mul3A_550, %mul3A_720 : vector<512x128xf32>
    %jit3A_722 = arith.constant 0.000000e+00 : f32
    %broadcast_in_dim3A_723 = vector.broadcast %jit3A_722 : f32 to vector<512x128xf32>
    %select_n3A_724 = arith.select %lt3A_554, %mul3A_721, %broadcast_in_dim3A_723 : vector<512x128xi1>, vector<512x128xf32>
    %reduce_sum3A_725 = arith.constant dense<0.000000e+00> : vector<512xf32>
    %reduce_sum3A_726 = vector.multi_reduction <add>, %select_n3A_724, %reduce_sum3A_725 [1] : vector<512x128xf32> to vector<512xf32>
    %broadcast_in_dim3A_727 = vector.shape_cast %reduce_sum3A_726 : vector<512xf32> to vector<512x1xf32>
    %jit3A_728 = arith.constant 0.000000e+00 : f32
    %broadcast_in_dim3A_729 = vector.broadcast %jit3A_728 : f32 to vector<512x128xf32>
    %select_n3A_730 = arith.select %lt3A_554, %broadcast_in_dim3A_729, %mul3A_721 : vector<512x128xi1>, vector<512x128xf32>
    %reduce_sum3A_731 = arith.constant dense<0.000000e+00> : vector<512xf32>
    %reduce_sum3A_732 = vector.multi_reduction <add>, %select_n3A_730, %reduce_sum3A_731 [1] : vector<512x128xf32> to vector<512xf32>
    %broadcast_in_dim3A_733 = vector.shape_cast %reduce_sum3A_732 : vector<512xf32> to vector<512x1xf32>
    %swap3A_734 = arith.constant 0 : index
    %swap3A_735 = arith.constant 2 : index
    %swap3A_736 = vector.load %arg16[%swap3A_734, %swap3A_735] : memref<512x22xf32, #tpu.memory_space<vmem>>, vector<512x1xf32>
    tpu.vector_store %arg16[%swap3A_734, %swap3A_735], %broadcast_in_dim3A_727 {strides = array<i32>} : memref<512x22xf32, #tpu.memory_space<vmem>>, vector<512x1xf32>,
    %swap3A_737 = arith.constant 0 : index
    %swap3A_738 = arith.constant 13 : index
    %swap3A_739 = vector.load %arg16[%swap3A_737, %swap3A_738] : memref<512x22xf32, #tpu.memory_space<vmem>>, vector<512x1xf32>
    tpu.vector_store %arg16[%swap3A_737, %swap3A_738], %broadcast_in_dim3A_733 {strides = array<i32>} : memref<512x22xf32, #tpu.memory_space<vmem>>, vector<512x1xf32>,
    %get3A_740 = arith.constant 3 : index
    %get3A_741 = arith.constant 0 : index
    %get3A_742 = arith.constant 0 : index
    %get3A_743 = vector.load %arg1[%get3A_740, %get3A_741, %get3A_742] : memref<11x512x128xf32, #tpu.memory_space<vmem>>, vector<1x512x128xf32>
    %get3A_744 = vector.shape_cast %get3A_743 : vector<1x512x128xf32> to vector<512x128xf32>
    %iota3A_745 = tpu.iota {dimensions = array<i32: 1>} : vector<512x128xi32>
    %lt3A_746 = arith.constant 64 : i32
    %lt3A_747 = vector.broadcast %lt3A_746 : i32 to vector<512x128xi32>
    %lt3A_748 = arith.cmpi slt, %iota3A_745, %lt3A_747 : vector<512x128xi32>
    %jit3A_749 = arith.constant 0.000000e+00 : f32
    %broadcast_in_dim3A_750 = vector.broadcast %jit3A_749 : f32 to vector<512x128xf32>
    %select_n3A_751 = arith.select %lt3A_748, %get3A_744, %broadcast_in_dim3A_750 : vector<512x128xi1>, vector<512x128xf32>
    %jit3A_752 = arith.constant 0.000000e+00 : f32
    %broadcast_in_dim3A_753 = vector.broadcast %jit3A_752 : f32 to vector<512x128xf32>
    %select_n3A_754 = arith.select %lt3A_748, %broadcast_in_dim3A_753, %get3A_744 : vector<512x128xi1>, vector<512x128xf32>
    %mul3A_755 = arith.mulf %select_n3A_751, %select_n3A_751 : vector<512x128xf32>
    %reduce_sum3A_756 = arith.constant dense<0.000000e+00> : vector<512xf32>
    %reduce_sum3A_757 = vector.multi_reduction <add>, %mul3A_755, %reduce_sum3A_756 [1] : vector<512x128xf32> to vector<512xf32>
    %broadcast_in_dim3A_758 = vector.shape_cast %reduce_sum3A_757 : vector<512xf32> to vector<512x1xf32>
    %sqrt3A_759 = math.sqrt %broadcast_in_dim3A_758 : vector<512x1xf32>
    %mul3A_760 = arith.mulf %select_n3A_754, %select_n3A_754 : vector<512x128xf32>
    %reduce_sum3A_761 = arith.constant dense<0.000000e+00> : vector<512xf32>
    %reduce_sum3A_762 = vector.multi_reduction <add>, %mul3A_760, %reduce_sum3A_761 [1] : vector<512x128xf32> to vector<512xf32>
    %broadcast_in_dim3A_763 = vector.shape_cast %reduce_sum3A_762 : vector<512xf32> to vector<512x1xf32>
    %sqrt3A_764 = math.sqrt %broadcast_in_dim3A_763 : vector<512x1xf32>
    %max3A_765 = arith.constant 9.99999996E-13 : f32
    %max3A_766 = vector.broadcast %max3A_765 : f32 to vector<512x1xf32>
    %max3A_767 = arith.maximumf %sqrt3A_759, %max3A_766 : vector<512x1xf32>
    %div3A_768 = arith.constant 1.000000e+00 : f32
    %div3A_769 = vector.broadcast %div3A_768 : f32 to vector<512x1xf32>
    %div3A_770 = arith.divf %div3A_769, %max3A_767 : vector<512x1xf32>
    %max3A_771 = arith.constant 9.99999996E-13 : f32
    %max3A_772 = vector.broadcast %max3A_771 : f32 to vector<512x1xf32>
    %max3A_773 = arith.maximumf %sqrt3A_764, %max3A_772 : vector<512x1xf32>
    %div3A_774 = arith.constant 1.000000e+00 : f32
    %div3A_775 = vector.broadcast %div3A_774 : f32 to vector<512x1xf32>
    %div3A_776 = arith.divf %div3A_775, %max3A_773 : vector<512x1xf32>
    %broadcast_in_dim3A_777 = vector.shape_cast %div3A_770 : vector<512x1xf32> to vector<512x1xf32>
    %broadcast_in_dim3A_778 = vector.broadcast %broadcast_in_dim3A_777 : vector<512x1xf32> to vector<512x128xf32>
    %broadcast_in_dim3A_779 = vector.shape_cast %div3A_776 : vector<512x1xf32> to vector<512x1xf32>
    %broadcast_in_dim3A_780 = vector.broadcast %broadcast_in_dim3A_779 : vector<512x1xf32> to vector<512x128xf32>
    %select_n3A_781 = arith.select %lt3A_748, %broadcast_in_dim3A_778, %broadcast_in_dim3A_780 : vector<512x128xi1>, vector<512x128xf32>
    %mul3A_782 = arith.mulf %get3A_744, %select_n3A_781 : vector<512x128xf32>
    %mul3A_783 = arith.mulf %mul3A_550, %mul3A_782 : vector<512x128xf32>
    %jit3A_784 = arith.constant 0.000000e+00 : f32
    %broadcast_in_dim3A_785 = vector.broadcast %jit3A_784 : f32 to vector<512x128xf32>
    %select_n3A_786 = arith.select %lt3A_554, %mul3A_783, %broadcast_in_dim3A_785 : vector<512x128xi1>, vector<512x128xf32>
    %reduce_sum3A_787 = arith.constant dense<0.000000e+00> : vector<512xf32>
    %reduce_sum3A_788 = vector.multi_reduction <add>, %select_n3A_786, %reduce_sum3A_787 [1] : vector<512x128xf32> to vector<512xf32>
    %broadcast_in_dim3A_789 = vector.shape_cast %reduce_sum3A_788 : vector<512xf32> to vector<512x1xf32>
    %jit3A_790 = arith.constant 0.000000e+00 : f32
    %broadcast_in_dim3A_791 = vector.broadcast %jit3A_790 : f32 to vector<512x128xf32>
    %select_n3A_792 = arith.select %lt3A_554, %broadcast_in_dim3A_791, %mul3A_783 : vector<512x128xi1>, vector<512x128xf32>
    %reduce_sum3A_793 = arith.constant dense<0.000000e+00> : vector<512xf32>
    %reduce_sum3A_794 = vector.multi_reduction <add>, %select_n3A_792, %reduce_sum3A_793 [1] : vector<512x128xf32> to vector<512xf32>
    %broadcast_in_dim3A_795 = vector.shape_cast %reduce_sum3A_794 : vector<512xf32> to vector<512x1xf32>
    %swap3A_796 = arith.constant 0 : index
    %swap3A_797 = arith.constant 3 : index
    %swap3A_798 = vector.load %arg16[%swap3A_796, %swap3A_797] : memref<512x22xf32, #tpu.memory_space<vmem>>, vector<512x1xf32>
    tpu.vector_store %arg16[%swap3A_796, %swap3A_797], %broadcast_in_dim3A_789 {strides = array<i32>} : memref<512x22xf32, #tpu.memory_space<vmem>>, vector<512x1xf32>,
    %swap3A_799 = arith.constant 0 : index
    %swap3A_800 = arith.constant 14 : index
    %swap3A_801 = vector.load %arg16[%swap3A_799, %swap3A_800] : memref<512x22xf32, #tpu.memory_space<vmem>>, vector<512x1xf32>
    tpu.vector_store %arg16[%swap3A_799, %swap3A_800], %broadcast_in_dim3A_795 {strides = array<i32>} : memref<512x22xf32, #tpu.memory_space<vmem>>, vector<512x1xf32>,
    %get3A_802 = arith.constant 4 : index
    %get3A_803 = arith.constant 0 : index
    %get3A_804 = arith.constant 0 : index
    %get3A_805 = vector.load %arg1[%get3A_802, %get3A_803, %get3A_804] : memref<11x512x128xf32, #tpu.memory_space<vmem>>, vector<1x512x128xf32>
    %get3A_806 = vector.shape_cast %get3A_805 : vector<1x512x128xf32> to vector<512x128xf32>
    %iota3A_807 = tpu.iota {dimensions = array<i32: 1>} : vector<512x128xi32>
    %lt3A_808 = arith.constant 64 : i32
    %lt3A_809 = vector.broadcast %lt3A_808 : i32 to vector<512x128xi32>
    %lt3A_810 = arith.cmpi slt, %iota3A_807, %lt3A_809 : vector<512x128xi32>
    %jit3A_811 = arith.constant 0.000000e+00 : f32
    %broadcast_in_dim3A_812 = vector.broadcast %jit3A_811 : f32 to vector<512x128xf32>
    %select_n3A_813 = arith.select %lt3A_810, %get3A_806, %broadcast_in_dim3A_812 : vector<512x128xi1>, vector<512x128xf32>
    %jit3A_814 = arith.constant 0.000000e+00 : f32
    %broadcast_in_dim3A_815 = vector.broadcast %jit3A_814 : f32 to vector<512x128xf32>
    %select_n3A_816 = arith.select %lt3A_810, %broadcast_in_dim3A_815, %get3A_806 : vector<512x128xi1>, vector<512x128xf32>
    %mul3A_817 = arith.mulf %select_n3A_813, %select_n3A_813 : vector<512x128xf32>
    %reduce_sum3A_818 = arith.constant dense<0.000000e+00> : vector<512xf32>
    %reduce_sum3A_819 = vector.multi_reduction <add>, %mul3A_817, %reduce_sum3A_818 [1] : vector<512x128xf32> to vector<512xf32>
    %broadcast_in_dim3A_820 = vector.shape_cast %reduce_sum3A_819 : vector<512xf32> to vector<512x1xf32>
    %sqrt3A_821 = math.sqrt %broadcast_in_dim3A_820 : vector<512x1xf32>
    %mul3A_822 = arith.mulf %select_n3A_816, %select_n3A_816 : vector<512x128xf32>
    %reduce_sum3A_823 = arith.constant dense<0.000000e+00> : vector<512xf32>
    %reduce_sum3A_824 = vector.multi_reduction <add>, %mul3A_822, %reduce_sum3A_823 [1] : vector<512x128xf32> to vector<512xf32>
    %broadcast_in_dim3A_825 = vector.shape_cast %reduce_sum3A_824 : vector<512xf32> to vector<512x1xf32>
    %sqrt3A_826 = math.sqrt %broadcast_in_dim3A_825 : vector<512x1xf32>
    %max3A_827 = arith.constant 9.99999996E-13 : f32
    %max3A_828 = vector.broadcast %max3A_827 : f32 to vector<512x1xf32>
    %max3A_829 = arith.maximumf %sqrt3A_821, %max3A_828 : vector<512x1xf32>
    %div3A_830 = arith.constant 1.000000e+00 : f32
    %div3A_831 = vector.broadcast %div3A_830 : f32 to vector<512x1xf32>
    %div3A_832 = arith.divf %div3A_831, %max3A_829 : vector<512x1xf32>
    %max3A_833 = arith.constant 9.99999996E-13 : f32
    %max3A_834 = vector.broadcast %max3A_833 : f32 to vector<512x1xf32>
    %max3A_835 = arith.maximumf %sqrt3A_826, %max3A_834 : vector<512x1xf32>
    %div3A_836 = arith.constant 1.000000e+00 : f32
    %div3A_837 = vector.broadcast %div3A_836 : f32 to vector<512x1xf32>
    %div3A_838 = arith.divf %div3A_837, %max3A_835 : vector<512x1xf32>
    %broadcast_in_dim3A_839 = vector.shape_cast %div3A_832 : vector<512x1xf32> to vector<512x1xf32>
    %broadcast_in_dim3A_840 = vector.broadcast %broadcast_in_dim3A_839 : vector<512x1xf32> to vector<512x128xf32>
    %broadcast_in_dim3A_841 = vector.shape_cast %div3A_838 : vector<512x1xf32> to vector<512x1xf32>
    %broadcast_in_dim3A_842 = vector.broadcast %broadcast_in_dim3A_841 : vector<512x1xf32> to vector<512x128xf32>
    %select_n3A_843 = arith.select %lt3A_810, %broadcast_in_dim3A_840, %broadcast_in_dim3A_842 : vector<512x128xi1>, vector<512x128xf32>
    %mul3A_844 = arith.mulf %get3A_806, %select_n3A_843 : vector<512x128xf32>
    %mul3A_845 = arith.mulf %mul3A_550, %mul3A_844 : vector<512x128xf32>
    %jit3A_846 = arith.constant 0.000000e+00 : f32
    %broadcast_in_dim3A_847 = vector.broadcast %jit3A_846 : f32 to vector<512x128xf32>
    %select_n3A_848 = arith.select %lt3A_554, %mul3A_845, %broadcast_in_dim3A_847 : vector<512x128xi1>, vector<512x128xf32>
    %reduce_sum3A_849 = arith.constant dense<0.000000e+00> : vector<512xf32>
    %reduce_sum3A_850 = vector.multi_reduction <add>, %select_n3A_848, %reduce_sum3A_849 [1] : vector<512x128xf32> to vector<512xf32>
    %broadcast_in_dim3A_851 = vector.shape_cast %reduce_sum3A_850 : vector<512xf32> to vector<512x1xf32>
    %jit3A_852 = arith.constant 0.000000e+00 : f32
    %broadcast_in_dim3A_853 = vector.broadcast %jit3A_852 : f32 to vector<512x128xf32>
    %select_n3A_854 = arith.select %lt3A_554, %broadcast_in_dim3A_853, %mul3A_845 : vector<512x128xi1>, vector<512x128xf32>
    %reduce_sum3A_855 = arith.constant dense<0.000000e+00> : vector<512xf32>
    %reduce_sum3A_856 = vector.multi_reduction <add>, %select_n3A_854, %reduce_sum3A_855 [1] : vector<512x128xf32> to vector<512xf32>
    %broadcast_in_dim3A_857 = vector.shape_cast %reduce_sum3A_856 : vector<512xf32> to vector<512x1xf32>
    %swap3A_858 = arith.constant 0 : index
    %swap3A_859 = arith.constant 4 : index
    %swap3A_860 = vector.load %arg16[%swap3A_858, %swap3A_859] : memref<512x22xf32, #tpu.memory_space<vmem>>, vector<512x1xf32>
    tpu.vector_store %arg16[%swap3A_858, %swap3A_859], %broadcast_in_dim3A_851 {strides = array<i32>} : memref<512x22xf32, #tpu.memory_space<vmem>>, vector<512x1xf32>,
    %swap3A_861 = arith.constant 0 : index
    %swap3A_862 = arith.constant 15 : index
    %swap3A_863 = vector.load %arg16[%swap3A_861, %swap3A_862] : memref<512x22xf32, #tpu.memory_space<vmem>>, vector<512x1xf32>
    tpu.vector_store %arg16[%swap3A_861, %swap3A_862], %broadcast_in_dim3A_857 {strides = array<i32>} : memref<512x22xf32, #tpu.memory_space<vmem>>, vector<512x1xf32>,
    %get3A_864 = arith.constant 5 : index
    %get3A_865 = arith.constant 0 : index
    %get3A_866 = arith.constant 0 : index
    %get3A_867 = vector.load %arg1[%get3A_864, %get3A_865, %get3A_866] : memref<11x512x128xf32, #tpu.memory_space<vmem>>, vector<1x512x128xf32>
    %get3A_868 = vector.shape_cast %get3A_867 : vector<1x512x128xf32> to vector<512x128xf32>
    %iota3A_869 = tpu.iota {dimensions = array<i32: 1>} : vector<512x128xi32>
    %lt3A_870 = arith.constant 64 : i32
    %lt3A_871 = vector.broadcast %lt3A_870 : i32 to vector<512x128xi32>
    %lt3A_872 = arith.cmpi slt, %iota3A_869, %lt3A_871 : vector<512x128xi32>
    %jit3A_873 = arith.constant 0.000000e+00 : f32
    %broadcast_in_dim3A_874 = vector.broadcast %jit3A_873 : f32 to vector<512x128xf32>
    %select_n3A_875 = arith.select %lt3A_872, %get3A_868, %broadcast_in_dim3A_874 : vector<512x128xi1>, vector<512x128xf32>
    %jit3A_876 = arith.constant 0.000000e+00 : f32
    %broadcast_in_dim3A_877 = vector.broadcast %jit3A_876 : f32 to vector<512x128xf32>
    %select_n3A_878 = arith.select %lt3A_872, %broadcast_in_dim3A_877, %get3A_868 : vector<512x128xi1>, vector<512x128xf32>
    %mul3A_879 = arith.mulf %select_n3A_875, %select_n3A_875 : vector<512x128xf32>
    %reduce_sum3A_880 = arith.constant dense<0.000000e+00> : vector<512xf32>
    %reduce_sum3A_881 = vector.multi_reduction <add>, %mul3A_879, %reduce_sum3A_880 [1] : vector<512x128xf32> to vector<512xf32>
    %broadcast_in_dim3A_882 = vector.shape_cast %reduce_sum3A_881 : vector<512xf32> to vector<512x1xf32>
    %sqrt3A_883 = math.sqrt %broadcast_in_dim3A_882 : vector<512x1xf32>
    %mul3A_884 = arith.mulf %select_n3A_878, %select_n3A_878 : vector<512x128xf32>
    %reduce_sum3A_885 = arith.constant dense<0.000000e+00> : vector<512xf32>
    %reduce_sum3A_886 = vector.multi_reduction <add>, %mul3A_884, %reduce_sum3A_885 [1] : vector<512x128xf32> to vector<512xf32>
    %broadcast_in_dim3A_887 = vector.shape_cast %reduce_sum3A_886 : vector<512xf32> to vector<512x1xf32>
    %sqrt3A_888 = math.sqrt %broadcast_in_dim3A_887 : vector<512x1xf32>
    %max3A_889 = arith.constant 9.99999996E-13 : f32
    %max3A_890 = vector.broadcast %max3A_889 : f32 to vector<512x1xf32>
    %max3A_891 = arith.maximumf %sqrt3A_883, %max3A_890 : vector<512x1xf32>
    %div3A_892 = arith.constant 1.000000e+00 : f32
    %div3A_893 = vector.broadcast %div3A_892 : f32 to vector<512x1xf32>
    %div3A_894 = arith.divf %div3A_893, %max3A_891 : vector<512x1xf32>
    %max3A_895 = arith.constant 9.99999996E-13 : f32
    %max3A_896 = vector.broadcast %max3A_895 : f32 to vector<512x1xf32>
    %max3A_897 = arith.maximumf %sqrt3A_888, %max3A_896 : vector<512x1xf32>
    %div3A_898 = arith.constant 1.000000e+00 : f32
    %div3A_899 = vector.broadcast %div3A_898 : f32 to vector<512x1xf32>
    %div3A_900 = arith.divf %div3A_899, %max3A_897 : vector<512x1xf32>
    %broadcast_in_dim3A_901 = vector.shape_cast %div3A_894 : vector<512x1xf32> to vector<512x1xf32>
    %broadcast_in_dim3A_902 = vector.broadcast %broadcast_in_dim3A_901 : vector<512x1xf32> to vector<512x128xf32>
    %broadcast_in_dim3A_903 = vector.shape_cast %div3A_900 : vector<512x1xf32> to vector<512x1xf32>
    %broadcast_in_dim3A_904 = vector.broadcast %broadcast_in_dim3A_903 : vector<512x1xf32> to vector<512x128xf32>
    %select_n3A_905 = arith.select %lt3A_872, %broadcast_in_dim3A_902, %broadcast_in_dim3A_904 : vector<512x128xi1>, vector<512x128xf32>
    %mul3A_906 = arith.mulf %get3A_868, %select_n3A_905 : vector<512x128xf32>
    %mul3A_907 = arith.mulf %mul3A_550, %mul3A_906 : vector<512x128xf32>
    %jit3A_908 = arith.constant 0.000000e+00 : f32
    %broadcast_in_dim3A_909 = vector.broadcast %jit3A_908 : f32 to vector<512x128xf32>
    %select_n3A_910 = arith.select %lt3A_554, %mul3A_907, %broadcast_in_dim3A_909 : vector<512x128xi1>, vector<512x128xf32>
    %reduce_sum3A_911 = arith.constant dense<0.000000e+00> : vector<512xf32>
    %reduce_sum3A_912 = vector.multi_reduction <add>, %select_n3A_910, %reduce_sum3A_911 [1] : vector<512x128xf32> to vector<512xf32>
    %broadcast_in_dim3A_913 = vector.shape_cast %reduce_sum3A_912 : vector<512xf32> to vector<512x1xf32>
    %jit3A_914 = arith.constant 0.000000e+00 : f32
    %broadcast_in_dim3A_915 = vector.broadcast %jit3A_914 : f32 to vector<512x128xf32>
    %select_n3A_916 = arith.select %lt3A_554, %broadcast_in_dim3A_915, %mul3A_907 : vector<512x128xi1>, vector<512x128xf32>
    %reduce_sum3A_917 = arith.constant dense<0.000000e+00> : vector<512xf32>
    %reduce_sum3A_918 = vector.multi_reduction <add>, %select_n3A_916, %reduce_sum3A_917 [1] : vector<512x128xf32> to vector<512xf32>
    %broadcast_in_dim3A_919 = vector.shape_cast %reduce_sum3A_918 : vector<512xf32> to vector<512x1xf32>
    %swap3A_920 = arith.constant 0 : index
    %swap3A_921 = arith.constant 5 : index
    %swap3A_922 = vector.load %arg16[%swap3A_920, %swap3A_921] : memref<512x22xf32, #tpu.memory_space<vmem>>, vector<512x1xf32>
    tpu.vector_store %arg16[%swap3A_920, %swap3A_921], %broadcast_in_dim3A_913 {strides = array<i32>} : memref<512x22xf32, #tpu.memory_space<vmem>>, vector<512x1xf32>,
    %swap3A_923 = arith.constant 0 : index
    %swap3A_924 = arith.constant 16 : index
    %swap3A_925 = vector.load %arg16[%swap3A_923, %swap3A_924] : memref<512x22xf32, #tpu.memory_space<vmem>>, vector<512x1xf32>
    tpu.vector_store %arg16[%swap3A_923, %swap3A_924], %broadcast_in_dim3A_919 {strides = array<i32>} : memref<512x22xf32, #tpu.memory_space<vmem>>, vector<512x1xf32>,
    %get3A_926 = arith.constant 6 : index
    %get3A_927 = arith.constant 0 : index
    %get3A_928 = arith.constant 0 : index
    %get3A_929 = vector.load %arg1[%get3A_926, %get3A_927, %get3A_928] : memref<11x512x128xf32, #tpu.memory_space<vmem>>, vector<1x512x128xf32>
    %get3A_930 = vector.shape_cast %get3A_929 : vector<1x512x128xf32> to vector<512x128xf32>
    %iota3A_931 = tpu.iota {dimensions = array<i32: 1>} : vector<512x128xi32>
    %lt3A_932 = arith.constant 64 : i32
    %lt3A_933 = vector.broadcast %lt3A_932 : i32 to vector<512x128xi32>
    %lt3A_934 = arith.cmpi slt, %iota3A_931, %lt3A_933 : vector<512x128xi32>
    %jit3A_935 = arith.constant 0.000000e+00 : f32
    %broadcast_in_dim3A_936 = vector.broadcast %jit3A_935 : f32 to vector<512x128xf32>
    %select_n3A_937 = arith.select %lt3A_934, %get3A_930, %broadcast_in_dim3A_936 : vector<512x128xi1>, vector<512x128xf32>
    %jit3A_938 = arith.constant 0.000000e+00 : f32
    %broadcast_in_dim3A_939 = vector.broadcast %jit3A_938 : f32 to vector<512x128xf32>
    %select_n3A_940 = arith.select %lt3A_934, %broadcast_in_dim3A_939, %get3A_930 : vector<512x128xi1>, vector<512x128xf32>
    %mul3A_941 = arith.mulf %select_n3A_937, %select_n3A_937 : vector<512x128xf32>
    %reduce_sum3A_942 = arith.constant dense<0.000000e+00> : vector<512xf32>
    %reduce_sum3A_943 = vector.multi_reduction <add>, %mul3A_941, %reduce_sum3A_942 [1] : vector<512x128xf32> to vector<512xf32>
    %broadcast_in_dim3A_944 = vector.shape_cast %reduce_sum3A_943 : vector<512xf32> to vector<512x1xf32>
    %sqrt3A_945 = math.sqrt %broadcast_in_dim3A_944 : vector<512x1xf32>
    %mul3A_946 = arith.mulf %select_n3A_940, %select_n3A_940 : vector<512x128xf32>
    %reduce_sum3A_947 = arith.constant dense<0.000000e+00> : vector<512xf32>
    %reduce_sum3A_948 = vector.multi_reduction <add>, %mul3A_946, %reduce_sum3A_947 [1] : vector<512x128xf32> to vector<512xf32>
    %broadcast_in_dim3A_949 = vector.shape_cast %reduce_sum3A_948 : vector<512xf32> to vector<512x1xf32>
    %sqrt3A_950 = math.sqrt %broadcast_in_dim3A_949 : vector<512x1xf32>
    %max3A_951 = arith.constant 9.99999996E-13 : f32
    %max3A_952 = vector.broadcast %max3A_951 : f32 to vector<512x1xf32>
    %max3A_953 = arith.maximumf %sqrt3A_945, %max3A_952 : vector<512x1xf32>
    %div3A_954 = arith.constant 1.000000e+00 : f32
    %div3A_955 = vector.broadcast %div3A_954 : f32 to vector<512x1xf32>
    %div3A_956 = arith.divf %div3A_955, %max3A_953 : vector<512x1xf32>
    %max3A_957 = arith.constant 9.99999996E-13 : f32
    %max3A_958 = vector.broadcast %max3A_957 : f32 to vector<512x1xf32>
    %max3A_959 = arith.maximumf %sqrt3A_950, %max3A_958 : vector<512x1xf32>
    %div3A_960 = arith.constant 1.000000e+00 : f32
    %div3A_961 = vector.broadcast %div3A_960 : f32 to vector<512x1xf32>
    %div3A_962 = arith.divf %div3A_961, %max3A_959 : vector<512x1xf32>
    %broadcast_in_dim3A_963 = vector.shape_cast %div3A_956 : vector<512x1xf32> to vector<512x1xf32>
    %broadcast_in_dim3A_964 = vector.broadcast %broadcast_in_dim3A_963 : vector<512x1xf32> to vector<512x128xf32>
    %broadcast_in_dim3A_965 = vector.shape_cast %div3A_962 : vector<512x1xf32> to vector<512x1xf32>
    %broadcast_in_dim3A_966 = vector.broadcast %broadcast_in_dim3A_965 : vector<512x1xf32> to vector<512x128xf32>
    %select_n3A_967 = arith.select %lt3A_934, %broadcast_in_dim3A_964, %broadcast_in_dim3A_966 : vector<512x128xi1>, vector<512x128xf32>
    %mul3A_968 = arith.mulf %get3A_930, %select_n3A_967 : vector<512x128xf32>
    %mul3A_969 = arith.mulf %mul3A_550, %mul3A_968 : vector<512x128xf32>
    %jit3A_970 = arith.constant 0.000000e+00 : f32
    %broadcast_in_dim3A_971 = vector.broadcast %jit3A_970 : f32 to vector<512x128xf32>
    %select_n3A_972 = arith.select %lt3A_554, %mul3A_969, %broadcast_in_dim3A_971 : vector<512x128xi1>, vector<512x128xf32>
    %reduce_sum3A_973 = arith.constant dense<0.000000e+00> : vector<512xf32>
    %reduce_sum3A_974 = vector.multi_reduction <add>, %select_n3A_972, %reduce_sum3A_973 [1] : vector<512x128xf32> to vector<512xf32>
    %broadcast_in_dim3A_975 = vector.shape_cast %reduce_sum3A_974 : vector<512xf32> to vector<512x1xf32>
    %jit3A_976 = arith.constant 0.000000e+00 : f32
    %broadcast_in_dim3A_977 = vector.broadcast %jit3A_976 : f32 to vector<512x128xf32>
    %select_n3A_978 = arith.select %lt3A_554, %broadcast_in_dim3A_977, %mul3A_969 : vector<512x128xi1>, vector<512x128xf32>
    %reduce_sum3A_979 = arith.constant dense<0.000000e+00> : vector<512xf32>
    %reduce_sum3A_980 = vector.multi_reduction <add>, %select_n3A_978, %reduce_sum3A_979 [1] : vector<512x128xf32> to vector<512xf32>
    %broadcast_in_dim3A_981 = vector.shape_cast %reduce_sum3A_980 : vector<512xf32> to vector<512x1xf32>
    %swap3A_982 = arith.constant 0 : index
    %swap3A_983 = arith.constant 6 : index
    %swap3A_984 = vector.load %arg16[%swap3A_982, %swap3A_983] : memref<512x22xf32, #tpu.memory_space<vmem>>, vector<512x1xf32>
    tpu.vector_store %arg16[%swap3A_982, %swap3A_983], %broadcast_in_dim3A_975 {strides = array<i32>} : memref<512x22xf32, #tpu.memory_space<vmem>>, vector<512x1xf32>,
    %swap3A_985 = arith.constant 0 : index
    %swap3A_986 = arith.constant 17 : index
    %swap3A_987 = vector.load %arg16[%swap3A_985, %swap3A_986] : memref<512x22xf32, #tpu.memory_space<vmem>>, vector<512x1xf32>
    tpu.vector_store %arg16[%swap3A_985, %swap3A_986], %broadcast_in_dim3A_981 {strides = array<i32>} : memref<512x22xf32, #tpu.memory_space<vmem>>, vector<512x1xf32>,
    %get3A_988 = arith.constant 7 : index
    %get3A_989 = arith.constant 0 : index
    %get3A_990 = arith.constant 0 : index
    %get3A_991 = vector.load %arg1[%get3A_988, %get3A_989, %get3A_990] : memref<11x512x128xf32, #tpu.memory_space<vmem>>, vector<1x512x128xf32>
    %get3A_992 = vector.shape_cast %get3A_991 : vector<1x512x128xf32> to vector<512x128xf32>
    %iota3A_993 = tpu.iota {dimensions = array<i32: 1>} : vector<512x128xi32>
    %lt3A_994 = arith.constant 64 : i32
    %lt3A_995 = vector.broadcast %lt3A_994 : i32 to vector<512x128xi32>
    %lt3A_996 = arith.cmpi slt, %iota3A_993, %lt3A_995 : vector<512x128xi32>
    %jit3A_997 = arith.constant 0.000000e+00 : f32
    %broadcast_in_dim3A_998 = vector.broadcast %jit3A_997 : f32 to vector<512x128xf32>
    %select_n3A_999 = arith.select %lt3A_996, %get3A_992, %broadcast_in_dim3A_998 : vector<512x128xi1>, vector<512x128xf32>
    %jit3A_1000 = arith.constant 0.000000e+00 : f32
    %broadcast_in_dim3A_1001 = vector.broadcast %jit3A_1000 : f32 to vector<512x128xf32>
    %select_n3A_1002 = arith.select %lt3A_996, %broadcast_in_dim3A_1001, %get3A_992 : vector<512x128xi1>, vector<512x128xf32>
    %mul3A_1003 = arith.mulf %select_n3A_999, %select_n3A_999 : vector<512x128xf32>
    %reduce_sum3A_1004 = arith.constant dense<0.000000e+00> : vector<512xf32>
    %reduce_sum3A_1005 = vector.multi_reduction <add>, %mul3A_1003, %reduce_sum3A_1004 [1] : vector<512x128xf32> to vector<512xf32>
    %broadcast_in_dim3A_1006 = vector.shape_cast %reduce_sum3A_1005 : vector<512xf32> to vector<512x1xf32>
    %sqrt3A_1007 = math.sqrt %broadcast_in_dim3A_1006 : vector<512x1xf32>
    %mul3A_1008 = arith.mulf %select_n3A_1002, %select_n3A_1002 : vector<512x128xf32>
    %reduce_sum3A_1009 = arith.constant dense<0.000000e+00> : vector<512xf32>
    %reduce_sum3A_1010 = vector.multi_reduction <add>, %mul3A_1008, %reduce_sum3A_1009 [1] : vector<512x128xf32> to vector<512xf32>
    %broadcast_in_dim3A_1011 = vector.shape_cast %reduce_sum3A_1010 : vector<512xf32> to vector<512x1xf32>
    %sqrt3A_1012 = math.sqrt %broadcast_in_dim3A_1011 : vector<512x1xf32>
    %max3A_1013 = arith.constant 9.99999996E-13 : f32
    %max3A_1014 = vector.broadcast %max3A_1013 : f32 to vector<512x1xf32>
    %max3A_1015 = arith.maximumf %sqrt3A_1007, %max3A_1014 : vector<512x1xf32>
    %div3A_1016 = arith.constant 1.000000e+00 : f32
    %div3A_1017 = vector.broadcast %div3A_1016 : f32 to vector<512x1xf32>
    %div3A_1018 = arith.divf %div3A_1017, %max3A_1015 : vector<512x1xf32>
    %max3A_1019 = arith.constant 9.99999996E-13 : f32
    %max3A_1020 = vector.broadcast %max3A_1019 : f32 to vector<512x1xf32>
    %max3A_1021 = arith.maximumf %sqrt3A_1012, %max3A_1020 : vector<512x1xf32>
    %div3A_1022 = arith.constant 1.000000e+00 : f32
    %div3A_1023 = vector.broadcast %div3A_1022 : f32 to vector<512x1xf32>
    %div3A_1024 = arith.divf %div3A_1023, %max3A_1021 : vector<512x1xf32>
    %broadcast_in_dim3A_1025 = vector.shape_cast %div3A_1018 : vector<512x1xf32> to vector<512x1xf32>
    %broadcast_in_dim3A_1026 = vector.broadcast %broadcast_in_dim3A_1025 : vector<512x1xf32> to vector<512x128xf32>
    %broadcast_in_dim3A_1027 = vector.shape_cast %div3A_1024 : vector<512x1xf32> to vector<512x1xf32>
    %broadcast_in_dim3A_1028 = vector.broadcast %broadcast_in_dim3A_1027 : vector<512x1xf32> to vector<512x128xf32>
    %select_n3A_1029 = arith.select %lt3A_996, %broadcast_in_dim3A_1026, %broadcast_in_dim3A_1028 : vector<512x128xi1>, vector<512x128xf32>
    %mul3A_1030 = arith.mulf %get3A_992, %select_n3A_1029 : vector<512x128xf32>
    %mul3A_1031 = arith.mulf %mul3A_550, %mul3A_1030 : vector<512x128xf32>
    %jit3A_1032 = arith.constant 0.000000e+00 : f32
    %broadcast_in_dim3A_1033 = vector.broadcast %jit3A_1032 : f32 to vector<512x128xf32>
    %select_n3A_1034 = arith.select %lt3A_554, %mul3A_1031, %broadcast_in_dim3A_1033 : vector<512x128xi1>, vector<512x128xf32>
    %reduce_sum3A_1035 = arith.constant dense<0.000000e+00> : vector<512xf32>
    %reduce_sum3A_1036 = vector.multi_reduction <add>, %select_n3A_1034, %reduce_sum3A_1035 [1] : vector<512x128xf32> to vector<512xf32>
    %broadcast_in_dim3A_1037 = vector.shape_cast %reduce_sum3A_1036 : vector<512xf32> to vector<512x1xf32>
    %jit3A_1038 = arith.constant 0.000000e+00 : f32
    %broadcast_in_dim3A_1039 = vector.broadcast %jit3A_1038 : f32 to vector<512x128xf32>
    %select_n3A_1040 = arith.select %lt3A_554, %broadcast_in_dim3A_1039, %mul3A_1031 : vector<512x128xi1>, vector<512x128xf32>
    %reduce_sum3A_1041 = arith.constant dense<0.000000e+00> : vector<512xf32>
    %reduce_sum3A_1042 = vector.multi_reduction <add>, %select_n3A_1040, %reduce_sum3A_1041 [1] : vector<512x128xf32> to vector<512xf32>
    %broadcast_in_dim3A_1043 = vector.shape_cast %reduce_sum3A_1042 : vector<512xf32> to vector<512x1xf32>
    %swap3A_1044 = arith.constant 0 : index
    %swap3A_1045 = arith.constant 7 : index
    %swap3A_1046 = vector.load %arg16[%swap3A_1044, %swap3A_1045] : memref<512x22xf32, #tpu.memory_space<vmem>>, vector<512x1xf32>
    tpu.vector_store %arg16[%swap3A_1044, %swap3A_1045], %broadcast_in_dim3A_1037 {strides = array<i32>} : memref<512x22xf32, #tpu.memory_space<vmem>>, vector<512x1xf32>,
    %swap3A_1047 = arith.constant 0 : index
    %swap3A_1048 = arith.constant 18 : index
    %swap3A_1049 = vector.load %arg16[%swap3A_1047, %swap3A_1048] : memref<512x22xf32, #tpu.memory_space<vmem>>, vector<512x1xf32>
    tpu.vector_store %arg16[%swap3A_1047, %swap3A_1048], %broadcast_in_dim3A_1043 {strides = array<i32>} : memref<512x22xf32, #tpu.memory_space<vmem>>, vector<512x1xf32>,
    %get3A_1050 = arith.constant 8 : index
    %get3A_1051 = arith.constant 0 : index
    %get3A_1052 = arith.constant 0 : index
    %get3A_1053 = vector.load %arg1[%get3A_1050, %get3A_1051, %get3A_1052] : memref<11x512x128xf32, #tpu.memory_space<vmem>>, vector<1x512x128xf32>
    %get3A_1054 = vector.shape_cast %get3A_1053 : vector<1x512x128xf32> to vector<512x128xf32>
    %iota3A_1055 = tpu.iota {dimensions = array<i32: 1>} : vector<512x128xi32>
    %lt3A_1056 = arith.constant 64 : i32
    %lt3A_1057 = vector.broadcast %lt3A_1056 : i32 to vector<512x128xi32>
    %lt3A_1058 = arith.cmpi slt, %iota3A_1055, %lt3A_1057 : vector<512x128xi32>
    %jit3A_1059 = arith.constant 0.000000e+00 : f32
    %broadcast_in_dim3A_1060 = vector.broadcast %jit3A_1059 : f32 to vector<512x128xf32>
    %select_n3A_1061 = arith.select %lt3A_1058, %get3A_1054, %broadcast_in_dim3A_1060 : vector<512x128xi1>, vector<512x128xf32>
    %jit3A_1062 = arith.constant 0.000000e+00 : f32
    %broadcast_in_dim3A_1063 = vector.broadcast %jit3A_1062 : f32 to vector<512x128xf32>
    %select_n3A_1064 = arith.select %lt3A_1058, %broadcast_in_dim3A_1063, %get3A_1054 : vector<512x128xi1>, vector<512x128xf32>
    %mul3A_1065 = arith.mulf %select_n3A_1061, %select_n3A_1061 : vector<512x128xf32>
    %reduce_sum3A_1066 = arith.constant dense<0.000000e+00> : vector<512xf32>
    %reduce_sum3A_1067 = vector.multi_reduction <add>, %mul3A_1065, %reduce_sum3A_1066 [1] : vector<512x128xf32> to vector<512xf32>
    %broadcast_in_dim3A_1068 = vector.shape_cast %reduce_sum3A_1067 : vector<512xf32> to vector<512x1xf32>
    %sqrt3A_1069 = math.sqrt %broadcast_in_dim3A_1068 : vector<512x1xf32>
    %mul3A_1070 = arith.mulf %select_n3A_1064, %select_n3A_1064 : vector<512x128xf32>
    %reduce_sum3A_1071 = arith.constant dense<0.000000e+00> : vector<512xf32>
    %reduce_sum3A_1072 = vector.multi_reduction <add>, %mul3A_1070, %reduce_sum3A_1071 [1] : vector<512x128xf32> to vector<512xf32>
    %broadcast_in_dim3A_1073 = vector.shape_cast %reduce_sum3A_1072 : vector<512xf32> to vector<512x1xf32>
    %sqrt3A_1074 = math.sqrt %broadcast_in_dim3A_1073 : vector<512x1xf32>
    %max3A_1075 = arith.constant 9.99999996E-13 : f32
    %max3A_1076 = vector.broadcast %max3A_1075 : f32 to vector<512x1xf32>
    %max3A_1077 = arith.maximumf %sqrt3A_1069, %max3A_1076 : vector<512x1xf32>
    %div3A_1078 = arith.constant 1.000000e+00 : f32
    %div3A_1079 = vector.broadcast %div3A_1078 : f32 to vector<512x1xf32>
    %div3A_1080 = arith.divf %div3A_1079, %max3A_1077 : vector<512x1xf32>
    %max3A_1081 = arith.constant 9.99999996E-13 : f32
    %max3A_1082 = vector.broadcast %max3A_1081 : f32 to vector<512x1xf32>
    %max3A_1083 = arith.maximumf %sqrt3A_1074, %max3A_1082 : vector<512x1xf32>
    %div3A_1084 = arith.constant 1.000000e+00 : f32
    %div3A_1085 = vector.broadcast %div3A_1084 : f32 to vector<512x1xf32>
    %div3A_1086 = arith.divf %div3A_1085, %max3A_1083 : vector<512x1xf32>
    %broadcast_in_dim3A_1087 = vector.shape_cast %div3A_1080 : vector<512x1xf32> to vector<512x1xf32>
    %broadcast_in_dim3A_1088 = vector.broadcast %broadcast_in_dim3A_1087 : vector<512x1xf32> to vector<512x128xf32>
    %broadcast_in_dim3A_1089 = vector.shape_cast %div3A_1086 : vector<512x1xf32> to vector<512x1xf32>
    %broadcast_in_dim3A_1090 = vector.broadcast %broadcast_in_dim3A_1089 : vector<512x1xf32> to vector<512x128xf32>
    %select_n3A_1091 = arith.select %lt3A_1058, %broadcast_in_dim3A_1088, %broadcast_in_dim3A_1090 : vector<512x128xi1>, vector<512x128xf32>
    %mul3A_1092 = arith.mulf %get3A_1054, %select_n3A_1091 : vector<512x128xf32>
    %mul3A_1093 = arith.mulf %mul3A_550, %mul3A_1092 : vector<512x128xf32>
    %jit3A_1094 = arith.constant 0.000000e+00 : f32
    %broadcast_in_dim3A_1095 = vector.broadcast %jit3A_1094 : f32 to vector<512x128xf32>
    %select_n3A_1096 = arith.select %lt3A_554, %mul3A_1093, %broadcast_in_dim3A_1095 : vector<512x128xi1>, vector<512x128xf32>
    %reduce_sum3A_1097 = arith.constant dense<0.000000e+00> : vector<512xf32>
    %reduce_sum3A_1098 = vector.multi_reduction <add>, %select_n3A_1096, %reduce_sum3A_1097 [1] : vector<512x128xf32> to vector<512xf32>
    %broadcast_in_dim3A_1099 = vector.shape_cast %reduce_sum3A_1098 : vector<512xf32> to vector<512x1xf32>
    %jit3A_1100 = arith.constant 0.000000e+00 : f32
    %broadcast_in_dim3A_1101 = vector.broadcast %jit3A_1100 : f32 to vector<512x128xf32>
    %select_n3A_1102 = arith.select %lt3A_554, %broadcast_in_dim3A_1101, %mul3A_1093 : vector<512x128xi1>, vector<512x128xf32>
    %reduce_sum3A_1103 = arith.constant dense<0.000000e+00> : vector<512xf32>
    %reduce_sum3A_1104 = vector.multi_reduction <add>, %select_n3A_1102, %reduce_sum3A_1103 [1] : vector<512x128xf32> to vector<512xf32>
    %broadcast_in_dim3A_1105 = vector.shape_cast %reduce_sum3A_1104 : vector<512xf32> to vector<512x1xf32>
    %swap3A_1106 = arith.constant 0 : index
    %swap3A_1107 = arith.constant 8 : index
    %swap3A_1108 = vector.load %arg16[%swap3A_1106, %swap3A_1107] : memref<512x22xf32, #tpu.memory_space<vmem>>, vector<512x1xf32>
    tpu.vector_store %arg16[%swap3A_1106, %swap3A_1107], %broadcast_in_dim3A_1099 {strides = array<i32>} : memref<512x22xf32, #tpu.memory_space<vmem>>, vector<512x1xf32>,
    %swap3A_1109 = arith.constant 0 : index
    %swap3A_1110 = arith.constant 19 : index
    %swap3A_1111 = vector.load %arg16[%swap3A_1109, %swap3A_1110] : memref<512x22xf32, #tpu.memory_space<vmem>>, vector<512x1xf32>
    tpu.vector_store %arg16[%swap3A_1109, %swap3A_1110], %broadcast_in_dim3A_1105 {strides = array<i32>} : memref<512x22xf32, #tpu.memory_space<vmem>>, vector<512x1xf32>,
    %get3A_1112 = arith.constant 9 : index
    %get3A_1113 = arith.constant 0 : index
    %get3A_1114 = arith.constant 0 : index
    %get3A_1115 = vector.load %arg1[%get3A_1112, %get3A_1113, %get3A_1114] : memref<11x512x128xf32, #tpu.memory_space<vmem>>, vector<1x512x128xf32>
    %get3A_1116 = vector.shape_cast %get3A_1115 : vector<1x512x128xf32> to vector<512x128xf32>
    %iota3A_1117 = tpu.iota {dimensions = array<i32: 1>} : vector<512x128xi32>
    %lt3A_1118 = arith.constant 64 : i32
    %lt3A_1119 = vector.broadcast %lt3A_1118 : i32 to vector<512x128xi32>
    %lt3A_1120 = arith.cmpi slt, %iota3A_1117, %lt3A_1119 : vector<512x128xi32>
    %jit3A_1121 = arith.constant 0.000000e+00 : f32
    %broadcast_in_dim3A_1122 = vector.broadcast %jit3A_1121 : f32 to vector<512x128xf32>
    %select_n3A_1123 = arith.select %lt3A_1120, %get3A_1116, %broadcast_in_dim3A_1122 : vector<512x128xi1>, vector<512x128xf32>
    %jit3A_1124 = arith.constant 0.000000e+00 : f32
    %broadcast_in_dim3A_1125 = vector.broadcast %jit3A_1124 : f32 to vector<512x128xf32>
    %select_n3A_1126 = arith.select %lt3A_1120, %broadcast_in_dim3A_1125, %get3A_1116 : vector<512x128xi1>, vector<512x128xf32>
    %mul3A_1127 = arith.mulf %select_n3A_1123, %select_n3A_1123 : vector<512x128xf32>
    %reduce_sum3A_1128 = arith.constant dense<0.000000e+00> : vector<512xf32>
    %reduce_sum3A_1129 = vector.multi_reduction <add>, %mul3A_1127, %reduce_sum3A_1128 [1] : vector<512x128xf32> to vector<512xf32>
    %broadcast_in_dim3A_1130 = vector.shape_cast %reduce_sum3A_1129 : vector<512xf32> to vector<512x1xf32>
    %sqrt3A_1131 = math.sqrt %broadcast_in_dim3A_1130 : vector<512x1xf32>
    %mul3A_1132 = arith.mulf %select_n3A_1126, %select_n3A_1126 : vector<512x128xf32>
    %reduce_sum3A_1133 = arith.constant dense<0.000000e+00> : vector<512xf32>
    %reduce_sum3A_1134 = vector.multi_reduction <add>, %mul3A_1132, %reduce_sum3A_1133 [1] : vector<512x128xf32> to vector<512xf32>
    %broadcast_in_dim3A_1135 = vector.shape_cast %reduce_sum3A_1134 : vector<512xf32> to vector<512x1xf32>
    %sqrt3A_1136 = math.sqrt %broadcast_in_dim3A_1135 : vector<512x1xf32>
    %max3A_1137 = arith.constant 9.99999996E-13 : f32
    %max3A_1138 = vector.broadcast %max3A_1137 : f32 to vector<512x1xf32>
    %max3A_1139 = arith.maximumf %sqrt3A_1131, %max3A_1138 : vector<512x1xf32>
    %div3A_1140 = arith.constant 1.000000e+00 : f32
    %div3A_1141 = vector.broadcast %div3A_1140 : f32 to vector<512x1xf32>
    %div3A_1142 = arith.divf %div3A_1141, %max3A_1139 : vector<512x1xf32>
    %max3A_1143 = arith.constant 9.99999996E-13 : f32
    %max3A_1144 = vector.broadcast %max3A_1143 : f32 to vector<512x1xf32>
    %max3A_1145 = arith.maximumf %sqrt3A_1136, %max3A_1144 : vector<512x1xf32>
    %div3A_1146 = arith.constant 1.000000e+00 : f32
    %div3A_1147 = vector.broadcast %div3A_1146 : f32 to vector<512x1xf32>
    %div3A_1148 = arith.divf %div3A_1147, %max3A_1145 : vector<512x1xf32>
    %broadcast_in_dim3A_1149 = vector.shape_cast %div3A_1142 : vector<512x1xf32> to vector<512x1xf32>
    %broadcast_in_dim3A_1150 = vector.broadcast %broadcast_in_dim3A_1149 : vector<512x1xf32> to vector<512x128xf32>
    %broadcast_in_dim3A_1151 = vector.shape_cast %div3A_1148 : vector<512x1xf32> to vector<512x1xf32>
    %broadcast_in_dim3A_1152 = vector.broadcast %broadcast_in_dim3A_1151 : vector<512x1xf32> to vector<512x128xf32>
    %select_n3A_1153 = arith.select %lt3A_1120, %broadcast_in_dim3A_1150, %broadcast_in_dim3A_1152 : vector<512x128xi1>, vector<512x128xf32>
    %mul3A_1154 = arith.mulf %get3A_1116, %select_n3A_1153 : vector<512x128xf32>
    %mul3A_1155 = arith.mulf %mul3A_550, %mul3A_1154 : vector<512x128xf32>
    %jit3A_1156 = arith.constant 0.000000e+00 : f32
    %broadcast_in_dim3A_1157 = vector.broadcast %jit3A_1156 : f32 to vector<512x128xf32>
    %select_n3A_1158 = arith.select %lt3A_554, %mul3A_1155, %broadcast_in_dim3A_1157 : vector<512x128xi1>, vector<512x128xf32>
    %reduce_sum3A_1159 = arith.constant dense<0.000000e+00> : vector<512xf32>
    %reduce_sum3A_1160 = vector.multi_reduction <add>, %select_n3A_1158, %reduce_sum3A_1159 [1] : vector<512x128xf32> to vector<512xf32>
    %broadcast_in_dim3A_1161 = vector.shape_cast %reduce_sum3A_1160 : vector<512xf32> to vector<512x1xf32>
    %jit3A_1162 = arith.constant 0.000000e+00 : f32
    %broadcast_in_dim3A_1163 = vector.broadcast %jit3A_1162 : f32 to vector<512x128xf32>
    %select_n3A_1164 = arith.select %lt3A_554, %broadcast_in_dim3A_1163, %mul3A_1155 : vector<512x128xi1>, vector<512x128xf32>
    %reduce_sum3A_1165 = arith.constant dense<0.000000e+00> : vector<512xf32>
    %reduce_sum3A_1166 = vector.multi_reduction <add>, %select_n3A_1164, %reduce_sum3A_1165 [1] : vector<512x128xf32> to vector<512xf32>
    %broadcast_in_dim3A_1167 = vector.shape_cast %reduce_sum3A_1166 : vector<512xf32> to vector<512x1xf32>
    %swap3A_1168 = arith.constant 0 : index
    %swap3A_1169 = arith.constant 9 : index
    %swap3A_1170 = vector.load %arg16[%swap3A_1168, %swap3A_1169] : memref<512x22xf32, #tpu.memory_space<vmem>>, vector<512x1xf32>
    tpu.vector_store %arg16[%swap3A_1168, %swap3A_1169], %broadcast_in_dim3A_1161 {strides = array<i32>} : memref<512x22xf32, #tpu.memory_space<vmem>>, vector<512x1xf32>,
    %swap3A_1171 = arith.constant 0 : index
    %swap3A_1172 = arith.constant 20 : index
    %swap3A_1173 = vector.load %arg16[%swap3A_1171, %swap3A_1172] : memref<512x22xf32, #tpu.memory_space<vmem>>, vector<512x1xf32>
    tpu.vector_store %arg16[%swap3A_1171, %swap3A_1172], %broadcast_in_dim3A_1167 {strides = array<i32>} : memref<512x22xf32, #tpu.memory_space<vmem>>, vector<512x1xf32>,
    %get3A_1174 = arith.constant 10 : index
    %get3A_1175 = arith.constant 0 : index
    %get3A_1176 = arith.constant 0 : index
    %get3A_1177 = vector.load %arg1[%get3A_1174, %get3A_1175, %get3A_1176] : memref<11x512x128xf32, #tpu.memory_space<vmem>>, vector<1x512x128xf32>
    %get3A_1178 = vector.shape_cast %get3A_1177 : vector<1x512x128xf32> to vector<512x128xf32>
    %iota3A_1179 = tpu.iota {dimensions = array<i32: 1>} : vector<512x128xi32>
    %lt3A_1180 = arith.constant 64 : i32
    %lt3A_1181 = vector.broadcast %lt3A_1180 : i32 to vector<512x128xi32>
    %lt3A_1182 = arith.cmpi slt, %iota3A_1179, %lt3A_1181 : vector<512x128xi32>
    %jit3A_1183 = arith.constant 0.000000e+00 : f32
    %broadcast_in_dim3A_1184 = vector.broadcast %jit3A_1183 : f32 to vector<512x128xf32>
    %select_n3A_1185 = arith.select %lt3A_1182, %get3A_1178, %broadcast_in_dim3A_1184 : vector<512x128xi1>, vector<512x128xf32>
    %jit3A_1186 = arith.constant 0.000000e+00 : f32
    %broadcast_in_dim3A_1187 = vector.broadcast %jit3A_1186 : f32 to vector<512x128xf32>
    %select_n3A_1188 = arith.select %lt3A_1182, %broadcast_in_dim3A_1187, %get3A_1178 : vector<512x128xi1>, vector<512x128xf32>
    %mul3A_1189 = arith.mulf %select_n3A_1185, %select_n3A_1185 : vector<512x128xf32>
    %reduce_sum3A_1190 = arith.constant dense<0.000000e+00> : vector<512xf32>
    %reduce_sum3A_1191 = vector.multi_reduction <add>, %mul3A_1189, %reduce_sum3A_1190 [1] : vector<512x128xf32> to vector<512xf32>
    %broadcast_in_dim3A_1192 = vector.shape_cast %reduce_sum3A_1191 : vector<512xf32> to vector<512x1xf32>
    %sqrt3A_1193 = math.sqrt %broadcast_in_dim3A_1192 : vector<512x1xf32>
    %mul3A_1194 = arith.mulf %select_n3A_1188, %select_n3A_1188 : vector<512x128xf32>
    %reduce_sum3A_1195 = arith.constant dense<0.000000e+00> : vector<512xf32>
    %reduce_sum3A_1196 = vector.multi_reduction <add>, %mul3A_1194, %reduce_sum3A_1195 [1] : vector<512x128xf32> to vector<512xf32>
    %broadcast_in_dim3A_1197 = vector.shape_cast %reduce_sum3A_1196 : vector<512xf32> to vector<512x1xf32>
    %sqrt3A_1198 = math.sqrt %broadcast_in_dim3A_1197 : vector<512x1xf32>
    %max3A_1199 = arith.constant 9.99999996E-13 : f32
    %max3A_1200 = vector.broadcast %max3A_1199 : f32 to vector<512x1xf32>
    %max3A_1201 = arith.maximumf %sqrt3A_1193, %max3A_1200 : vector<512x1xf32>
    %div3A_1202 = arith.constant 1.000000e+00 : f32
    %div3A_1203 = vector.broadcast %div3A_1202 : f32 to vector<512x1xf32>
    %div3A_1204 = arith.divf %div3A_1203, %max3A_1201 : vector<512x1xf32>
    %max3A_1205 = arith.constant 9.99999996E-13 : f32
    %max3A_1206 = vector.broadcast %max3A_1205 : f32 to vector<512x1xf32>
    %max3A_1207 = arith.maximumf %sqrt3A_1198, %max3A_1206 : vector<512x1xf32>
    %div3A_1208 = arith.constant 1.000000e+00 : f32
    %div3A_1209 = vector.broadcast %div3A_1208 : f32 to vector<512x1xf32>
    %div3A_1210 = arith.divf %div3A_1209, %max3A_1207 : vector<512x1xf32>
    %broadcast_in_dim3A_1211 = vector.shape_cast %div3A_1204 : vector<512x1xf32> to vector<512x1xf32>
    %broadcast_in_dim3A_1212 = vector.broadcast %broadcast_in_dim3A_1211 : vector<512x1xf32> to vector<512x128xf32>
    %broadcast_in_dim3A_1213 = vector.shape_cast %div3A_1210 : vector<512x1xf32> to vector<512x1xf32>
    %broadcast_in_dim3A_1214 = vector.broadcast %broadcast_in_dim3A_1213 : vector<512x1xf32> to vector<512x128xf32>
    %select_n3A_1215 = arith.select %lt3A_1182, %broadcast_in_dim3A_1212, %broadcast_in_dim3A_1214 : vector<512x128xi1>, vector<512x128xf32>
    %mul3A_1216 = arith.mulf %get3A_1178, %select_n3A_1215 : vector<512x128xf32>
    %mul3A_1217 = arith.mulf %mul3A_550, %mul3A_1216 : vector<512x128xf32>
    %jit3A_1218 = arith.constant 0.000000e+00 : f32
    %broadcast_in_dim3A_1219 = vector.broadcast %jit3A_1218 : f32 to vector<512x128xf32>
    %select_n3A_1220 = arith.select %lt3A_554, %mul3A_1217, %broadcast_in_dim3A_1219 : vector<512x128xi1>, vector<512x128xf32>
    %reduce_sum3A_1221 = arith.constant dense<0.000000e+00> : vector<512xf32>
    %reduce_sum3A_1222 = vector.multi_reduction <add>, %select_n3A_1220, %reduce_sum3A_1221 [1] : vector<512x128xf32> to vector<512xf32>
    %broadcast_in_dim3A_1223 = vector.shape_cast %reduce_sum3A_1222 : vector<512xf32> to vector<512x1xf32>
    %jit3A_1224 = arith.constant 0.000000e+00 : f32
    %broadcast_in_dim3A_1225 = vector.broadcast %jit3A_1224 : f32 to vector<512x128xf32>
    %select_n3A_1226 = arith.select %lt3A_554, %broadcast_in_dim3A_1225, %mul3A_1217 : vector<512x128xi1>, vector<512x128xf32>
    %reduce_sum3A_1227 = arith.constant dense<0.000000e+00> : vector<512xf32>
    %reduce_sum3A_1228 = vector.multi_reduction <add>, %select_n3A_1226, %reduce_sum3A_1227 [1] : vector<512x128xf32> to vector<512xf32>
    %broadcast_in_dim3A_1229 = vector.shape_cast %reduce_sum3A_1228 : vector<512xf32> to vector<512x1xf32>
    %swap3A_1230 = arith.constant 0 : index
    %swap3A_1231 = arith.constant 10 : index
    %swap3A_1232 = vector.load %arg16[%swap3A_1230, %swap3A_1231] : memref<512x22xf32, #tpu.memory_space<vmem>>, vector<512x1xf32>
    tpu.vector_store %arg16[%swap3A_1230, %swap3A_1231], %broadcast_in_dim3A_1223 {strides = array<i32>} : memref<512x22xf32, #tpu.memory_space<vmem>>, vector<512x1xf32>,
    %swap3A_1233 = arith.constant 0 : index
    %swap3A_1234 = arith.constant 21 : index
    %swap3A_1235 = vector.load %arg16[%swap3A_1233, %swap3A_1234] : memref<512x22xf32, #tpu.memory_space<vmem>>, vector<512x1xf32>
    tpu.vector_store %arg16[%swap3A_1233, %swap3A_1234], %broadcast_in_dim3A_1229 {strides = array<i32>} : memref<512x22xf32, #tpu.memory_space<vmem>>, vector<512x1xf32>,
    return
  }
}

</mosaic_0001>

<sc_bundles>
// kernel: kernel.11.cloned.1.call-start
scs
__scs_entry_jumppad:
0x0: {  	(pc) =	sbr.rel $0x88, $3  }
0x1: {  	(tag) =	ssettag $0x0;
	lr =	simm.s32 $0x1  }
0x2: {  	[smem:$0x3F8A] =	sst lr;
	_ =	strace $0xD0000000  }
0x3: {  	_ = 	snop  }
0x4: {  	_ = 	snop  }
0x5: {  	_ = 	snop  }
0x6: {  	_ = 	snop  }
0x7: {  	_ = 	snop  }
__scs_overlays_trampoline_lowered:
0x8: {  	[smem:$0x3F99] =	sst s0  }
0x9: {  	[smem:$0x3F9A] =	sst s1  }
0xa: {  	[smem:$0x3F9B] =	sst s2  }
0xb: {  	[smem:$0x3F9C] =	sst s3  }
0xc: {  	[smem:$0x3F9D] =	sst s4  }
0xd: {  	[smem:$0x3F9E] =	sst s5  }
0xe: {  	[smem:$0x3F9F] =	sst s6  }
0xf: {  	[smem:$0x3FA0] =	sst s7  }
0x10: {  	[smem:$0x3FA1] =	sst s8  }
0x11: {  	[smem:$0x3FA2] =	sst s9;
	s0 =	simm.s32 @!p0 $0x0  }
0x12: {  	s1 =	sld [smem:$0x3F88];
	s0 =	simm.s32 @p0 $0x1  }
0x13: {  	[smem:$0x3FA3] =	sst s0;
	s0 =	simm.s32 @!p1 $0x0  }
0x14: {  	s2 =	sld [smem:$0x3F87];
	s0 =	simm.s32 @p1 $0x1  }
0x15: {  	[smem:$0x3FA4] =	sst s0;
	s0 =	simm.s32 @!p2 $0x0  }
0x16: {  	s3 =	sld [smem:$0x3FDB];
	s0 =	simm.s32 @p2 $0x1  }
0x17: {  	s4 =	simm.s32 $0x1BF5;
	[smem:$0x3FA6] =	sst s0  }
0x18: {  	s0 =	sld [smem:$0x3F89];
	_ =	swait.ge [sflag:s4], $0x0  }
0x19: {  	s7 =	sld [smem:$0x3F8A]  }
0x1a: {  	s8 =	sadd.s32 $0xFFFFE003, lr  }
0x1b: {  	s9 =	sadd.s32 $0xFFFFFEF7, lr;
	s5 =	simm.s32 $0xFFFFFFFF;
	p2 =	slt.u32 s8, $0xFFFFF086  }
0x1c: {  	p1 =	slt.u32 s9, $0xF7A;
	s5 =	simm.s32 @!p2 $0x0  }
0x1d: {  	s5 =	simm.s32 @p1 $0x1;
	p0 =	seq.s32 s7, s2  }
0x1e: {  	s7 =	smul.u32 @!p0 $0xF7A, s2;
	p2 =	seq.s32 @!p0 s5, $0x0  }
0x1f: {  	s9 =	smul.u32 $0xF7A, s1;
	s8 =	simm.s32 @!p0 $0x1BF5;
	p2 =	por !p2, p0  }
0x20: {  	[sflag:s8] =	ssyncset.s32 @!p0 $0xFFFFF086;
	s6 =	sadd.s32 @!p0 s3, s7;
	s7 =	simm.s32 @!p0 $0x108  }
0x21: {  	s3 =	sadd.s32 s3, s9;
	s6 =	sadd.s32 @!p0 $0x88, s6;
	s7 =	simm.s32 @p2 $0x1082  }
0x22: {  	[simem:s7], [sflag:s8] =	dma.local @!p0 [hbm:s6], $0xF7A  }
0x23: {  	s9 =	sor.u32 $0xD0000000, s2;
	s6 =	simm.s32 $0x108;
	_ =	swait.ge @!p0 [sflag:s8], $0x0  }
0x24: {  	s3 =	sadd.s32 $0x88, s3;
	s6 =	simm.s32 @!p1 $0x1082;
	[sflag:s4] =	ssyncset.s32 $0xFFFFF086  }
0x25: {  	[simem:s6], [sflag:s4] =	dma.local [hbm:s3], $0xF7A  }
0x26: {  	[smem:$0x3F8A] =	sst s1;
	(tag) =	ssettag s2;
	_ =	strace s9  }
0x27: {  	s1 =	sld [smem:$0x3F9A]  }
0x28: {  	s2 =	sld [smem:$0x3F9B]  }
0x29: {  	s4 =	sld [smem:$0x3F9D]  }
0x2a: {  	p0 =	seq.s32 s5, $0x0;
	s5 =	sld [smem:$0x3F9E]  }
0x2b: {  	s6 =	sld [smem:$0x3F9F]  }
0x2c: {  	s7 =	sld [smem:$0x3FA0]  }
0x2d: {  	s3 =	simm.s32 $0x108;
	s8 =	sld [smem:$0x3FA1]  }
0x2e: {  	s3 =	simm.s32 @!p0 $0x1082;
	s9 =	sld [smem:$0x3FA2]  }
0x2f: {  	lr =	sadd.s32 s0, s3;
	s0 =	sld [smem:$0x3F99]  }
0x30: {  	s3 =	sld [smem:$0x3F9C]  }
0x31: {  	[smem:$0x3FA5] =	sst s10  }
0x32: {  	s10 =	sld [smem:$0x3FA3];
	_ =	sdelay $0x3  }
0x33: {  	p0 =	seq.s32 s10, $0x1;
	s10 =	sld [smem:$0x3FA5];
	_ =	sdelay $0x3  }
0x34: {  	[smem:$0x3FA5] =	sst s10  }
0x35: {  	s10 =	sld [smem:$0x3FA4];
	_ =	sdelay $0x3  }
0x36: {  	p1 =	seq.s32 s10, $0x1;
	s10 =	sld [smem:$0x3FA5];
	_ =	sdelay $0x3  }
0x37: {  	[smem:$0x3FA5] =	sst s10  }
0x38: {  	s10 =	sld [smem:$0x3FA6]  }
0x39: {  	_ = 	snop;
	(pc) =	sbr.ind lr, $3  }
0x3a: {  	_ = 	snop  }
0x3b: {  	_ = 	snop  }
0x3c: {  	p2 =	seq.s32 s10, $0x1;
	s10 =	sld [smem:$0x3FA5]  }
0x3d: {  	_ =	shalt  }
0x3e: {  	_ =	shalt  }
0x3f: {  	_ =	shalt  }
0x40: {  	_ =	shalt  }
0x41: {  	_ =	shalt  }
0x42: {  	_ =	shalt  }
0x43: {  	_ =	shalt  }
0x44: {  	_ =	shalt  }
0x45: {  	_ =	shalt  }
0x46: {  	_ =	shalt  }
0x47: {  	_ =	shalt  }
0x48: {  	_ =	shalt  }
0x49: {  	_ =	shalt  }
0x4a: {  	_ =	shalt  }
0x4b: {  	_ =	shalt  }
0x4c: {  	_ =	shalt  }
0x4d: {  	_ =	shalt  }
0x4e: {  	_ =	shalt  }
0x4f: {  	_ =	shalt  }
0x50: {  	_ =	shalt  }
0x51: {  	_ =	shalt  }
0x52: {  	_ =	shalt  }
0x53: {  	_ =	shalt  }
0x54: {  	_ =	shalt  }
0x55: {  	_ =	shalt  }
0x56: {  	_ =	shalt  }
0x57: {  	_ =	shalt  }
0x58: {  	_ =	shalt  }
0x59: {  	_ =	shalt  }
0x5a: {  	_ =	shalt  }
0x5b: {  	_ =	shalt  }
0x5c: {  	_ =	shalt  }
0x5d: {  	_ =	shalt  }
0x5e: {  	_ =	shalt  }
0x5f: {  	_ =	shalt  }
0x60: {  	_ =	shalt  }
0x61: {  	_ =	shalt  }
0x62: {  	_ =	shalt  }
0x63: {  	_ =	shalt  }
0x64: {  	_ =	shalt  }
0x65: {  	_ =	shalt  }
0x66: {  	_ =	shalt  }
0x67: {  	_ =	shalt  }
0x68: {  	_ =	shalt  }
0x69: {  	_ =	shalt  }
0x6a: {  	_ =	shalt  }
0x6b: {  	_ =	shalt  }
0x6c: {  	_ =	shalt  }
0x6d: {  	_ =	shalt  }
0x6e: {  	_ =	shalt  }
0x6f: {  	_ =	shalt  }
0x70: {  	_ =	shalt  }
0x71: {  	_ =	shalt  }
0x72: {  	_ =	shalt  }
0x73: {  	_ =	shalt  }
0x74: {  	_ =	shalt  }
0x75: {  	_ =	shalt  }
0x76: {  	_ =	shalt  }
0x77: {  	_ =	shalt  }
0x78: {  	_ =	shalt  }
0x79: {  	_ =	shalt  }
0x7a: {  	_ =	shalt  }
0x7b: {  	_ =	shalt  }
0x7c: {  	_ =	shalt  }
0x7d: {  	_ =	shalt  }
0x7e: {  	_ =	shalt  }
0x7f: {  	_ =	shalt  }
0x80: {  	_ =	shalt  }
0x81: {  	_ =	shalt  }
0x82: {  	_ =	shalt  }
0x83: {  	_ =	shalt  }
0x84: {  	_ =	shalt  }
0x85: {  	_ =	shalt  }
0x86: {  	_ =	shalt  }
0x87: {  	_ =	shalt  }
.Lfunc_end0:
.L_simem_size_0:
called_computation.1_lowered:
.L_overlay_start_0:
0x88: {  	s2 =	sld [smem:$0x3FD9]  }
0x89: {  	s3 =	sld [smem:$0x3FFE];
	_ =	sdelay $0x1  }
0x8a: {  	s1 =	srdreg.scid  }
0x8b: {  	s0 =	sand.u32 $0x1, s1  }
0x8c: {  	s17 =	sshll.u32 s0, $0xA;
	s2 =	sadd.s32 s3, s2  }
0x8d: {  	s2 =	sadd.s32 s2, s17  }
0x8e: {  	[smem:$0x3FB1] =	sst s2  }
0x8f: {  	_ = 	snop  }
0x90: {  	(tm) =	ssettm $0x1  }
0x91: {  	s18 =	sld [smem:$0x3FFB];
	_ =	sdelay $0x3  }
0x92: {  	_ =	strace s18  }
0x93: {  	s2 =	sld [smem:$0x3FFC];
	_ =	sdelay $0x3  }
0x94: {  	_ =	strace s2  }
0x95: {  	s2 =	sld [smem:$0x3FFD];
	_ =	sdelay $0x3  }
0x96: {  	_ =	strace s2  }
0x97: {  	_ =	strace $0x8FFFFFFF  }
0x98: {  	s19 =	sld [smem:$0x3FDB];
	_ =	sdelay $0x1  }
0x99: {  	s20 =	simm.s32 $_scs_section_size  }
0x9a: {  	s4 =	simm.s32 $_size__tile_overlayer_lowered;
	s5 =	simm.s32 $_tile_overlayer_lowered  }
0x9b: {  	s6 =	simm.s32 $0x1BFF;
	s21 =	sshll.u32 s5, $0x1;
	s3 =	sadd.s32 s20, s19  }
0x9c: {  	s22 =	simm.s32 $0x0;
	s4 =	sshll.u32 s4, $0x1;
	s5 =	sadd.s32 s21, s3  }
0x9d: {  	[timem:s22], [sflag:s6] =	dma.local [hbm:s5], s4  }
0x9e: {  	_ =	swait.ge [sflag:s6], s4  }
0x9f: {  	s4 =	ssub.s32 $0x0, s4;
	[sflag:s6] =	ssyncset.done $0x0  }
0xa0: {  	[sflag:s6] =	ssyncadd.s32 s4;
	_ =	sdelay $0x1  }
0xa1: {  	s23 =	simm.s32 $0x1B8B  }
0xa2: {  	_ =	swait.ge [sflag:s23], $0x1  }
0xa3: {  	[sflag:s23] =	ssyncset.done $0x0  }
0xa4: {  	[sflag:s23] =	ssyncadd.s32 $0xFFFFFFFF  }
0xa5: {  	s4 =	sld [smem:$0x0]  }
0xa6: {  	s5 =	sand.u32 $0xFFFFFFFE, s1  }
0xa7: {  	p0 =	sne.s32 s1, s5  }
0xa8: {  	s5 =	sshll.u32 @p0 s5, $0xE  }
0xa9: {  	s5 =	sadd.s32 @p0 $0x11B8D, s5;
	s6 =	sshll.u32 @p0 s4, $0x11  }
0xaa: {  	s5 =	sor.u32 @p0 s6, s5  }
0xab: {  	[sflag:s5] =	ssyncadd.remote.s32 @p0 $0x1;
	_ =	sdelay $0x1  }
0xac: {  	s5 =	simm.s32 @p0 $0x1B8D  }
0xad: {  	_ =	swait.eq @p0 [sflag:s5], $0x1  }
0xae: {  	[sflag:s5] =	ssyncadd.s32 @p0 $0xFFFFFFFF  }
0xaf: {  	s6 =	sshll.u32 @!p0 s1, $0xE  }
0xb0: {  	s6 =	sor.u32 @!p0 $0x4000, s6;
	s5 =	simm.s32 @!p0 $0x1B8D  }
0xb1: {  	s4 =	sshll.u32 @!p0 s4, $0x11;
	s6 =	sadd.s32 @!p0 $0x11B8D, s6;
	_ =	swait.eq @!p0 [sflag:s5], $0x1  }
0xb2: {  	s4 =	sor.u32 @!p0 s4, s6;
	[sflag:s5] =	ssyncadd.s32 @!p0 $0xFFFFFFFF  }
0xb3: {  	s25 =	simm.s32 $0x1B8E;
	s24 =	sld [smem:$0x3FFE];
	[sflag:s4] =	ssyncadd.remote.s32 @!p0 $0x1  }
0xb4: {  	s26 =	simm.s32 $execute0_lowered;
	[smem:$0x3FD2] =	sst s25  }
0xb5: {  	s5 =	sshll.u32 s26, $0x1;
	_ =	strace $0x80000049;
	[dreg:$0x1] =	wrdreg $0xFFFFFFFF  }
0xb6: {  	s28 =	simm.s32 $_size_execute0_lowered;
	s3 =	sadd.s32 s3, s5;
	[dreg:$0x0] =	wrdreg $0x0  }
0xb7: {  	s5 =	sshll.u32 s28, $0x1;
	[dreg:$0x2] =	wrdreg s3  }
0xb8: {  	[dreg:$0x3] =	wrdreg s5  }
0xb9: {  	[dreg:$0x4] =	wrdreg $0xC0  }
0xba: {  	_ =	task [dreg:s22], $0x5FFFF  }
0xbb: {  	[dreg:$0x1] =	wrdreg $0xFFFFFFFF  }
0xbc: {  	[dreg:$0x0] =	wrdreg $0x60  }
0xbd: {  	[dreg:$0x2] =	wrdreg s24  }
0xbe: {  	[dreg:$0x3] =	wrdreg $0xA  }
0xbf: {  	_ =	task.clear_ibuf [dreg:s22], $0x4FFFF;
	_ =	strace $0x90000049  }
0xc0: {  	s29 =	simm.s32 $0xA;
	_ =	strace $0x8000004B  }
0xc1: {  	_ =	swait.ge [sflag:s29], $0x1  }
0xc2: {  	[sflag:s29] =	ssyncadd.s32 $0xFFFFFFFF  }
0xc3: {  	_ =	strace $0x9000004B  }
0xc4: {  	_ =	sfence  }
0xc5: {  	s30 =	sld [smem:$0x0];
	_ =	sdelay $0x2  }
0xc6: {  	s31 =	sshll.u32 s1, $0xD;
	s1 =	sshrl.u32 s1, $0x2  }
0xc7: {  	s4 =	sand.u32 $0x4000, s31;
	s1 =	sadd.s32 s1, s30  }
0xc8: {  	s0 =	sor.u32 s4, s0;
	s1 =	sshll.u32 s1, $0x11  }
0xc9: {  	s0 =	sor.u32 s1, s0  }
0xca: {  	s0 =	sadd.s32 $0x8F2B, s0  }
0xcb: {  	[sflag:s0] =	ssyncadd.remote.s32 $0x1  }
0xcc: {  	_ =	sfence.sel $0xFFFF  }
0xcd: {  	[dreg:$0x0] =	wrdreg $0xFFFFFFFF;
	(pc) =	sbr.abs _section_cstart, $3  }
0xce: {  	[dreg:$0x1] =	wrdreg $0xFFFFFFFF  }
0xcf: {  	_ =	task.clear_ibuf [dreg:s22], $0x2FFFF;
	_ =	strace $0x9FFFFFFF  }
0xd0: {  	(tm) =	ssettm $0x7FFFFFFF  }
0xd1: {  	_ =	shalt  }
tec
execute0_lowered:
.L_overlay_start_1:
0x0: {  	(tag) =	ssettag $0x1  }
0x1: {  	s4 =	rddreg [dreg:$0x0]  }
0x2: {  	s0 =	rddreg [dreg:$0x1];
	s1 =	simm.s32 $0x0;
	s5 =	srdreg.scid  }
0x3: {  	s2 =	stileid.u32;
	[smem:$0x7FF] =	sst s1  }
0x4: {  	s3 =	sadd.s32 $0x146C00, s4;
	s5 =	sand.u32 $0x1, s5;
	s6 =	sshll.u32 s2, $0x5  }
0x5: {  	s7 =	sshll.u32 s2, $0xB;
	_ =	strace $0x8000004A;
	s8 =	ssub.s32 $0x2, s5  }
0x6: {  	s6 =	sadd.s32 s6, s4;
	s7 =	sadd.s32 s7, s4;
	s9 =	sshll.u32 s5, $0xA  }
0x7: {  	s5 =	sshll.u32 s5, $0x4;
	s4 =	sshll.u32 s2, $0x1;
	s30 =	sshrl.u32 s8, $0x1  }
0x8: {  	s7 =	sadd.s32 s9, s7;
	s31 =	sadd.s32 s5, s6;
	s8 =	ssub.s32 s8, s30  }
0x9: {  	s6 =	sadd.s32 $0x343800, s7;
	s7 =	sadd.s32 $0x342A00, s31;
	s5 =	smax.u32 s8, $0x1  }
.LBB2_1:
0xa: {  	s8 =	sadd.s32 $0x0, s4  }
0xb: {  	p0 =	sgt.u32 s8, $0xCF  }
0xc: {  	s8 =	simm.s32 @!p0 $0x0;
	s9 =	simm.s32 @!p0 $0x3  }
0xd: {  	[tilespmem:s8], [sflag:$0x3] =	stream.linear.gather @!p0 [hbm4b:s7+s8], $0x80, $0x38;
	[tilespmem:$0x2080] =	vst v63  }
0xe: {  	_ =	swait.ge @!p0 [sflag:s9], $0x80  }
0xf: {  	[sflag:s9] =	ssyncset.done @!p0 $0x0;
	p0 =	por p0, p0  }
0x10: {  	[sflag:s9] =	ssyncadd.s32 @!p0 $0xFFFFFF80;
	s10 =	simm.s32 @!p0 $0x80;
	s11 =	simm.s32 @!p0 $0x1  }
0x11: {  	[tilespmem:s10], [sflag:$0x1] =	stream.indirect.gather @!p0 [hbm4b:s3+s10], $0x40, s8, s10, $0xb8;
	[tilespmem:$0x2080] =	vst v63  }
0x12: {  	_ =	swait.ge @!p0 [sflag:s11], $0x2000  }
0x13: {  	[sflag:s11] =	ssyncset.done @!p0 $0x0  }
0x14: {  	s31 =	sadd.s32 $0x20, s4;
	[sflag:s11] =	ssyncadd.s32 @!p0 $0xFFFFE000;
	s11 =	simm.s32 @!p0 $0x2  }
0x15: {  	[hbm4b:s6+s8] =	stream.linear.scatter @!p0 [tilespmem:s10], [sflag:$0x2], $0x2000, $0x38;
	[tilespmem:$0x2080] =	vst v63  }
0x16: {  	p1 =	sgt.u32 s31, $0xCF;
	s9 =	simm.s32 $0x40;
	_ =	swait.ge @!p0 [sflag:s11], $0x2000  }
0x17: {  	s10 =	sadd.s32 $0x200, s7;
	s8 =	sadd.s32 $0x8000, s6;
	[sflag:s11] =	ssyncset.done @!p0 $0x0  }
.LBB2_2:
0x18: {  	s12 =	simm.s32 @!p1 $0x0;
	s13 =	simm.s32 @!p1 $0x3;
	[sflag:s11] =	ssyncadd.s32 @!p0 $0xFFFFE000  }
0x19: {  	[tilespmem:s12], [sflag:$0x3] =	stream.linear.gather @!p1 [hbm4b:s10+s12], $0x80, $0x38;
	[tilespmem:$0x2080] =	vst v63  }
0x1a: {  	s14 =	smov.u32 s9;
	s9 =	sadd.s32 $0x20, s9;
	_ =	swait.ge @!p1 [sflag:s13], $0x80  }
0x1b: {  	p0 =	por p1, p1;
	p2 =	sne.s32 s9, $0xE0;
	[sflag:s13] =	ssyncset.done @!p1 $0x0  }
0x1c: {  	s11 =	simm.s32 @!p0 $0x1;
	[sflag:s13] =	ssyncadd.s32 @!p0 $0xFFFFFF80;
	s13 =	simm.s32 @!p0 $0x80  }
0x1d: {  	[tilespmem:s13], [sflag:$0x1] =	stream.indirect.gather @!p0 [hbm4b:s3+s13], $0x40, s12, s13, $0xb8;
	[tilespmem:$0x2080] =	vst v63  }
0x1e: {  	_ =	swait.ge @!p0 [sflag:s11], $0x2000  }
.Ltmp0:
0x1f: {  	[sflag:s11] =	ssyncset.done @!p0 $0x0;
	(pc) =	sbr.rel @p2 .LBB2_2-.Ltmp0, $4  }
0x20: {  	[sflag:s11] =	ssyncadd.s32 @!p0 $0xFFFFE000;
	s11 =	simm.s32 @!p0 $0x2  }
0x21: {  	[hbm4b:s8+s12] =	stream.linear.scatter @!p0 [tilespmem:s13], [sflag:$0x2], $0x2000, $0x38;
	[tilespmem:$0x2080] =	vst v63  }
0x22: {  	s10 =	sadd.s32 $0x200, s10;
	s12 =	sadd.s32 s14, s4;
	_ =	swait.ge @!p0 [sflag:s11], $0x2000  }
0x23: {  	s8 =	sadd.s32 $0x8000, s8;
	p1 =	sgt.u32 s12, $0xCF;
	[sflag:s11] =	ssyncset.done @!p0 $0x0  }
0x24: {  	s9 =	simm.s32 @!p1 $0x0;
	s12 =	simm.s32 @!p1 $0x3;
	[sflag:s11] =	ssyncadd.s32 @!p0 $0xFFFFE000  }
0x25: {  	[tilespmem:s9], [sflag:$0x3] =	stream.linear.gather @!p1 [hbm4b:s10+s9], $0x80, $0x38;
	[tilespmem:$0x2080] =	vst v63  }
0x26: {  	_ =	swait.ge @!p1 [sflag:s12], $0x80  }
0x27: {  	p0 =	por p1, p1;
	[sflag:s12] =	ssyncset.done @!p1 $0x0  }
0x28: {  	s10 =	simm.s32 @!p0 $0x80;
	s11 =	simm.s32 @!p0 $0x1;
	[sflag:s12] =	ssyncadd.s32 @!p0 $0xFFFFFF80  }
0x29: {  	[tilespmem:s10], [sflag:$0x1] =	stream.indirect.gather @!p0 [hbm4b:s3+s10], $0x40, s9, s10, $0xb8;
	[tilespmem:$0x2080] =	vst v63  }
0x2a: {  	s1 =	sadd.s32 $0x1, s1;
	_ =	swait.ge @!p0 [sflag:s11], $0x2000  }
0x2b: {  	p1 =	sne.s32 s1, s5;
	[sflag:s11] =	ssyncset.done @!p0 $0x0  }
.Ltmp1:
0x2c: {  	[sflag:s11] =	ssyncadd.s32 @!p0 $0xFFFFE000;
	s11 =	simm.s32 @!p0 $0x2;
	(pc) =	sbr.rel @p1 .LBB2_1-.Ltmp1, $4  }
0x2d: {  	[hbm4b:s8+s9] =	stream.linear.scatter @!p0 [tilespmem:s10], [sflag:$0x2], $0x2000, $0x38;
	[tilespmem:$0x2080] =	vst v63  }
0x2e: {  	_ =	swait.ge @!p0 [sflag:s11], $0x2000  }
0x2f: {  	[sflag:s11] =	ssyncset.done @!p0 $0x0  }
0x30: {  	[sflag:s11] =	ssyncadd.s32 @!p0 $0xFFFFE000  }
0x31: {  	_ =	sfence.sel $0x180000  }
0x32: {  	[bflag:$0x0] =	sbarrier.arrive $0xFFFF  }
0x33: {  	p0 =	sne.s32 s2, $0x0;
	_ =	strace $0x9000004A  }
0x34: {  	s0 =	sadd.s32 @!p0 $0x100000, s0;
	[bflag:$0x2] =	sbarrier.arrive $0xFFFF  }
0x35: {  	[sflag:s0] =	ssyncadd.tile.s32 @!p0 $0x1;
	_ =	shalt  }
.Lfunc_end2:
_tile_overlayer_lowered:
.L_overlay_start_2:
0x36: {  	(tag) =	ssettag $0x2  }
0x37: {  	s0 =	rddreg [dreg:$0x0];
	s2 =	stileid.u32  }
0x38: {  	s1 =	rddreg [dreg:$0x1];
	p0 =	sne.s32 s2, $0x0  }
0x39: {  	s3 =	rddreg [dreg:$0x2];
	[bflag:$0x3] =	sbarrier.arrive $0xFFFF;
	s2 =	simm.s32 @!p0 $0x1C02  }
0x3a: {  	[timem:s3], [sflag:s2] =	dma.local @!p0 [hbm:s0], s1  }
0x3b: {  	s0 =	simm.s32 @!p0 $0x2  }
0x3c: {  	_ =	swait.ge @!p0 [sflag:s0], s1  }
0x3d: {  	s1 =	ssub.s32 @!p0 $0x0, s1;
	[sflag:s0] =	ssyncset.done @!p0 $0x0  }
0x3e: {  	[sflag:s0] =	ssyncadd.s32 @!p0 s1  }
0x3f: {  	[bflag:$0x3] =	sbarrier.arrive $0xFFFF  }
0x40: {  	_ =	shalt  }

// kernel: kernel.8.cloned.1.call-start
scs
__scs_entry_jumppad:
0x0: {  	(pc) =	sbr.rel $0x88, $3  }
0x1: {  	(tag) =	ssettag $0x0;
	lr =	simm.s32 $0x1  }
0x2: {  	[smem:$0x3F8A] =	sst lr;
	_ =	strace $0xD0000000  }
0x3: {  	_ = 	snop  }
0x4: {  	_ = 	snop  }
0x5: {  	_ = 	snop  }
0x6: {  	_ = 	snop  }
0x7: {  	_ = 	snop  }
__scs_overlays_trampoline_lowered:
0x8: {  	[smem:$0x3F99] =	sst s0  }
0x9: {  	[smem:$0x3F9A] =	sst s1  }
0xa: {  	[smem:$0x3F9B] =	sst s2  }
0xb: {  	[smem:$0x3F9C] =	sst s3  }
0xc: {  	[smem:$0x3F9D] =	sst s4  }
0xd: {  	[smem:$0x3F9E] =	sst s5  }
0xe: {  	[smem:$0x3F9F] =	sst s6  }
0xf: {  	[smem:$0x3FA0] =	sst s7  }
0x10: {  	[smem:$0x3FA1] =	sst s8  }
0x11: {  	[smem:$0x3FA2] =	sst s9;
	s0 =	simm.s32 @!p0 $0x0  }
0x12: {  	s1 =	sld [smem:$0x3F88];
	s0 =	simm.s32 @p0 $0x1  }
0x13: {  	[smem:$0x3FA3] =	sst s0;
	s0 =	simm.s32 @!p1 $0x0  }
0x14: {  	s2 =	sld [smem:$0x3F87];
	s0 =	simm.s32 @p1 $0x1  }
0x15: {  	[smem:$0x3FA4] =	sst s0;
	s0 =	simm.s32 @!p2 $0x0  }
0x16: {  	s3 =	sld [smem:$0x3FDB];
	s0 =	simm.s32 @p2 $0x1  }
0x17: {  	s4 =	simm.s32 $0x1BF5;
	[smem:$0x3FA6] =	sst s0  }
0x18: {  	s0 =	sld [smem:$0x3F89];
	_ =	swait.ge [sflag:s4], $0x0  }
0x19: {  	s7 =	sld [smem:$0x3F8A]  }
0x1a: {  	s8 =	sadd.s32 $0xFFFFE003, lr  }
0x1b: {  	s9 =	sadd.s32 $0xFFFFFEF7, lr;
	s5 =	simm.s32 $0xFFFFFFFF;
	p2 =	slt.u32 s8, $0xFFFFF086  }
0x1c: {  	p1 =	slt.u32 s9, $0xF7A;
	s5 =	simm.s32 @!p2 $0x0  }
0x1d: {  	s5 =	simm.s32 @p1 $0x1;
	p0 =	seq.s32 s7, s2  }
0x1e: {  	s7 =	smul.u32 @!p0 $0xF7A, s2;
	p2 =	seq.s32 @!p0 s5, $0x0  }
0x1f: {  	s9 =	smul.u32 $0xF7A, s1;
	s8 =	simm.s32 @!p0 $0x1BF5;
	p2 =	por !p2, p0  }
0x20: {  	[sflag:s8] =	ssyncset.s32 @!p0 $0xFFFFF086;
	s6 =	sadd.s32 @!p0 s3, s7;
	s7 =	simm.s32 @!p0 $0x108  }
0x21: {  	s3 =	sadd.s32 s3, s9;
	s6 =	sadd.s32 @!p0 $0x88, s6;
	s7 =	simm.s32 @p2 $0x1082  }
0x22: {  	[simem:s7], [sflag:s8] =	dma.local @!p0 [hbm:s6], $0xF7A  }
0x23: {  	s9 =	sor.u32 $0xD0000000, s2;
	s6 =	simm.s32 $0x108;
	_ =	swait.ge @!p0 [sflag:s8], $0x0  }
0x24: {  	s3 =	sadd.s32 $0x88, s3;
	s6 =	simm.s32 @!p1 $0x1082;
	[sflag:s4] =	ssyncset.s32 $0xFFFFF086  }
0x25: {  	[simem:s6], [sflag:s4] =	dma.local [hbm:s3], $0xF7A  }
0x26: {  	[smem:$0x3F8A] =	sst s1;
	(tag) =	ssettag s2;
	_ =	strace s9  }
0x27: {  	s1 =	sld [smem:$0x3F9A]  }
0x28: {  	s2 =	sld [smem:$0x3F9B]  }
0x29: {  	s4 =	sld [smem:$0x3F9D]  }
0x2a: {  	p0 =	seq.s32 s5, $0x0;
	s5 =	sld [smem:$0x3F9E]  }
0x2b: {  	s6 =	sld [smem:$0x3F9F]  }
0x2c: {  	s7 =	sld [smem:$0x3FA0]  }
0x2d: {  	s3 =	simm.s32 $0x108;
	s8 =	sld [smem:$0x3FA1]  }
0x2e: {  	s3 =	simm.s32 @!p0 $0x1082;
	s9 =	sld [smem:$0x3FA2]  }
0x2f: {  	lr =	sadd.s32 s0, s3;
	s0 =	sld [smem:$0x3F99]  }
0x30: {  	s3 =	sld [smem:$0x3F9C]  }
0x31: {  	[smem:$0x3FA5] =	sst s10  }
0x32: {  	s10 =	sld [smem:$0x3FA3];
	_ =	sdelay $0x3  }
0x33: {  	p0 =	seq.s32 s10, $0x1;
	s10 =	sld [smem:$0x3FA5];
	_ =	sdelay $0x3  }
0x34: {  	[smem:$0x3FA5] =	sst s10  }
0x35: {  	s10 =	sld [smem:$0x3FA4];
	_ =	sdelay $0x3  }
0x36: {  	p1 =	seq.s32 s10, $0x1;
	s10 =	sld [smem:$0x3FA5];
	_ =	sdelay $0x3  }
0x37: {  	[smem:$0x3FA5] =	sst s10  }
0x38: {  	s10 =	sld [smem:$0x3FA6]  }
0x39: {  	_ = 	snop;
	(pc) =	sbr.ind lr, $3  }
0x3a: {  	_ = 	snop  }
0x3b: {  	_ = 	snop  }
0x3c: {  	p2 =	seq.s32 s10, $0x1;
	s10 =	sld [smem:$0x3FA5]  }
0x3d: {  	_ =	shalt  }
0x3e: {  	_ =	shalt  }
0x3f: {  	_ =	shalt  }
0x40: {  	_ =	shalt  }
0x41: {  	_ =	shalt  }
0x42: {  	_ =	shalt  }
0x43: {  	_ =	shalt  }
0x44: {  	_ =	shalt  }
0x45: {  	_ =	shalt  }
0x46: {  	_ =	shalt  }
0x47: {  	_ =	shalt  }
0x48: {  	_ =	shalt  }
0x49: {  	_ =	shalt  }
0x4a: {  	_ =	shalt  }
0x4b: {  	_ =	shalt  }
0x4c: {  	_ =	shalt  }
0x4d: {  	_ =	shalt  }
0x4e: {  	_ =	shalt  }
0x4f: {  	_ =	shalt  }
0x50: {  	_ =	shalt  }
0x51: {  	_ =	shalt  }
0x52: {  	_ =	shalt  }
0x53: {  	_ =	shalt  }
0x54: {  	_ =	shalt  }
0x55: {  	_ =	shalt  }
0x56: {  	_ =	shalt  }
0x57: {  	_ =	shalt  }
0x58: {  	_ =	shalt  }
0x59: {  	_ =	shalt  }
0x5a: {  	_ =	shalt  }
0x5b: {  	_ =	shalt  }
0x5c: {  	_ =	shalt  }
0x5d: {  	_ =	shalt  }
0x5e: {  	_ =	shalt  }
0x5f: {  	_ =	shalt  }
0x60: {  	_ =	shalt  }
0x61: {  	_ =	shalt  }
0x62: {  	_ =	shalt  }
0x63: {  	_ =	shalt  }
0x64: {  	_ =	shalt  }
0x65: {  	_ =	shalt  }
0x66: {  	_ =	shalt  }
0x67: {  	_ =	shalt  }
0x68: {  	_ =	shalt  }
0x69: {  	_ =	shalt  }
0x6a: {  	_ =	shalt  }
0x6b: {  	_ =	shalt  }
0x6c: {  	_ =	shalt  }
0x6d: {  	_ =	shalt  }
0x6e: {  	_ =	shalt  }
0x6f: {  	_ =	shalt  }
0x70: {  	_ =	shalt  }
0x71: {  	_ =	shalt  }
0x72: {  	_ =	shalt  }
0x73: {  	_ =	shalt  }
0x74: {  	_ =	shalt  }
0x75: {  	_ =	shalt  }
0x76: {  	_ =	shalt  }
0x77: {  	_ =	shalt  }
0x78: {  	_ =	shalt  }
0x79: {  	_ =	shalt  }
0x7a: {  	_ =	shalt  }
0x7b: {  	_ =	shalt  }
0x7c: {  	_ =	shalt  }
0x7d: {  	_ =	shalt  }
0x7e: {  	_ =	shalt  }
0x7f: {  	_ =	shalt  }
0x80: {  	_ =	shalt  }
0x81: {  	_ =	shalt  }
0x82: {  	_ =	shalt  }
0x83: {  	_ =	shalt  }
0x84: {  	_ =	shalt  }
0x85: {  	_ =	shalt  }
0x86: {  	_ =	shalt  }
0x87: {  	_ =	shalt  }
.Lfunc_end0:
.L_simem_size_0:
called_computation_lowered:
.L_overlay_start_0:
0x88: {  	s2 =	sld [smem:$0x3FD9]  }
0x89: {  	s3 =	sld [smem:$0x3FFE];
	_ =	sdelay $0x1  }
0x8a: {  	s1 =	srdreg.scid  }
0x8b: {  	s0 =	sand.u32 $0x1, s1  }
0x8c: {  	s16 =	sshll.u32 s0, $0xA;
	s2 =	sadd.s32 s3, s2  }
0x8d: {  	s2 =	sadd.s32 s2, s16  }
0x8e: {  	[smem:$0x3FB1] =	sst s2  }
0x8f: {  	_ = 	snop  }
0x90: {  	(tm) =	ssettm $0x1  }
0x91: {  	s17 =	sld [smem:$0x3FFB];
	_ =	sdelay $0x3  }
0x92: {  	_ =	strace s17  }
0x93: {  	s2 =	sld [smem:$0x3FFC];
	_ =	sdelay $0x3  }
0x94: {  	_ =	strace s2  }
0x95: {  	s2 =	sld [smem:$0x3FFD];
	_ =	sdelay $0x3  }
0x96: {  	_ =	strace s2  }
0x97: {  	_ =	strace $0x8FFFFFFF  }
0x98: {  	s18 =	sld [smem:$0x3FDB];
	_ =	sdelay $0x1  }
0x99: {  	s19 =	simm.s32 $_scs_section_size  }
0x9a: {  	s4 =	simm.s32 $_size__tile_overlayer_lowered;
	s5 =	simm.s32 $_tile_overlayer_lowered  }
0x9b: {  	s22 =	simm.s32 $0x1BFF;
	s21 =	sshll.u32 s5, $0x1;
	s2 =	sadd.s32 s19, s18  }
0x9c: {  	s6 =	simm.s32 $0x0;
	s20 =	sshll.u32 s4, $0x1;
	s4 =	sadd.s32 s21, s2  }
0x9d: {  	[timem:s6], [sflag:s22] =	dma.local [hbm:s4], s20  }
0x9e: {  	_ =	swait.ge [sflag:s22], s20  }
0x9f: {  	s3 =	ssub.s32 $0x0, s20;
	[sflag:s22] =	ssyncset.done $0x0  }
0xa0: {  	[sflag:s22] =	ssyncadd.s32 s3;
	_ =	sdelay $0x1  }
0xa1: {  	s23 =	simm.s32 $0x1B8B  }
0xa2: {  	_ =	swait.ge [sflag:s23], $0x1  }
0xa3: {  	[sflag:s23] =	ssyncset.done $0x0  }
0xa4: {  	s25 =	simm.s32 $0x1B8E;
	s24 =	sld [smem:$0x3FFE];
	[sflag:s23] =	ssyncadd.s32 $0xFFFFFFFF  }
0xa5: {  	s26 =	simm.s32 $execute0_lowered;
	[smem:$0x3FD2] =	sst s25  }
0xa6: {  	s4 =	sshll.u32 s26, $0x1;
	_ =	strace $0x80000046;
	[dreg:$0x1] =	wrdreg $0xFFFFFFFF  }
0xa7: {  	s28 =	simm.s32 $_size_execute0_lowered;
	s2 =	sadd.s32 s2, s4;
	[dreg:$0x0] =	wrdreg $0x0  }
0xa8: {  	s4 =	sshll.u32 s28, $0x1;
	[dreg:$0x2] =	wrdreg s2  }
0xa9: {  	[dreg:$0x3] =	wrdreg s4  }
0xaa: {  	[dreg:$0x4] =	wrdreg $0xC0  }
0xab: {  	_ =	task [dreg:s6], $0x5FFFF  }
0xac: {  	[dreg:$0x1] =	wrdreg $0xFFFFFFFF  }
0xad: {  	[dreg:$0x0] =	wrdreg $0x60  }
0xae: {  	[dreg:$0x2] =	wrdreg s24  }
0xaf: {  	[dreg:$0x3] =	wrdreg $0x9  }
0xb0: {  	_ =	task.clear_ibuf [dreg:s6], $0x4FFFF;
	_ =	strace $0x90000046  }
0xb1: {  	s29 =	simm.s32 $0x9;
	_ =	strace $0x80000048  }
0xb2: {  	_ =	swait.ge [sflag:s29], $0x1  }
0xb3: {  	[sflag:s29] =	ssyncadd.s32 $0xFFFFFFFF  }
0xb4: {  	_ =	strace $0x90000048  }
0xb5: {  	_ =	sfence  }
0xb6: {  	s30 =	sld [smem:$0x0];
	_ =	sdelay $0x2  }
0xb7: {  	s31 =	sshll.u32 s1, $0xD;
	s1 =	sshrl.u32 s1, $0x2  }
0xb8: {  	s3 =	sand.u32 $0x4000, s31;
	s1 =	sadd.s32 s1, s30  }
0xb9: {  	s0 =	sor.u32 s3, s0;
	s1 =	sshll.u32 s1, $0x11  }
0xba: {  	s0 =	sor.u32 s1, s0  }
0xbb: {  	s0 =	sadd.s32 $0x8F2B, s0  }
0xbc: {  	[sflag:s0] =	ssyncadd.remote.s32 $0x1  }
0xbd: {  	_ =	sfence.sel $0xFFFF  }
0xbe: {  	[dreg:$0x0] =	wrdreg $0xFFFFFFFF;
	(pc) =	sbr.abs _section_cstart, $3  }
0xbf: {  	[dreg:$0x1] =	wrdreg $0xFFFFFFFF  }
0xc0: {  	_ =	task.clear_ibuf [dreg:s6], $0x2FFFF;
	_ =	strace $0x9FFFFFFF  }
0xc1: {  	(tm) =	ssettm $0x7FFFFFFF  }
tec
execute0_lowered:
.L_overlay_start_1:
0x0: {  	(tag) =	ssettag $0x1  }
0x1: {  	s4 =	rddreg [dreg:$0x0]  }
0x2: {  	s0 =	rddreg [dreg:$0x1]  }
0x3: {  	s2 =	simm.s32 $0x0;
	s1 =	stileid.u32;
	s5 =	srdreg.scid  }
0x4: {  	[smem:$0x7FF] =	sst s2;
	s3 =	sadd.s32 $0x2C00, s4;
	s6 =	sshll.u32 s1, $0x5  }
0x5: {  	s7 =	sshll.u32 s1, $0xB;
	s8 =	sand.u32 $0x1, s5;
	s11 =	sshll.u32 s1, $0xE  }
0x6: {  	_ =	strace $0x80000047;
	s9 =	sadd.s32 s6, s4;
	s30 =	sadd.s32 s7, s4  }
0x7: {  	s5 =	ssub.s32 $0x2, s8;
	s4 =	sadd.s32 $0x130C00, s4;
	s10 =	sshll.u32 s8, $0xA  }
0x8: {  	s12 =	sshll.u32 s8, $0xD;
	s8 =	sshll.u32 s8, $0x4;
	s31 =	sshrl.u32 s5, $0x1  }
0x9: {  	s10 =	sadd.s32 s10, s30;
	s11 =	sor.u32 s12, s11;
	s9 =	sadd.s32 s8, s9  }
0xa: {  	s7 =	ssub.s32 s5, s31;
	s5 =	sshll.u32 s1, $0x1;
	s8 =	sadd.s32 $0xFFCE0000, s11  }
0xb: {  	s9 =	sadd.s32 $0xCAC00, s9;
	s6 =	smax.u32 s7, $0x1;
	s7 =	sadd.s32 $0xCCC00, s10  }
.LBB2_1:
0xc: {  	s11 =	sadd.s32 $0x0, s5  }
0xd: {  	p0 =	sgt.u32 s11, $0x1E7  }
0xe: {  	s12 =	simm.s32 @!p0 $0x0;
	s10 =	simm.s32 @!p0 $0x3  }
0xf: {  	[tilespmem:s12], [sflag:$0x3] =	stream.linear.gather @!p0 [hbm4b:s9+s12], $0x80, $0x38;
	[tilespmem:$0x2080] =	vst v63  }
0x10: {  	s15 =	smov.u32 s7;
	_ =	swait.ge @!p0 [sflag:s10], $0x80  }
0x11: {  	s14 =	simm.s32 @!p0 $0x80;
	s13 =	simm.s32 @!p0 $0x1;
	[sflag:s10] =	ssyncset.done @!p0 $0x0  }
0x12: {  	p1 =	slt.u32 @!p0 s11, $0x190;
	s11 =	sshrl.u32 @!p0 s8, $0x3;
	[sflag:s10] =	ssyncadd.s32 @!p0 $0xFFFFFF80  }
0x13: {  	[tilespmem:s14], [sflag:$0x1] =	stream.indirect.gather @!p0 [hbm4b:s3+s14], $0x40, s12, s14, $0xb8;
	[tilespmem:$0x2080] =	vst v63  }
0x14: {  	p1 =	por !p1, p0;
	s11 =	sadd.s32 @!p0 s4, s11;
	_ =	swait.ge @!p0 [sflag:s13], $0x2000  }
0x15: {  	s15 =	smov.u32 @p1 s11;
	[sflag:s13] =	ssyncset.done @!p0 $0x0  }
0x16: {  	s11 =	sadd.s32 $0x8000, s7;
	s10 =	simm.s32 @p1 $0x2;
	[sflag:s13] =	ssyncadd.s32 @!p0 $0xFFFFE000  }
0x17: {  	[hbm4b:s15+s12] =	stream.linear.scatter @!p0 [tilespmem:s14], [sflag:s10], $0x2000, $0x38;
	[tilespmem:$0x2080] =	vst v63  }
0x18: {  	s13 =	simm.s32 $0x40;
	s12 =	sadd.s32 $0x40000, s8;
	_ =	swait.ge @!p0 [sflag:s10], $0x2000  }
0x19: {  	s14 =	sadd.s32 $0x200, s9;
	s15 =	sadd.s32 $0x20, s5;
	[sflag:s10] =	ssyncset.done @!p0 $0x0  }
.LBB2_2:
0x1a: {  	[sflag:s10] =	ssyncadd.s32 @!p0 $0xFFFFE000  }
0x1b: {  	p0 =	sgt.u32 s15, $0x1E7;
	s16 =	smov.u32 s13;
	s13 =	sadd.s32 $0x20, s13  }
0x1c: {  	s17 =	simm.s32 @!p0 $0x0;
	s10 =	simm.s32 @!p0 $0x3;
	p1 =	slt.u32 @!p0 s15, $0x190  }
0x1d: {  	[tilespmem:s17], [sflag:$0x3] =	stream.linear.gather @!p0 [hbm4b:s14+s17], $0x80, $0x38;
	[tilespmem:$0x2080] =	vst v63  }
0x1e: {  	s15 =	sshrl.u32 @!p0 s12, $0x3;
	p2 =	por !p1, p0;
	_ =	swait.ge @!p0 [sflag:s10], $0x80  }
0x1f: {  	p1 =	sne.s32 s13, $0x200;
	s15 =	sadd.s32 @!p0 s4, s15;
	[sflag:s10] =	ssyncset.done @!p0 $0x0  }
0x20: {  	s18 =	simm.s32 @!p0 $0x80;
	s19 =	simm.s32 @!p0 $0x1;
	[sflag:s10] =	ssyncadd.s32 @!p0 $0xFFFFFF80  }
0x21: {  	[tilespmem:s18], [sflag:$0x1] =	stream.indirect.gather @!p0 [hbm4b:s3+s18], $0x40, s17, s18, $0xb8;
	[tilespmem:$0x2080] =	vst v63  }
0x22: {  	_ =	swait.ge @!p0 [sflag:s19], $0x2000  }
0x23: {  	[sflag:s19] =	ssyncset.done @!p0 $0x0  }
.Ltmp0:
0x24: {  	[sflag:s19] =	ssyncadd.s32 @!p0 $0xFFFFE000;
	s19 =	smov.u32 s11;
	(pc) =	sbr.rel @p1 .LBB2_2-.Ltmp0, $4  }
0x25: {  	s10 =	simm.s32 @p2 $0x2;
	s19 =	smov.u32 @p2 s15  }
0x26: {  	[hbm4b:s19+s17] =	stream.linear.scatter @!p0 [tilespmem:s18], [sflag:s10], $0x2000, $0x38;
	[tilespmem:$0x2080] =	vst v63  }
0x27: {  	s12 =	sadd.s32 $0x40000, s12;
	s14 =	sadd.s32 $0x200, s14;
	_ =	swait.ge @!p0 [sflag:s10], $0x2000  }
0x28: {  	s11 =	sadd.s32 $0x8000, s11;
	s15 =	sadd.s32 s16, s5;
	[sflag:s10] =	ssyncset.done @!p0 $0x0  }
0x29: {  	p1 =	sgt.u32 s15, $0x1E7  }
0x2a: {  	[sflag:s10] =	ssyncadd.s32 @!p0 $0xFFFFE000;
	s10 =	simm.s32 @!p1 $0x0;
	s13 =	simm.s32 @!p1 $0x3  }
0x2b: {  	[tilespmem:s10], [sflag:$0x3] =	stream.linear.gather @!p1 [hbm4b:s14+s10], $0x80, $0x38;
	[tilespmem:$0x2080] =	vst v63  }
0x2c: {  	s16 =	simm.s32 @!p1 $0x1;
	p0 =	slt.u32 @!p1 s15, $0x190;
	_ =	swait.ge @!p1 [sflag:s13], $0x80  }
0x2d: {  	s12 =	sshrl.u32 @!p1 s12, $0x3;
	s14 =	simm.s32 @!p1 $0x80;
	[sflag:s13] =	ssyncset.done @!p1 $0x0  }
0x2e: {  	p0 =	por !p0, p1;
	s12 =	sadd.s32 @!p1 s4, s12;
	[sflag:s13] =	ssyncadd.s32 @!p1 $0xFFFFFF80  }
0x2f: {  	[tilespmem:s14], [sflag:$0x1] =	stream.indirect.gather @!p1 [hbm4b:s3+s14], $0x40, s10, s14, $0xb8;
	[tilespmem:$0x2080] =	vst v63  }
0x30: {  	s2 =	sadd.s32 $0x1, s2;
	s11 =	smov.u32 @p0 s12;
	_ =	swait.ge @!p1 [sflag:s16], $0x2000  }
0x31: {  	s13 =	simm.s32 @p0 $0x2;
	p0 =	sne.s32 s2, s6;
	[sflag:s16] =	ssyncset.done @!p1 $0x0  }
.Ltmp1:
0x32: {  	[sflag:s16] =	ssyncadd.s32 @!p1 $0xFFFFE000;
	(pc) =	sbr.rel @p0 .LBB2_1-.Ltmp1, $4  }
0x33: {  	[hbm4b:s11+s10] =	stream.linear.scatter @!p1 [tilespmem:s14], [sflag:s13], $0x2000, $0x38;
	[tilespmem:$0x2080] =	vst v63  }
0x34: {  	_ =	swait.ge @!p1 [sflag:s13], $0x2000  }
0x35: {  	[sflag:s13] =	ssyncset.done @!p1 $0x0  }
0x36: {  	[sflag:s13] =	ssyncadd.s32 @!p1 $0xFFFFE000  }
0x37: {  	_ =	sfence.sel $0x180000  }
0x38: {  	[bflag:$0x0] =	sbarrier.arrive $0xFFFF  }
0x39: {  	p0 =	sne.s32 s1, $0x0;
	_ =	strace $0x90000047  }
0x3a: {  	s0 =	sadd.s32 @!p0 $0x100000, s0;
	[bflag:$0x2] =	sbarrier.arrive $0xFFFF  }
0x3b: {  	[sflag:s0] =	ssyncadd.tile.s32 @!p0 $0x1;
	_ =	shalt  }
.Lfunc_end2:
_tile_overlayer_lowered:
.L_overlay_start_2:
0x3c: {  	(tag) =	ssettag $0x2  }
0x3d: {  	s0 =	rddreg [dreg:$0x0];
	s2 =	stileid.u32  }
0x3e: {  	s1 =	rddreg [dreg:$0x1];
	p0 =	sne.s32 s2, $0x0  }
0x3f: {  	s3 =	rddreg [dreg:$0x2];
	[bflag:$0x3] =	sbarrier.arrive $0xFFFF;
	s2 =	simm.s32 @!p0 $0x1C02  }
0x40: {  	[timem:s3], [sflag:s2] =	dma.local @!p0 [hbm:s0], s1  }
0x41: {  	s0 =	simm.s32 @!p0 $0x2  }
0x42: {  	_ =	swait.ge @!p0 [sflag:s0], s1  }
0x43: {  	s1 =	ssub.s32 @!p0 $0x0, s1;
	[sflag:s0] =	ssyncset.done @!p0 $0x0  }
0x44: {  	[sflag:s0] =	ssyncadd.s32 @!p0 s1  }
0x45: {  	[bflag:$0x3] =	sbarrier.arrive $0xFFFF  }
0x46: {  	_ =	shalt  }

</sc_bundles>
